<compile_context>
chip_gen: v7x
topology: tpu7x:2x2x1
jax: 0.10.2.dev20260603
libtpu: 0.0.44.dev20260713+nightly
codegen_flags: <defaults>
</compile_context>

<pallas_src>
import functools

import jax
import jax.numpy as jnp
from jax import lax
from jax.experimental import pallas as pl
from jax.experimental.pallas import tpu as pltpu
from jax.experimental.pallas import tpu_sc as plsc

KNN = 16
RB = 400
CK = 2048
NBATCH = 8
_BIG = 2 ** 30


def _knn_body(win_ref, brow_ref, bcol_ref, xblk_ref, xfull_ref, nbr_ref,
              d_s, sq_s, *, n, npad, din):
    i = pl.program_id(0)
    nck = npad // CK

    @pl.when(i == 0)
    def _():
        ones_row = jnp.ones((8, din), jnp.float32)

        def sqbody(c, _):
            xc = xfull_ref[pl.ds(c * CK, CK), :]
            sq = lax.dot_general(ones_row, xc * xc, (((1,), (1,)), ((), ())),
                                 precision=lax.Precision.HIGHEST,
                                 preferred_element_type=jnp.float32)
            sq_s[:, pl.ds(c * CK, CK)] = sq
            return 0

        lax.fori_loop(0, nck, sqbody, 0)

    lo_c = win_ref[i, 0]
    hi_c = win_ref[i, 1]
    r0 = i * RB

    xb = xblk_ref[...]
    sqr = jnp.sum(xb * xb, axis=1, keepdims=True)
    xbb = xb.astype(jnp.bfloat16)
    brow = brow_ref[...]

    def dbody(c, _):
        xc = xfull_ref[pl.ds(c * CK, CK), :]
        dot = lax.dot_general(xbb, xc.astype(jnp.bfloat16),
                              (((1,), (1,)), ((), ())),
                              preferred_element_type=jnp.float32)
        d = sqr - 2.0 * dot + sq_s[0:1, pl.ds(c * CK, CK)]
        bc = bcol_ref[0:1, pl.ds(c * CK, CK)]
        gidx = lax.broadcasted_iota(jnp.int32, (RB, CK), 1) + c * CK
        ridx = lax.broadcasted_iota(jnp.int32, (RB, CK), 0) + r0
        bad = jnp.logical_or(bc != brow, gidx == ridx)
        d_s[:, pl.ds(c * CK, CK)] = jnp.where(bad, jnp.inf, d)
        return 0

    lax.fori_loop(lo_c, hi_c, dbody, 0)

    def lexlt(av, ai, bv, bi):
        return jnp.logical_or(av < bv, jnp.logical_and(av == bv, ai < bi))

    def cmin(a, b):
        lt = lexlt(a[0], a[1], b[0], b[1])
        return (jnp.where(lt, a[0], b[0]), jnp.where(lt, a[1], b[1]))

    def cex(a, b):
        lt = lexlt(a[0], a[1], b[0], b[1])
        return ((jnp.where(lt, a[0], b[0]), jnp.where(lt, a[1], b[1])),
                (jnp.where(lt, b[0], a[0]), jnp.where(lt, b[1], a[1])))

    last_v = jnp.full((RB, 1), -jnp.inf, jnp.float32)
    last_i = jnp.full((RB, 1), -1, jnp.int32)
    cols = []
    for _t in range(KNN // 4):
        def ebody(c, carry, lv=last_v, li=last_i):
            run = [carry[2 * e:2 * e + 2] for e in range(4)]
            d = d_s[:, pl.ds(c * CK, CK)]
            gidx = lax.broadcasted_iota(jnp.int32, (RB, CK), 1) + c * CK
            elig = jnp.logical_or(
                d > lv, jnp.logical_and(d == lv, gidx > li))
            dd = jnp.where(elig, d, jnp.inf)
            top = []
            for _e in range(4):
                cv = jnp.min(dd, axis=1, keepdims=True)
                ci = jnp.min(jnp.where(dd == cv, gidx, _BIG), axis=1,
                             keepdims=True)
                top.append((cv, ci))
                if _e < 3:
                    dd = jnp.where(gidx == ci, jnp.inf, dd)
            lo = [cmin(run[e], top[3 - e]) for e in range(4)]
            l0, l2 = cex(lo[0], lo[2])
            l1, l3 = cex(lo[1], lo[3])
            l0, l1 = cex(l0, l1)
            l2, l3 = cex(l2, l3)
            return (l0[0], l0[1], l1[0], l1[1],
                    l2[0], l2[1], l3[0], l3[1])

        inff = jnp.full((RB, 1), jnp.inf, jnp.float32)
        bigi = jnp.full((RB, 1), _BIG, jnp.int32)
        out = lax.fori_loop(
            lo_c, hi_c, ebody, (inff, bigi) * 4)
        for e in range(4):
            cols.append(jnp.minimum(out[2 * e + 1], npad - 1))
        last_v, last_i = out[6], out[7]

    nbr_ref[...] = jnp.concatenate(cols, axis=1)


def _knn_topk(x, xpad, brow, bcol, win, n, npad, din):
    nblk = n // RB
    return pl.pallas_call(
        functools.partial(_knn_body, n=n, npad=npad, din=din),
        grid=(nblk,),
        in_specs=[
            pl.BlockSpec(memory_space=pltpu.SMEM),
            pl.BlockSpec((RB, 1), lambda i: (i, 0)),
            pl.BlockSpec((1, npad), lambda i: (0, 0)),
            pl.BlockSpec((RB, din), lambda i: (i, 0)),
            pl.BlockSpec((npad, din), lambda i: (0, 0)),
        ],
        out_specs=pl.BlockSpec((RB, KNN), lambda i: (i, 0)),
        out_shape=jax.ShapeDtypeStruct((n, KNN), jnp.int32),
        scratch_shapes=[
            pltpu.VMEM((RB, npad), jnp.float32),
            pltpu.VMEM((8, npad), jnp.float32),
        ],
    )(win, brow, bcol, x, xpad)


def _make_scatter_max(n, npad, din, qc):
    info = plsc.get_sparse_core_info()
    ncores = info.num_cores
    nsub = info.num_subcores
    nworkers = ncores * nsub
    cpt = din // nworkers
    nqc = n // qc

    mesh = plsc.VectorSubcoreMesh(core_axis_name="c", subcore_axis_name="s")

    scratch = [pltpu.VMEM((qc * KNN,), jnp.int32)]
    scratch += [pltpu.VMEM((n,), jnp.float32) for _ in range(cpt)]
    scratch += [pltpu.VMEM((npad,), jnp.float32) for _ in range(cpt)]

    @functools.partial(
        pl.kernel, mesh=mesh,
        out_type=jax.ShapeDtypeStruct((din, npad), jnp.float32),
        scratch_types=scratch,
        compiler_params=pltpu.CompilerParams(needs_layout_passes=False),
    )
    def sc_scatter(nbr_hbm, xt_hbm, out_hbm, nbr_v, *bufs):
        xv = bufs[:cpt]
        acc = bufs[cpt:]
        wid = lax.axis_index("s") * ncores + lax.axis_index("c")
        c0 = wid * cpt

        for r in range(cpt):
            pltpu.sync_copy(xt_hbm.at[c0 + r], xv[r])

        neg = jnp.full((16,), -jnp.inf, jnp.float32)

        def initbody(j, _):
            for r in range(cpt):
                acc[r][pl.ds(j * 16, 16)] = neg
            return 0

        lax.fori_loop(0, npad // 16, initbody, 0)

        def chunkbody(ch, _):
            pltpu.sync_copy(nbr_hbm.at[pl.ds(ch * qc * KNN, qc * KNN)],
                            nbr_v)

            def gbody(g, _):
                qb = g * 16
                xq = [xv[r][pl.ds(ch * qc + qb, 16)] for r in range(cpt)]
                for j in range(16):
                    idx = nbr_v[pl.ds((qb + j) * KNN, KNN)]
                    for r in range(cpt):
                        vals = jnp.full((16,), xq[r][j], jnp.float32)
                        cur = plsc.load_gather(acc[r], [idx])
                        plsc.store_scatter(acc[r], [idx],
                                           jnp.maximum(cur, vals))
                return 0

            lax.fori_loop(0, qc // 16, gbody, 0)
            return 0

        lax.fori_loop(0, nqc, chunkbody, 0)

        for r in range(cpt):
            pltpu.sync_copy(acc[r], out_hbm.at[c0 + r])

    return sc_scatter


def _lin_bn_body(pt_ref, w_ref, b_ref, g_ref, be_ref, y_ref, *, n, npad):
    nck = npad // CK
    w = w_ref[...]

    def p1(c, s):
        p = pt_ref[:, pl.ds(c * CK, CK)]
        p = jnp.where(p == -jnp.inf, 0.0, p)
        y = lax.dot_general(p, w, (((0,), (1,)), ((), ())),
                            preferred_element_type=jnp.float32)
        y = y + b_ref[...]
        y_ref[pl.ds(c * CK, CK), :] = y
        gidx = lax.broadcasted_iota(jnp.int32, (CK, 1), 0) + c * CK
        return s + jnp.sum(jnp.where(gidx < n, y, 0.0), axis=0,
                           keepdims=True)

    s = lax.fori_loop(0, nck, p1, jnp.zeros((1, 128), jnp.float32))
    mean = s * (1.0 / n)

    def p2(c, v):
        y = y_ref[pl.ds(c * CK, CK), :]
        dev = y - mean
        gidx = lax.broadcasted_iota(jnp.int32, (CK, 1), 0) + c * CK
        return v + jnp.sum(jnp.where(gidx < n, dev * dev, 0.0), axis=0,
                           keepdims=True)

    var = lax.fori_loop(0, nck, p2, jnp.zeros((1, 128), jnp.float32))
    var = var * (1.0 / n)
    scale = g_ref[...] * lax.rsqrt(var + 1e-5)
    shift = be_ref[...] - mean * scale

    def p3(c, _):
        y = y_ref[pl.ds(c * CK, CK), :]
        y_ref[pl.ds(c * CK, CK), :] = jnp.maximum(y * scale + shift, 0.0)
        return 0

    lax.fori_loop(0, nck, p3, 0)


def _lin_bn_relu(pool_t, w, b, gamma, beta, n, npad):
    return pl.pallas_call(
        functools.partial(_lin_bn_body, n=n, npad=npad),
        out_shape=jax.ShapeDtypeStruct((npad, 128), jnp.float32),
    )(pool_t, w, b, gamma, beta)


def kernel(x, batch, W, b, gamma, beta):
    n, din = x.shape
    batch = batch.astype(jnp.int32)
    npad = ((n + CK - 1) // CK) * CK
    nblk = n // RB

    bounds = jnp.searchsorted(batch, jnp.arange(NBATCH + 1, dtype=jnp.int32))
    r0s = jnp.arange(nblk, dtype=jnp.int32) * RB
    lo = bounds[batch[r0s]]
    hi = bounds[batch[r0s + RB - 1] + 1]
    win = jnp.stack([lo // CK, (hi + CK - 1) // CK], axis=1).astype(jnp.int32)

    xpad = jnp.pad(x, ((0, npad - n), (0, 0)))
    bcol = jnp.pad(batch, (0, npad - n), constant_values=-1).reshape(1, npad)
    brow = batch.reshape(n, 1)

    nbr = _knn_topk(x, xpad, brow, bcol, win, n, npad, din)

    xt = x.T
    pool_t = _make_scatter_max(n, npad, din, qc=2000)(nbr.reshape(-1), xt)

    y = _lin_bn_relu(pool_t, W, b.reshape(1, -1), gamma.reshape(1, -1),
                     beta.reshape(1, -1), n, npad)
    return y[:n]

# --- scband reference (transcript-rebuilt; emitter-appended) ---
"""Pipeline reference for scband-graph-layer-1769526526731 (READ-ONLY COPY).

The authoritative reference and input builder live on the scoring server;
editing this copy changes nothing except your own understanding.
"""

import jax, jax.numpy as jnp
import numpy as np

K = 16
N_NODES = 10000
D_IN = 128
D_OUT = 128
CHUNK = 2000


def knn_edges(x, batch, k):
    # Faithful to torch_cluster.knn_graph(x, k, batch, loop=False, flow='source_to_target'):
    # for each query node, find k nearest neighbors within the same batch (excluding self).
    # Returned row = neighbor (source), col = query (target).
    N = x.shape[0]
    sq = jnp.sum(x * x, axis=1)
    nbr_chunks = []
    for s in range(0, N, CHUNK):
        xr = x[s:s + CHUNK]
        nr = xr.shape[0]
        d = sq[s:s + nr][:, None] - 2.0 * (xr @ x.T) + sq[None, :]
        mask = batch[s:s + nr][:, None] != batch[None, :]
        d = jnp.where(mask, jnp.inf, d)
        # exclude self-loops
        d = d.at[jnp.arange(nr), jnp.arange(s, s + nr)].set(jnp.inf)
        _, idx = jax.lax.top_k(-d, k)
        nbr_chunks.append(idx)
    nbr = jnp.concatenate(nbr_chunks, axis=0)  # [N, k] neighbor index per query
    query = jnp.repeat(jnp.arange(N), k)
    neighbor = nbr.reshape(-1)
    row = neighbor  # source
    col = query     # target
    return row, col


def setup_inputs(seed: int = 0) -> dict:
    key = jax.random.key(seed)
    k1, k2, k3, k4 = jax.random.split(key, 4)
    x = jax.random.normal(k1, (N_NODES, D_IN), dtype=jnp.float32)
    batch = jnp.sort(jax.random.randint(k2, (N_NODES,), 0, 8, dtype=jnp.int64))
    W = jax.random.normal(k3, (D_OUT, D_IN), dtype=jnp.float32) * (1.0 / np.sqrt(D_IN))
    b = jax.random.normal(k4, (D_OUT,), dtype=jnp.float32) * 0.01
    gamma = jnp.ones((D_OUT,), dtype=jnp.float32)
    beta = jnp.zeros((D_OUT,), dtype=jnp.float32)
    return {"x": x, "batch": batch, "W": W, "b": b, "gamma": gamma, "beta": beta}


def reference(x, batch, W, b, gamma, beta):
    N = x.shape[0]
    row, col = knn_edges(x, batch, K)
    # scatter(x[col], row, reduce='max')
    gathered = jnp.take(x, col, axis=0)
    out = jax.ops.segment_max(gathered, row, num_segments=N)
    out = jnp.where(jnp.isneginf(out), 0.0, out)  # empty segments -> 0 (torch_scatter semantics)
    # Linear
    out = out @ W.T + b
    # BatchNorm1d (training mode, batch statistics, biased variance, eps=1e-5)
    mean = jnp.mean(out, axis=0)
    var = jnp.var(out, axis=0)
    out = (out - mean) / jnp.sqrt(var + 1e-5) * gamma + beta
    # ReLU
    out = jnp.maximum(out, 0.0)
    return out

if __name__ == "__main__":
    import jax
    _d = setup_inputs()
    print(jax.jit(kernel)(*tuple(_d.values())))

</pallas_src>

<mosaic_0001>
#map = affine_map<(d0, d1) -> (0)>
#map1 = affine_map<(d0, d1) -> (0, 0)>
module attributes {stable_mosaic.version = 14 : i64} {
  func.func @sc_scatter(%arg0: i32, %arg1: i32, %arg2: memref<160000xi32, #tpu.memory_space<hbm>>, %arg3: memref<128x10000xf32, #tpu.memory_space<hbm>>, %arg4: memref<128x10240xf32, #tpu.memory_space<hbm>>, %arg5: memref<32000xi32, #tpu.memory_space<vmem>>, %arg6: memref<10000xf32, #tpu.memory_space<vmem>>, %arg7: memref<10000xf32, #tpu.memory_space<vmem>>, %arg8: memref<10000xf32, #tpu.memory_space<vmem>>, %arg9: memref<10000xf32, #tpu.memory_space<vmem>>, %arg10: memref<10240xf32, #tpu.memory_space<vmem>>, %arg11: memref<10240xf32, #tpu.memory_space<vmem>>, %arg12: memref<10240xf32, #tpu.memory_space<vmem>>, %arg13: memref<10240xf32, #tpu.memory_space<vmem>>) attributes {dimension_semantics = [#tpu.dimension_semantics<core_parallel>, #tpu.dimension_semantics<subcore_parallel>], iteration_bounds = array<i64: 2, 16>, scalar_prefetch = 0 : i64, scratch_operands = 9 : i64, tpu.core_type = #tpu.core_type<sc_vector_subcore>, window_params = [{transform_indices = #map}, {transform_indices = #map1}, {transform_indices = #map1}]} {
    %mul3A = arith.constant 2 : i32
    %mul3A_0 = arith.muli %arg1, %mul3A : i32
    %add3A = arith.addi %mul3A_0, %arg0 : i32
    %mul3A_1 = arith.constant 4 : i32
    %mul3A_2 = arith.muli %add3A, %mul3A_1 : i32
    %add3A_3 = arith.constant 0 : i32
    %add3A_4 = arith.addi %mul3A_2, %add3A_3 : i32
    "tpu.region"() ({
      %run_scoped3A = tpu.sem_alloc : memref<!tpu.dma_semaphore, #tpu.memory_space<semaphore_mem>>
      %dma_start3A = arith.constant 0 : i32
      %dma_start3A_33 = tpu.memref_slice %arg3[%add3A_4, %dma_start3A] : memref<128x10000xf32, #tpu.memory_space<hbm>> -> memref<1x10000xf32, #tpu.memory_space<hbm>>
      %dma_start3A_34 = tpu.memref_squeeze %dma_start3A_33 : memref<1x10000xf32, #tpu.memory_space<hbm>> -> memref<10000xf32, #tpu.memory_space<hbm>>
      %dma_start3A_35 = arith.constant 0 : i32
      %dma_start3A_36 = tpu.memref_slice %arg3[%add3A_4, %dma_start3A_35] : memref<128x10000xf32, #tpu.memory_space<hbm>> -> memref<1x10000xf32, #tpu.memory_space<hbm>>
      %dma_start3A_37 = tpu.memref_squeeze %dma_start3A_36 : memref<1x10000xf32, #tpu.memory_space<hbm>> -> memref<10000xf32, #tpu.memory_space<hbm>>
      tpu.enqueue_dma source(%dma_start3A_37 : memref<10000xf32, #tpu.memory_space<hbm>>) target(%arg6 : memref<10000xf32, #tpu.memory_space<vmem>>) target_semaphore(%run_scoped3A : memref<!tpu.dma_semaphore, #tpu.memory_space<semaphore_mem>>)
      %dma_wait3A = arith.constant 0 : i32
      %dma_wait3A_38 = tpu.memref_slice %arg3[%add3A_4, %dma_wait3A] : memref<128x10000xf32, #tpu.memory_space<hbm>> -> memref<1x10000xf32, #tpu.memory_space<hbm>>
      %dma_wait3A_39 = tpu.memref_squeeze %dma_wait3A_38 : memref<1x10000xf32, #tpu.memory_space<hbm>> -> memref<10000xf32, #tpu.memory_space<hbm>>
      %dma_wait3A_40 = arith.constant 0 : i32
      %dma_wait3A_41 = tpu.memref_slice %arg3[%add3A_4, %dma_wait3A_40] : memref<128x10000xf32, #tpu.memory_space<hbm>> -> memref<1x10000xf32, #tpu.memory_space<hbm>>
      %dma_wait3A_42 = tpu.memref_squeeze %dma_wait3A_41 : memref<1x10000xf32, #tpu.memory_space<hbm>> -> memref<10000xf32, #tpu.memory_space<hbm>>
      tpu.wait_dma2 semaphore(%run_scoped3A : memref<!tpu.dma_semaphore, #tpu.memory_space<semaphore_mem>>) src(%dma_wait3A_42 : memref<10000xf32, #tpu.memory_space<hbm>>) dst(%arg6 : memref<10000xf32, #tpu.memory_space<vmem>>)
      tpu.yield
    }) : () -> ()
    %add3A_5 = arith.constant 1 : i32
    %add3A_6 = arith.addi %mul3A_2, %add3A_5 : i32
    "tpu.region"() ({
      %run_scoped3A = tpu.sem_alloc : memref<!tpu.dma_semaphore, #tpu.memory_space<semaphore_mem>>
      %dma_start3A = arith.constant 0 : i32
      %dma_start3A_33 = tpu.memref_slice %arg3[%add3A_6, %dma_start3A] : memref<128x10000xf32, #tpu.memory_space<hbm>> -> memref<1x10000xf32, #tpu.memory_space<hbm>>
      %dma_start3A_34 = tpu.memref_squeeze %dma_start3A_33 : memref<1x10000xf32, #tpu.memory_space<hbm>> -> memref<10000xf32, #tpu.memory_space<hbm>>
      %dma_start3A_35 = arith.constant 0 : i32
      %dma_start3A_36 = tpu.memref_slice %arg3[%add3A_6, %dma_start3A_35] : memref<128x10000xf32, #tpu.memory_space<hbm>> -> memref<1x10000xf32, #tpu.memory_space<hbm>>
      %dma_start3A_37 = tpu.memref_squeeze %dma_start3A_36 : memref<1x10000xf32, #tpu.memory_space<hbm>> -> memref<10000xf32, #tpu.memory_space<hbm>>
      tpu.enqueue_dma source(%dma_start3A_37 : memref<10000xf32, #tpu.memory_space<hbm>>) target(%arg7 : memref<10000xf32, #tpu.memory_space<vmem>>) target_semaphore(%run_scoped3A : memref<!tpu.dma_semaphore, #tpu.memory_space<semaphore_mem>>)
      %dma_wait3A = arith.constant 0 : i32
      %dma_wait3A_38 = tpu.memref_slice %arg3[%add3A_6, %dma_wait3A] : memref<128x10000xf32, #tpu.memory_space<hbm>> -> memref<1x10000xf32, #tpu.memory_space<hbm>>
      %dma_wait3A_39 = tpu.memref_squeeze %dma_wait3A_38 : memref<1x10000xf32, #tpu.memory_space<hbm>> -> memref<10000xf32, #tpu.memory_space<hbm>>
      %dma_wait3A_40 = arith.constant 0 : i32
      %dma_wait3A_41 = tpu.memref_slice %arg3[%add3A_6, %dma_wait3A_40] : memref<128x10000xf32, #tpu.memory_space<hbm>> -> memref<1x10000xf32, #tpu.memory_space<hbm>>
      %dma_wait3A_42 = tpu.memref_squeeze %dma_wait3A_41 : memref<1x10000xf32, #tpu.memory_space<hbm>> -> memref<10000xf32, #tpu.memory_space<hbm>>
      tpu.wait_dma2 semaphore(%run_scoped3A : memref<!tpu.dma_semaphore, #tpu.memory_space<semaphore_mem>>) src(%dma_wait3A_42 : memref<10000xf32, #tpu.memory_space<hbm>>) dst(%arg7 : memref<10000xf32, #tpu.memory_space<vmem>>)
      tpu.yield
    }) : () -> ()
    %add3A_7 = arith.constant 2 : i32
    %add3A_8 = arith.addi %mul3A_2, %add3A_7 : i32
    "tpu.region"() ({
      %run_scoped3A = tpu.sem_alloc : memref<!tpu.dma_semaphore, #tpu.memory_space<semaphore_mem>>
      %dma_start3A = arith.constant 0 : i32
      %dma_start3A_33 = tpu.memref_slice %arg3[%add3A_8, %dma_start3A] : memref<128x10000xf32, #tpu.memory_space<hbm>> -> memref<1x10000xf32, #tpu.memory_space<hbm>>
      %dma_start3A_34 = tpu.memref_squeeze %dma_start3A_33 : memref<1x10000xf32, #tpu.memory_space<hbm>> -> memref<10000xf32, #tpu.memory_space<hbm>>
      %dma_start3A_35 = arith.constant 0 : i32
      %dma_start3A_36 = tpu.memref_slice %arg3[%add3A_8, %dma_start3A_35] : memref<128x10000xf32, #tpu.memory_space<hbm>> -> memref<1x10000xf32, #tpu.memory_space<hbm>>
      %dma_start3A_37 = tpu.memref_squeeze %dma_start3A_36 : memref<1x10000xf32, #tpu.memory_space<hbm>> -> memref<10000xf32, #tpu.memory_space<hbm>>
      tpu.enqueue_dma source(%dma_start3A_37 : memref<10000xf32, #tpu.memory_space<hbm>>) target(%arg8 : memref<10000xf32, #tpu.memory_space<vmem>>) target_semaphore(%run_scoped3A : memref<!tpu.dma_semaphore, #tpu.memory_space<semaphore_mem>>)
      %dma_wait3A = arith.constant 0 : i32
      %dma_wait3A_38 = tpu.memref_slice %arg3[%add3A_8, %dma_wait3A] : memref<128x10000xf32, #tpu.memory_space<hbm>> -> memref<1x10000xf32, #tpu.memory_space<hbm>>
      %dma_wait3A_39 = tpu.memref_squeeze %dma_wait3A_38 : memref<1x10000xf32, #tpu.memory_space<hbm>> -> memref<10000xf32, #tpu.memory_space<hbm>>
      %dma_wait3A_40 = arith.constant 0 : i32
      %dma_wait3A_41 = tpu.memref_slice %arg3[%add3A_8, %dma_wait3A_40] : memref<128x10000xf32, #tpu.memory_space<hbm>> -> memref<1x10000xf32, #tpu.memory_space<hbm>>
      %dma_wait3A_42 = tpu.memref_squeeze %dma_wait3A_41 : memref<1x10000xf32, #tpu.memory_space<hbm>> -> memref<10000xf32, #tpu.memory_space<hbm>>
      tpu.wait_dma2 semaphore(%run_scoped3A : memref<!tpu.dma_semaphore, #tpu.memory_space<semaphore_mem>>) src(%dma_wait3A_42 : memref<10000xf32, #tpu.memory_space<hbm>>) dst(%arg8 : memref<10000xf32, #tpu.memory_space<vmem>>)
      tpu.yield
    }) : () -> ()
    %add3A_9 = arith.constant 3 : i32
    %add3A_10 = arith.addi %mul3A_2, %add3A_9 : i32
    "tpu.region"() ({
      %run_scoped3A = tpu.sem_alloc : memref<!tpu.dma_semaphore, #tpu.memory_space<semaphore_mem>>
      %dma_start3A = arith.constant 0 : i32
      %dma_start3A_33 = tpu.memref_slice %arg3[%add3A_10, %dma_start3A] : memref<128x10000xf32, #tpu.memory_space<hbm>> -> memref<1x10000xf32, #tpu.memory_space<hbm>>
      %dma_start3A_34 = tpu.memref_squeeze %dma_start3A_33 : memref<1x10000xf32, #tpu.memory_space<hbm>> -> memref<10000xf32, #tpu.memory_space<hbm>>
      %dma_start3A_35 = arith.constant 0 : i32
      %dma_start3A_36 = tpu.memref_slice %arg3[%add3A_10, %dma_start3A_35] : memref<128x10000xf32, #tpu.memory_space<hbm>> -> memref<1x10000xf32, #tpu.memory_space<hbm>>
      %dma_start3A_37 = tpu.memref_squeeze %dma_start3A_36 : memref<1x10000xf32, #tpu.memory_space<hbm>> -> memref<10000xf32, #tpu.memory_space<hbm>>
      tpu.enqueue_dma source(%dma_start3A_37 : memref<10000xf32, #tpu.memory_space<hbm>>) target(%arg9 : memref<10000xf32, #tpu.memory_space<vmem>>) target_semaphore(%run_scoped3A : memref<!tpu.dma_semaphore, #tpu.memory_space<semaphore_mem>>)
      %dma_wait3A = arith.constant 0 : i32
      %dma_wait3A_38 = tpu.memref_slice %arg3[%add3A_10, %dma_wait3A] : memref<128x10000xf32, #tpu.memory_space<hbm>> -> memref<1x10000xf32, #tpu.memory_space<hbm>>
      %dma_wait3A_39 = tpu.memref_squeeze %dma_wait3A_38 : memref<1x10000xf32, #tpu.memory_space<hbm>> -> memref<10000xf32, #tpu.memory_space<hbm>>
      %dma_wait3A_40 = arith.constant 0 : i32
      %dma_wait3A_41 = tpu.memref_slice %arg3[%add3A_10, %dma_wait3A_40] : memref<128x10000xf32, #tpu.memory_space<hbm>> -> memref<1x10000xf32, #tpu.memory_space<hbm>>
      %dma_wait3A_42 = tpu.memref_squeeze %dma_wait3A_41 : memref<1x10000xf32, #tpu.memory_space<hbm>> -> memref<10000xf32, #tpu.memory_space<hbm>>
      tpu.wait_dma2 semaphore(%run_scoped3A : memref<!tpu.dma_semaphore, #tpu.memory_space<semaphore_mem>>) src(%dma_wait3A_42 : memref<10000xf32, #tpu.memory_space<hbm>>) dst(%arg9 : memref<10000xf32, #tpu.memory_space<vmem>>)
      tpu.yield
    }) : () -> ()
    %broadcast_in_dim3A = arith.constant 0xFF800000 : f32
    %broadcast_in_dim3A_11 = vector.broadcast %broadcast_in_dim3A : f32 to vector<16xf32>
    %scan3A = arith.constant 0 : i32
    %scan3A_12 = arith.constant 0 : i32
    %scan3A_13 = arith.constant 640 : i32
    %scan3A_14 = arith.addi %scan3A_12, %scan3A_13 : i32
    %scan3A_15 = arith.constant 1 : i32
    %scan3A_16 = scf.for %scan3A_33 = %scan3A_12 to %scan3A_14 step %scan3A_15 iter_args(%scan3A_34 = %scan3A) -> (i32)  : i32 {
      %mul3A_35 = arith.constant 16 : i32
      %mul3A_36 = arith.muli %scan3A_33, %mul3A_35 : i32
      %swap3A = arith.index_cast %mul3A_36 : i32 to index
      %swap3A_37 = tpu.vector_load %arg10[%swap3A] {strides = array<i32>} : memref<10240xf32, #tpu.memory_space<vmem>>, vector<16xf32>,
      tpu.vector_store %arg10[%swap3A], %broadcast_in_dim3A_11 {strides = array<i32>} : memref<10240xf32, #tpu.memory_space<vmem>>, vector<16xf32>,
      %mul3A_38 = arith.constant 16 : i32
      %mul3A_39 = arith.muli %scan3A_33, %mul3A_38 : i32
      %swap3A_40 = arith.index_cast %mul3A_39 : i32 to index
      %swap3A_41 = tpu.vector_load %arg11[%swap3A_40] {strides = array<i32>} : memref<10240xf32, #tpu.memory_space<vmem>>, vector<16xf32>,
      tpu.vector_store %arg11[%swap3A_40], %broadcast_in_dim3A_11 {strides = array<i32>} : memref<10240xf32, #tpu.memory_space<vmem>>, vector<16xf32>,
      %mul3A_42 = arith.constant 16 : i32
      %mul3A_43 = arith.muli %scan3A_33, %mul3A_42 : i32
      %swap3A_44 = arith.index_cast %mul3A_43 : i32 to index
      %swap3A_45 = tpu.vector_load %arg12[%swap3A_44] {strides = array<i32>} : memref<10240xf32, #tpu.memory_space<vmem>>, vector<16xf32>,
      tpu.vector_store %arg12[%swap3A_44], %broadcast_in_dim3A_11 {strides = array<i32>} : memref<10240xf32, #tpu.memory_space<vmem>>, vector<16xf32>,
      %mul3A_46 = arith.constant 16 : i32
      %mul3A_47 = arith.muli %scan3A_33, %mul3A_46 : i32
      %swap3A_48 = arith.index_cast %mul3A_47 : i32 to index
      %swap3A_49 = tpu.vector_load %arg13[%swap3A_48] {strides = array<i32>} : memref<10240xf32, #tpu.memory_space<vmem>>, vector<16xf32>,
      tpu.vector_store %arg13[%swap3A_48], %broadcast_in_dim3A_11 {strides = array<i32>} : memref<10240xf32, #tpu.memory_space<vmem>>, vector<16xf32>,
      %scan3A_50 = arith.constant 0 : i32
      scf.yield %scan3A_50 : i32
    }
    %scan3A_17 = arith.constant 640 : i32
    %scan3A_18 = arith.constant 0 : i32
    %scan3A_19 = arith.constant 0 : i32
    %scan3A_20 = arith.constant 5 : i32
    %scan3A_21 = arith.addi %scan3A_19, %scan3A_20 : i32
    %scan3A_22 = arith.constant 1 : i32
    %scan3A_23 = scf.for %scan3A_33 = %scan3A_19 to %scan3A_21 step %scan3A_22 iter_args(%scan3A_34 = %scan3A_18) -> (i32)  : i32 {
      %mul3A_35 = arith.constant 2000 : i32
      %mul3A_36 = arith.muli %scan3A_33, %mul3A_35 : i32
      %mul3A_37 = arith.constant 16 : i32
      %mul3A_38 = arith.muli %mul3A_36, %mul3A_37 : i32
      "tpu.region"() ({
        %run_scoped3A = tpu.sem_alloc : memref<!tpu.dma_semaphore, #tpu.memory_space<semaphore_mem>>
        %dma_start3A = tpu.memref_slice %arg2[%mul3A_38] : memref<160000xi32, #tpu.memory_space<hbm>> -> memref<32000xi32, #tpu.memory_space<hbm>>
        %dma_start3A_47 = tpu.memref_slice %arg2[%mul3A_38] : memref<160000xi32, #tpu.memory_space<hbm>> -> memref<32000xi32, #tpu.memory_space<hbm>>
        tpu.enqueue_dma source(%dma_start3A_47 : memref<32000xi32, #tpu.memory_space<hbm>>) target(%arg5 : memref<32000xi32, #tpu.memory_space<vmem>>) target_semaphore(%run_scoped3A : memref<!tpu.dma_semaphore, #tpu.memory_space<semaphore_mem>>)
        %dma_wait3A = tpu.memref_slice %arg2[%mul3A_38] : memref<160000xi32, #tpu.memory_space<hbm>> -> memref<32000xi32, #tpu.memory_space<hbm>>
        %dma_wait3A_48 = tpu.memref_slice %arg2[%mul3A_38] : memref<160000xi32, #tpu.memory_space<hbm>> -> memref<32000xi32, #tpu.memory_space<hbm>>
        tpu.wait_dma2 semaphore(%run_scoped3A : memref<!tpu.dma_semaphore, #tpu.memory_space<semaphore_mem>>) src(%dma_wait3A_48 : memref<32000xi32, #tpu.memory_space<hbm>>) dst(%arg5 : memref<32000xi32, #tpu.memory_space<vmem>>)
        tpu.yield
      }) : () -> ()
      %scan3A_39 = arith.constant 0 : i32
      %scan3A_40 = arith.constant 0 : i32
      %scan3A_41 = arith.constant 125 : i32
      %scan3A_42 = arith.addi %scan3A_40, %scan3A_41 : i32
      %scan3A_43 = arith.constant 1 : i32
      %scan3A_44 = scf.for %scan3A_47 = %scan3A_40 to %scan3A_42 step %scan3A_43 iter_args(%scan3A_48 = %scan3A_39) -> (i32)  : i32 {
        %mul3A_49 = arith.constant 16 : i32
        %mul3A_50 = arith.muli %scan3A_47, %mul3A_49 : i32
        %mul3A_51 = arith.constant 2000 : i32
        %mul3A_52 = arith.muli %scan3A_33, %mul3A_51 : i32
        %add3A_53 = arith.addi %mul3A_52, %mul3A_50 : i32
        %get3A = arith.index_cast %add3A_53 : i32 to index
        %get3A_54 = tpu.vector_load %arg6[%get3A] {strides = array<i32>} : memref<10000xf32, #tpu.memory_space<vmem>>, vector<16xf32>,
        %mul3A_55 = arith.constant 2000 : i32
        %mul3A_56 = arith.muli %scan3A_33, %mul3A_55 : i32
        %add3A_57 = arith.addi %mul3A_56, %mul3A_50 : i32
        %get3A_58 = arith.index_cast %add3A_57 : i32 to index
        %get3A_59 = tpu.vector_load %arg7[%get3A_58] {strides = array<i32>} : memref<10000xf32, #tpu.memory_space<vmem>>, vector<16xf32>,
        %mul3A_60 = arith.constant 2000 : i32
        %mul3A_61 = arith.muli %scan3A_33, %mul3A_60 : i32
        %add3A_62 = arith.addi %mul3A_61, %mul3A_50 : i32
        %get3A_63 = arith.index_cast %add3A_62 : i32 to index
        %get3A_64 = tpu.vector_load %arg8[%get3A_63] {strides = array<i32>} : memref<10000xf32, #tpu.memory_space<vmem>>, vector<16xf32>,
        %mul3A_65 = arith.constant 2000 : i32
        %mul3A_66 = arith.muli %scan3A_33, %mul3A_65 : i32
        %add3A_67 = arith.addi %mul3A_66, %mul3A_50 : i32
        %get3A_68 = arith.index_cast %add3A_67 : i32 to index
        %get3A_69 = tpu.vector_load %arg9[%get3A_68] {strides = array<i32>} : memref<10000xf32, #tpu.memory_space<vmem>>, vector<16xf32>,
        %add3A_70 = arith.constant 0 : i32
        %add3A_71 = arith.addi %mul3A_50, %add3A_70 : i32
        %mul3A_72 = arith.constant 16 : i32
        %mul3A_73 = arith.muli %add3A_71, %mul3A_72 : i32
        %get3A_74 = arith.index_cast %mul3A_73 : i32 to index
        %get3A_75 = tpu.vector_load %arg5[%get3A_74] {strides = array<i32>} : memref<32000xi32, #tpu.memory_space<vmem>>, vector<16xi32>,
        %slice3A = vector.extract_strided_slice %get3A_54 {offsets = [0], sizes = [1], strides = [1]} : vector<16xf32> to vector<1xf32>
        %squeeze3A = vector.extract %slice3A[0] : f32 from vector<1xf32>
        %broadcast_in_dim3A_76 = vector.broadcast %squeeze3A : f32 to vector<16xf32>
        %gather3A = tpu.vector_load_idx %arg10[%get3A_75] : memref<10240xf32, #tpu.memory_space<vmem>>[vector<16xi32>], vector<16xf32>,
        %max3A = arith.maximumf %gather3A, %broadcast_in_dim3A_76 : vector<16xf32>
        tpu.vector_store_idx %arg10[%get3A_75], %max3A : memref<10240xf32, #tpu.memory_space<vmem>>[vector<16xi32>], vector<16xf32>,
        %slice3A_77 = vector.extract_strided_slice %get3A_59 {offsets = [0], sizes = [1], strides = [1]} : vector<16xf32> to vector<1xf32>
        %squeeze3A_78 = vector.extract %slice3A_77[0] : f32 from vector<1xf32>
        %broadcast_in_dim3A_79 = vector.broadcast %squeeze3A_78 : f32 to vector<16xf32>
        %gather3A_80 = tpu.vector_load_idx %arg11[%get3A_75] : memref<10240xf32, #tpu.memory_space<vmem>>[vector<16xi32>], vector<16xf32>,
        %max3A_81 = arith.maximumf %gather3A_80, %broadcast_in_dim3A_79 : vector<16xf32>
        tpu.vector_store_idx %arg11[%get3A_75], %max3A_81 : memref<10240xf32, #tpu.memory_space<vmem>>[vector<16xi32>], vector<16xf32>,
        %slice3A_82 = vector.extract_strided_slice %get3A_64 {offsets = [0], sizes = [1], strides = [1]} : vector<16xf32> to vector<1xf32>
        %squeeze3A_83 = vector.extract %slice3A_82[0] : f32 from vector<1xf32>
        %broadcast_in_dim3A_84 = vector.broadcast %squeeze3A_83 : f32 to vector<16xf32>
        %gather3A_85 = tpu.vector_load_idx %arg12[%get3A_75] : memref<10240xf32, #tpu.memory_space<vmem>>[vector<16xi32>], vector<16xf32>,
        %max3A_86 = arith.maximumf %gather3A_85, %broadcast_in_dim3A_84 : vector<16xf32>
        tpu.vector_store_idx %arg12[%get3A_75], %max3A_86 : memref<10240xf32, #tpu.memory_space<vmem>>[vector<16xi32>], vector<16xf32>,
        %slice3A_87 = vector.extract_strided_slice %get3A_69 {offsets = [0], sizes = [1], strides = [1]} : vector<16xf32> to vector<1xf32>
        %squeeze3A_88 = vector.extract %slice3A_87[0] : f32 from vector<1xf32>
        %broadcast_in_dim3A_89 = vector.broadcast %squeeze3A_88 : f32 to vector<16xf32>
        %gather3A_90 = tpu.vector_load_idx %arg13[%get3A_75] : memref<10240xf32, #tpu.memory_space<vmem>>[vector<16xi32>], vector<16xf32>,
        %max3A_91 = arith.maximumf %gather3A_90, %broadcast_in_dim3A_89 : vector<16xf32>
        tpu.vector_store_idx %arg13[%get3A_75], %max3A_91 : memref<10240xf32, #tpu.memory_space<vmem>>[vector<16xi32>], vector<16xf32>,
        %add3A_92 = arith.constant 1 : i32
        %add3A_93 = arith.addi %mul3A_50, %add3A_92 : i32
        %mul3A_94 = arith.constant 16 : i32
        %mul3A_95 = arith.muli %add3A_93, %mul3A_94 : i32
        %get3A_96 = arith.index_cast %mul3A_95 : i32 to index
        %get3A_97 = tpu.vector_load %arg5[%get3A_96] {strides = array<i32>} : memref<32000xi32, #tpu.memory_space<vmem>>, vector<16xi32>,
        %slice3A_98 = vector.extract_strided_slice %get3A_54 {offsets = [1], sizes = [1], strides = [1]} : vector<16xf32> to vector<1xf32>
        %squeeze3A_99 = vector.extract %slice3A_98[0] : f32 from vector<1xf32>
        %broadcast_in_dim3A_100 = vector.broadcast %squeeze3A_99 : f32 to vector<16xf32>
        %gather3A_101 = tpu.vector_load_idx %arg10[%get3A_97] : memref<10240xf32, #tpu.memory_space<vmem>>[vector<16xi32>], vector<16xf32>,
        %max3A_102 = arith.maximumf %gather3A_101, %broadcast_in_dim3A_100 : vector<16xf32>
        tpu.vector_store_idx %arg10[%get3A_97], %max3A_102 : memref<10240xf32, #tpu.memory_space<vmem>>[vector<16xi32>], vector<16xf32>,
        %slice3A_103 = vector.extract_strided_slice %get3A_59 {offsets = [1], sizes = [1], strides = [1]} : vector<16xf32> to vector<1xf32>
        %squeeze3A_104 = vector.extract %slice3A_103[0] : f32 from vector<1xf32>
        %broadcast_in_dim3A_105 = vector.broadcast %squeeze3A_104 : f32 to vector<16xf32>
        %gather3A_106 = tpu.vector_load_idx %arg11[%get3A_97] : memref<10240xf32, #tpu.memory_space<vmem>>[vector<16xi32>], vector<16xf32>,
        %max3A_107 = arith.maximumf %gather3A_106, %broadcast_in_dim3A_105 : vector<16xf32>
        tpu.vector_store_idx %arg11[%get3A_97], %max3A_107 : memref<10240xf32, #tpu.memory_space<vmem>>[vector<16xi32>], vector<16xf32>,
        %slice3A_108 = vector.extract_strided_slice %get3A_64 {offsets = [1], sizes = [1], strides = [1]} : vector<16xf32> to vector<1xf32>
        %squeeze3A_109 = vector.extract %slice3A_108[0] : f32 from vector<1xf32>
        %broadcast_in_dim3A_110 = vector.broadcast %squeeze3A_109 : f32 to vector<16xf32>
        %gather3A_111 = tpu.vector_load_idx %arg12[%get3A_97] : memref<10240xf32, #tpu.memory_space<vmem>>[vector<16xi32>], vector<16xf32>,
        %max3A_112 = arith.maximumf %gather3A_111, %broadcast_in_dim3A_110 : vector<16xf32>
        tpu.vector_store_idx %arg12[%get3A_97], %max3A_112 : memref<10240xf32, #tpu.memory_space<vmem>>[vector<16xi32>], vector<16xf32>,
        %slice3A_113 = vector.extract_strided_slice %get3A_69 {offsets = [1], sizes = [1], strides = [1]} : vector<16xf32> to vector<1xf32>
        %squeeze3A_114 = vector.extract %slice3A_113[0] : f32 from vector<1xf32>
        %broadcast_in_dim3A_115 = vector.broadcast %squeeze3A_114 : f32 to vector<16xf32>
        %gather3A_116 = tpu.vector_load_idx %arg13[%get3A_97] : memref<10240xf32, #tpu.memory_space<vmem>>[vector<16xi32>], vector<16xf32>,
        %max3A_117 = arith.maximumf %gather3A_116, %broadcast_in_dim3A_115 : vector<16xf32>
        tpu.vector_store_idx %arg13[%get3A_97], %max3A_117 : memref<10240xf32, #tpu.memory_space<vmem>>[vector<16xi32>], vector<16xf32>,
        %add3A_118 = arith.constant 2 : i32
        %add3A_119 = arith.addi %mul3A_50, %add3A_118 : i32
        %mul3A_120 = arith.constant 16 : i32
        %mul3A_121 = arith.muli %add3A_119, %mul3A_120 : i32
        %get3A_122 = arith.index_cast %mul3A_121 : i32 to index
        %get3A_123 = tpu.vector_load %arg5[%get3A_122] {strides = array<i32>} : memref<32000xi32, #tpu.memory_space<vmem>>, vector<16xi32>,
        %slice3A_124 = vector.extract_strided_slice %get3A_54 {offsets = [2], sizes = [1], strides = [1]} : vector<16xf32> to vector<1xf32>
        %squeeze3A_125 = vector.extract %slice3A_124[0] : f32 from vector<1xf32>
        %broadcast_in_dim3A_126 = vector.broadcast %squeeze3A_125 : f32 to vector<16xf32>
        %gather3A_127 = tpu.vector_load_idx %arg10[%get3A_123] : memref<10240xf32, #tpu.memory_space<vmem>>[vector<16xi32>], vector<16xf32>,
        %max3A_128 = arith.maximumf %gather3A_127, %broadcast_in_dim3A_126 : vector<16xf32>
        tpu.vector_store_idx %arg10[%get3A_123], %max3A_128 : memref<10240xf32, #tpu.memory_space<vmem>>[vector<16xi32>], vector<16xf32>,
        %slice3A_129 = vector.extract_strided_slice %get3A_59 {offsets = [2], sizes = [1], strides = [1]} : vector<16xf32> to vector<1xf32>
        %squeeze3A_130 = vector.extract %slice3A_129[0] : f32 from vector<1xf32>
        %broadcast_in_dim3A_131 = vector.broadcast %squeeze3A_130 : f32 to vector<16xf32>
        %gather3A_132 = tpu.vector_load_idx %arg11[%get3A_123] : memref<10240xf32, #tpu.memory_space<vmem>>[vector<16xi32>], vector<16xf32>,
        %max3A_133 = arith.maximumf %gather3A_132, %broadcast_in_dim3A_131 : vector<16xf32>
        tpu.vector_store_idx %arg11[%get3A_123], %max3A_133 : memref<10240xf32, #tpu.memory_space<vmem>>[vector<16xi32>], vector<16xf32>,
        %slice3A_134 = vector.extract_strided_slice %get3A_64 {offsets = [2], sizes = [1], strides = [1]} : vector<16xf32> to vector<1xf32>
        %squeeze3A_135 = vector.extract %slice3A_134[0] : f32 from vector<1xf32>
        %broadcast_in_dim3A_136 = vector.broadcast %squeeze3A_135 : f32 to vector<16xf32>
        %gather3A_137 = tpu.vector_load_idx %arg12[%get3A_123] : memref<10240xf32, #tpu.memory_space<vmem>>[vector<16xi32>], vector<16xf32>,
        %max3A_138 = arith.maximumf %gather3A_137, %broadcast_in_dim3A_136 : vector<16xf32>
        tpu.vector_store_idx %arg12[%get3A_123], %max3A_138 : memref<10240xf32, #tpu.memory_space<vmem>>[vector<16xi32>], vector<16xf32>,
        %slice3A_139 = vector.extract_strided_slice %get3A_69 {offsets = [2], sizes = [1], strides = [1]} : vector<16xf32> to vector<1xf32>
        %squeeze3A_140 = vector.extract %slice3A_139[0] : f32 from vector<1xf32>
        %broadcast_in_dim3A_141 = vector.broadcast %squeeze3A_140 : f32 to vector<16xf32>
        %gather3A_142 = tpu.vector_load_idx %arg13[%get3A_123] : memref<10240xf32, #tpu.memory_space<vmem>>[vector<16xi32>], vector<16xf32>,
        %max3A_143 = arith.maximumf %gather3A_142, %broadcast_in_dim3A_141 : vector<16xf32>
        tpu.vector_store_idx %arg13[%get3A_123], %max3A_143 : memref<10240xf32, #tpu.memory_space<vmem>>[vector<16xi32>], vector<16xf32>,
        %add3A_144 = arith.constant 3 : i32
        %add3A_145 = arith.addi %mul3A_50, %add3A_144 : i32
        %mul3A_146 = arith.constant 16 : i32
        %mul3A_147 = arith.muli %add3A_145, %mul3A_146 : i32
        %get3A_148 = arith.index_cast %mul3A_147 : i32 to index
        %get3A_149 = tpu.vector_load %arg5[%get3A_148] {strides = array<i32>} : memref<32000xi32, #tpu.memory_space<vmem>>, vector<16xi32>,
        %slice3A_150 = vector.extract_strided_slice %get3A_54 {offsets = [3], sizes = [1], strides = [1]} : vector<16xf32> to vector<1xf32>
        %squeeze3A_151 = vector.extract %slice3A_150[0] : f32 from vector<1xf32>
        %broadcast_in_dim3A_152 = vector.broadcast %squeeze3A_151 : f32 to vector<16xf32>
        %gather3A_153 = tpu.vector_load_idx %arg10[%get3A_149] : memref<10240xf32, #tpu.memory_space<vmem>>[vector<16xi32>], vector<16xf32>,
        %max3A_154 = arith.maximumf %gather3A_153, %broadcast_in_dim3A_152 : vector<16xf32>
        tpu.vector_store_idx %arg10[%get3A_149], %max3A_154 : memref<10240xf32, #tpu.memory_space<vmem>>[vector<16xi32>], vector<16xf32>,
        %slice3A_155 = vector.extract_strided_slice %get3A_59 {offsets = [3], sizes = [1], strides = [1]} : vector<16xf32> to vector<1xf32>
        %squeeze3A_156 = vector.extract %slice3A_155[0] : f32 from vector<1xf32>
        %broadcast_in_dim3A_157 = vector.broadcast %squeeze3A_156 : f32 to vector<16xf32>
        %gather3A_158 = tpu.vector_load_idx %arg11[%get3A_149] : memref<10240xf32, #tpu.memory_space<vmem>>[vector<16xi32>], vector<16xf32>,
        %max3A_159 = arith.maximumf %gather3A_158, %broadcast_in_dim3A_157 : vector<16xf32>
        tpu.vector_store_idx %arg11[%get3A_149], %max3A_159 : memref<10240xf32, #tpu.memory_space<vmem>>[vector<16xi32>], vector<16xf32>,
        %slice3A_160 = vector.extract_strided_slice %get3A_64 {offsets = [3], sizes = [1], strides = [1]} : vector<16xf32> to vector<1xf32>
        %squeeze3A_161 = vector.extract %slice3A_160[0] : f32 from vector<1xf32>
        %broadcast_in_dim3A_162 = vector.broadcast %squeeze3A_161 : f32 to vector<16xf32>
        %gather3A_163 = tpu.vector_load_idx %arg12[%get3A_149] : memref<10240xf32, #tpu.memory_space<vmem>>[vector<16xi32>], vector<16xf32>,
        %max3A_164 = arith.maximumf %gather3A_163, %broadcast_in_dim3A_162 : vector<16xf32>
        tpu.vector_store_idx %arg12[%get3A_149], %max3A_164 : memref<10240xf32, #tpu.memory_space<vmem>>[vector<16xi32>], vector<16xf32>,
        %slice3A_165 = vector.extract_strided_slice %get3A_69 {offsets = [3], sizes = [1], strides = [1]} : vector<16xf32> to vector<1xf32>
        %squeeze3A_166 = vector.extract %slice3A_165[0] : f32 from vector<1xf32>
        %broadcast_in_dim3A_167 = vector.broadcast %squeeze3A_166 : f32 to vector<16xf32>
        %gather3A_168 = tpu.vector_load_idx %arg13[%get3A_149] : memref<10240xf32, #tpu.memory_space<vmem>>[vector<16xi32>], vector<16xf32>,
        %max3A_169 = arith.maximumf %gather3A_168, %broadcast_in_dim3A_167 : vector<16xf32>
        tpu.vector_store_idx %arg13[%get3A_149], %max3A_169 : memref<10240xf32, #tpu.memory_space<vmem>>[vector<16xi32>], vector<16xf32>,
        %add3A_170 = arith.constant 4 : i32
        %add3A_171 = arith.addi %mul3A_50, %add3A_170 : i32
        %mul3A_172 = arith.constant 16 : i32
        %mul3A_173 = arith.muli %add3A_171, %mul3A_172 : i32
        %get3A_174 = arith.index_cast %mul3A_173 : i32 to index
        %get3A_175 = tpu.vector_load %arg5[%get3A_174] {strides = array<i32>} : memref<32000xi32, #tpu.memory_space<vmem>>, vector<16xi32>,
        %slice3A_176 = vector.extract_strided_slice %get3A_54 {offsets = [4], sizes = [1], strides = [1]} : vector<16xf32> to vector<1xf32>
        %squeeze3A_177 = vector.extract %slice3A_176[0] : f32 from vector<1xf32>
        %broadcast_in_dim3A_178 = vector.broadcast %squeeze3A_177 : f32 to vector<16xf32>
        %gather3A_179 = tpu.vector_load_idx %arg10[%get3A_175] : memref<10240xf32, #tpu.memory_space<vmem>>[vector<16xi32>], vector<16xf32>,
        %max3A_180 = arith.maximumf %gather3A_179, %broadcast_in_dim3A_178 : vector<16xf32>
        tpu.vector_store_idx %arg10[%get3A_175], %max3A_180 : memref<10240xf32, #tpu.memory_space<vmem>>[vector<16xi32>], vector<16xf32>,
        %slice3A_181 = vector.extract_strided_slice %get3A_59 {offsets = [4], sizes = [1], strides = [1]} : vector<16xf32> to vector<1xf32>
        %squeeze3A_182 = vector.extract %slice3A_181[0] : f32 from vector<1xf32>
        %broadcast_in_dim3A_183 = vector.broadcast %squeeze3A_182 : f32 to vector<16xf32>
        %gather3A_184 = tpu.vector_load_idx %arg11[%get3A_175] : memref<10240xf32, #tpu.memory_space<vmem>>[vector<16xi32>], vector<16xf32>,
        %max3A_185 = arith.maximumf %gather3A_184, %broadcast_in_dim3A_183 : vector<16xf32>
        tpu.vector_store_idx %arg11[%get3A_175], %max3A_185 : memref<10240xf32, #tpu.memory_space<vmem>>[vector<16xi32>], vector<16xf32>,
        %slice3A_186 = vector.extract_strided_slice %get3A_64 {offsets = [4], sizes = [1], strides = [1]} : vector<16xf32> to vector<1xf32>
        %squeeze3A_187 = vector.extract %slice3A_186[0] : f32 from vector<1xf32>
        %broadcast_in_dim3A_188 = vector.broadcast %squeeze3A_187 : f32 to vector<16xf32>
        %gather3A_189 = tpu.vector_load_idx %arg12[%get3A_175] : memref<10240xf32, #tpu.memory_space<vmem>>[vector<16xi32>], vector<16xf32>,
        %max3A_190 = arith.maximumf %gather3A_189, %broadcast_in_dim3A_188 : vector<16xf32>
        tpu.vector_store_idx %arg12[%get3A_175], %max3A_190 : memref<10240xf32, #tpu.memory_space<vmem>>[vector<16xi32>], vector<16xf32>,
        %slice3A_191 = vector.extract_strided_slice %get3A_69 {offsets = [4], sizes = [1], strides = [1]} : vector<16xf32> to vector<1xf32>
        %squeeze3A_192 = vector.extract %slice3A_191[0] : f32 from vector<1xf32>
        %broadcast_in_dim3A_193 = vector.broadcast %squeeze3A_192 : f32 to vector<16xf32>
        %gather3A_194 = tpu.vector_load_idx %arg13[%get3A_175] : memref<10240xf32, #tpu.memory_space<vmem>>[vector<16xi32>], vector<16xf32>,
        %max3A_195 = arith.maximumf %gather3A_194, %broadcast_in_dim3A_193 : vector<16xf32>
        tpu.vector_store_idx %arg13[%get3A_175], %max3A_195 : memref<10240xf32, #tpu.memory_space<vmem>>[vector<16xi32>], vector<16xf32>,
        %add3A_196 = arith.constant 5 : i32
        %add3A_197 = arith.addi %mul3A_50, %add3A_196 : i32
        %mul3A_198 = arith.constant 16 : i32
        %mul3A_199 = arith.muli %add3A_197, %mul3A_198 : i32
        %get3A_200 = arith.index_cast %mul3A_199 : i32 to index
        %get3A_201 = tpu.vector_load %arg5[%get3A_200] {strides = array<i32>} : memref<32000xi32, #tpu.memory_space<vmem>>, vector<16xi32>,
        %slice3A_202 = vector.extract_strided_slice %get3A_54 {offsets = [5], sizes = [1], strides = [1]} : vector<16xf32> to vector<1xf32>
        %squeeze3A_203 = vector.extract %slice3A_202[0] : f32 from vector<1xf32>
        %broadcast_in_dim3A_204 = vector.broadcast %squeeze3A_203 : f32 to vector<16xf32>
        %gather3A_205 = tpu.vector_load_idx %arg10[%get3A_201] : memref<10240xf32, #tpu.memory_space<vmem>>[vector<16xi32>], vector<16xf32>,
        %max3A_206 = arith.maximumf %gather3A_205, %broadcast_in_dim3A_204 : vector<16xf32>
        tpu.vector_store_idx %arg10[%get3A_201], %max3A_206 : memref<10240xf32, #tpu.memory_space<vmem>>[vector<16xi32>], vector<16xf32>,
        %slice3A_207 = vector.extract_strided_slice %get3A_59 {offsets = [5], sizes = [1], strides = [1]} : vector<16xf32> to vector<1xf32>
        %squeeze3A_208 = vector.extract %slice3A_207[0] : f32 from vector<1xf32>
        %broadcast_in_dim3A_209 = vector.broadcast %squeeze3A_208 : f32 to vector<16xf32>
        %gather3A_210 = tpu.vector_load_idx %arg11[%get3A_201] : memref<10240xf32, #tpu.memory_space<vmem>>[vector<16xi32>], vector<16xf32>,
        %max3A_211 = arith.maximumf %gather3A_210, %broadcast_in_dim3A_209 : vector<16xf32>
        tpu.vector_store_idx %arg11[%get3A_201], %max3A_211 : memref<10240xf32, #tpu.memory_space<vmem>>[vector<16xi32>], vector<16xf32>,
        %slice3A_212 = vector.extract_strided_slice %get3A_64 {offsets = [5], sizes = [1], strides = [1]} : vector<16xf32> to vector<1xf32>
        %squeeze3A_213 = vector.extract %slice3A_212[0] : f32 from vector<1xf32>
        %broadcast_in_dim3A_214 = vector.broadcast %squeeze3A_213 : f32 to vector<16xf32>
        %gather3A_215 = tpu.vector_load_idx %arg12[%get3A_201] : memref<10240xf32, #tpu.memory_space<vmem>>[vector<16xi32>], vector<16xf32>,
        %max3A_216 = arith.maximumf %gather3A_215, %broadcast_in_dim3A_214 : vector<16xf32>
        tpu.vector_store_idx %arg12[%get3A_201], %max3A_216 : memref<10240xf32, #tpu.memory_space<vmem>>[vector<16xi32>], vector<16xf32>,
        %slice3A_217 = vector.extract_strided_slice %get3A_69 {offsets = [5], sizes = [1], strides = [1]} : vector<16xf32> to vector<1xf32>
        %squeeze3A_218 = vector.extract %slice3A_217[0] : f32 from vector<1xf32>
        %broadcast_in_dim3A_219 = vector.broadcast %squeeze3A_218 : f32 to vector<16xf32>
        %gather3A_220 = tpu.vector_load_idx %arg13[%get3A_201] : memref<10240xf32, #tpu.memory_space<vmem>>[vector<16xi32>], vector<16xf32>,
        %max3A_221 = arith.maximumf %gather3A_220, %broadcast_in_dim3A_219 : vector<16xf32>
        tpu.vector_store_idx %arg13[%get3A_201], %max3A_221 : memref<10240xf32, #tpu.memory_space<vmem>>[vector<16xi32>], vector<16xf32>,
        %add3A_222 = arith.constant 6 : i32
        %add3A_223 = arith.addi %mul3A_50, %add3A_222 : i32
        %mul3A_224 = arith.constant 16 : i32
        %mul3A_225 = arith.muli %add3A_223, %mul3A_224 : i32
        %get3A_226 = arith.index_cast %mul3A_225 : i32 to index
        %get3A_227 = tpu.vector_load %arg5[%get3A_226] {strides = array<i32>} : memref<32000xi32, #tpu.memory_space<vmem>>, vector<16xi32>,
        %slice3A_228 = vector.extract_strided_slice %get3A_54 {offsets = [6], sizes = [1], strides = [1]} : vector<16xf32> to vector<1xf32>
        %squeeze3A_229 = vector.extract %slice3A_228[0] : f32 from vector<1xf32>
        %broadcast_in_dim3A_230 = vector.broadcast %squeeze3A_229 : f32 to vector<16xf32>
        %gather3A_231 = tpu.vector_load_idx %arg10[%get3A_227] : memref<10240xf32, #tpu.memory_space<vmem>>[vector<16xi32>], vector<16xf32>,
        %max3A_232 = arith.maximumf %gather3A_231, %broadcast_in_dim3A_230 : vector<16xf32>
        tpu.vector_store_idx %arg10[%get3A_227], %max3A_232 : memref<10240xf32, #tpu.memory_space<vmem>>[vector<16xi32>], vector<16xf32>,
        %slice3A_233 = vector.extract_strided_slice %get3A_59 {offsets = [6], sizes = [1], strides = [1]} : vector<16xf32> to vector<1xf32>
        %squeeze3A_234 = vector.extract %slice3A_233[0] : f32 from vector<1xf32>
        %broadcast_in_dim3A_235 = vector.broadcast %squeeze3A_234 : f32 to vector<16xf32>
        %gather3A_236 = tpu.vector_load_idx %arg11[%get3A_227] : memref<10240xf32, #tpu.memory_space<vmem>>[vector<16xi32>], vector<16xf32>,
        %max3A_237 = arith.maximumf %gather3A_236, %broadcast_in_dim3A_235 : vector<16xf32>
        tpu.vector_store_idx %arg11[%get3A_227], %max3A_237 : memref<10240xf32, #tpu.memory_space<vmem>>[vector<16xi32>], vector<16xf32>,
        %slice3A_238 = vector.extract_strided_slice %get3A_64 {offsets = [6], sizes = [1], strides = [1]} : vector<16xf32> to vector<1xf32>
        %squeeze3A_239 = vector.extract %slice3A_238[0] : f32 from vector<1xf32>
        %broadcast_in_dim3A_240 = vector.broadcast %squeeze3A_239 : f32 to vector<16xf32>
        %gather3A_241 = tpu.vector_load_idx %arg12[%get3A_227] : memref<10240xf32, #tpu.memory_space<vmem>>[vector<16xi32>], vector<16xf32>,
        %max3A_242 = arith.maximumf %gather3A_241, %broadcast_in_dim3A_240 : vector<16xf32>
        tpu.vector_store_idx %arg12[%get3A_227], %max3A_242 : memref<10240xf32, #tpu.memory_space<vmem>>[vector<16xi32>], vector<16xf32>,
        %slice3A_243 = vector.extract_strided_slice %get3A_69 {offsets = [6], sizes = [1], strides = [1]} : vector<16xf32> to vector<1xf32>
        %squeeze3A_244 = vector.extract %slice3A_243[0] : f32 from vector<1xf32>
        %broadcast_in_dim3A_245 = vector.broadcast %squeeze3A_244 : f32 to vector<16xf32>
        %gather3A_246 = tpu.vector_load_idx %arg13[%get3A_227] : memref<10240xf32, #tpu.memory_space<vmem>>[vector<16xi32>], vector<16xf32>,
        %max3A_247 = arith.maximumf %gather3A_246, %broadcast_in_dim3A_245 : vector<16xf32>
        tpu.vector_store_idx %arg13[%get3A_227], %max3A_247 : memref<10240xf32, #tpu.memory_space<vmem>>[vector<16xi32>], vector<16xf32>,
        %add3A_248 = arith.constant 7 : i32
        %add3A_249 = arith.addi %mul3A_50, %add3A_248 : i32
        %mul3A_250 = arith.constant 16 : i32
        %mul3A_251 = arith.muli %add3A_249, %mul3A_250 : i32
        %get3A_252 = arith.index_cast %mul3A_251 : i32 to index
        %get3A_253 = tpu.vector_load %arg5[%get3A_252] {strides = array<i32>} : memref<32000xi32, #tpu.memory_space<vmem>>, vector<16xi32>,
        %slice3A_254 = vector.extract_strided_slice %get3A_54 {offsets = [7], sizes = [1], strides = [1]} : vector<16xf32> to vector<1xf32>
        %squeeze3A_255 = vector.extract %slice3A_254[0] : f32 from vector<1xf32>
        %broadcast_in_dim3A_256 = vector.broadcast %squeeze3A_255 : f32 to vector<16xf32>
        %gather3A_257 = tpu.vector_load_idx %arg10[%get3A_253] : memref<10240xf32, #tpu.memory_space<vmem>>[vector<16xi32>], vector<16xf32>,
        %max3A_258 = arith.maximumf %gather3A_257, %broadcast_in_dim3A_256 : vector<16xf32>
        tpu.vector_store_idx %arg10[%get3A_253], %max3A_258 : memref<10240xf32, #tpu.memory_space<vmem>>[vector<16xi32>], vector<16xf32>,
        %slice3A_259 = vector.extract_strided_slice %get3A_59 {offsets = [7], sizes = [1], strides = [1]} : vector<16xf32> to vector<1xf32>
        %squeeze3A_260 = vector.extract %slice3A_259[0] : f32 from vector<1xf32>
        %broadcast_in_dim3A_261 = vector.broadcast %squeeze3A_260 : f32 to vector<16xf32>
        %gather3A_262 = tpu.vector_load_idx %arg11[%get3A_253] : memref<10240xf32, #tpu.memory_space<vmem>>[vector<16xi32>], vector<16xf32>,
        %max3A_263 = arith.maximumf %gather3A_262, %broadcast_in_dim3A_261 : vector<16xf32>
        tpu.vector_store_idx %arg11[%get3A_253], %max3A_263 : memref<10240xf32, #tpu.memory_space<vmem>>[vector<16xi32>], vector<16xf32>,
        %slice3A_264 = vector.extract_strided_slice %get3A_64 {offsets = [7], sizes = [1], strides = [1]} : vector<16xf32> to vector<1xf32>
        %squeeze3A_265 = vector.extract %slice3A_264[0] : f32 from vector<1xf32>
        %broadcast_in_dim3A_266 = vector.broadcast %squeeze3A_265 : f32 to vector<16xf32>
        %gather3A_267 = tpu.vector_load_idx %arg12[%get3A_253] : memref<10240xf32, #tpu.memory_space<vmem>>[vector<16xi32>], vector<16xf32>,
        %max3A_268 = arith.maximumf %gather3A_267, %broadcast_in_dim3A_266 : vector<16xf32>
        tpu.vector_store_idx %arg12[%get3A_253], %max3A_268 : memref<10240xf32, #tpu.memory_space<vmem>>[vector<16xi32>], vector<16xf32>,
        %slice3A_269 = vector.extract_strided_slice %get3A_69 {offsets = [7], sizes = [1], strides = [1]} : vector<16xf32> to vector<1xf32>
        %squeeze3A_270 = vector.extract %slice3A_269[0] : f32 from vector<1xf32>
        %broadcast_in_dim3A_271 = vector.broadcast %squeeze3A_270 : f32 to vector<16xf32>
        %gather3A_272 = tpu.vector_load_idx %arg13[%get3A_253] : memref<10240xf32, #tpu.memory_space<vmem>>[vector<16xi32>], vector<16xf32>,
        %max3A_273 = arith.maximumf %gather3A_272, %broadcast_in_dim3A_271 : vector<16xf32>
        tpu.vector_store_idx %arg13[%get3A_253], %max3A_273 : memref<10240xf32, #tpu.memory_space<vmem>>[vector<16xi32>], vector<16xf32>,
        %add3A_274 = arith.constant 8 : i32
        %add3A_275 = arith.addi %mul3A_50, %add3A_274 : i32
        %mul3A_276 = arith.constant 16 : i32
        %mul3A_277 = arith.muli %add3A_275, %mul3A_276 : i32
        %get3A_278 = arith.index_cast %mul3A_277 : i32 to index
        %get3A_279 = tpu.vector_load %arg5[%get3A_278] {strides = array<i32>} : memref<32000xi32, #tpu.memory_space<vmem>>, vector<16xi32>,
        %slice3A_280 = vector.extract_strided_slice %get3A_54 {offsets = [8], sizes = [1], strides = [1]} : vector<16xf32> to vector<1xf32>
        %squeeze3A_281 = vector.extract %slice3A_280[0] : f32 from vector<1xf32>
        %broadcast_in_dim3A_282 = vector.broadcast %squeeze3A_281 : f32 to vector<16xf32>
        %gather3A_283 = tpu.vector_load_idx %arg10[%get3A_279] : memref<10240xf32, #tpu.memory_space<vmem>>[vector<16xi32>], vector<16xf32>,
        %max3A_284 = arith.maximumf %gather3A_283, %broadcast_in_dim3A_282 : vector<16xf32>
        tpu.vector_store_idx %arg10[%get3A_279], %max3A_284 : memref<10240xf32, #tpu.memory_space<vmem>>[vector<16xi32>], vector<16xf32>,
        %slice3A_285 = vector.extract_strided_slice %get3A_59 {offsets = [8], sizes = [1], strides = [1]} : vector<16xf32> to vector<1xf32>
        %squeeze3A_286 = vector.extract %slice3A_285[0] : f32 from vector<1xf32>
        %broadcast_in_dim3A_287 = vector.broadcast %squeeze3A_286 : f32 to vector<16xf32>
        %gather3A_288 = tpu.vector_load_idx %arg11[%get3A_279] : memref<10240xf32, #tpu.memory_space<vmem>>[vector<16xi32>], vector<16xf32>,
        %max3A_289 = arith.maximumf %gather3A_288, %broadcast_in_dim3A_287 : vector<16xf32>
        tpu.vector_store_idx %arg11[%get3A_279], %max3A_289 : memref<10240xf32, #tpu.memory_space<vmem>>[vector<16xi32>], vector<16xf32>,
        %slice3A_290 = vector.extract_strided_slice %get3A_64 {offsets = [8], sizes = [1], strides = [1]} : vector<16xf32> to vector<1xf32>
        %squeeze3A_291 = vector.extract %slice3A_290[0] : f32 from vector<1xf32>
        %broadcast_in_dim3A_292 = vector.broadcast %squeeze3A_291 : f32 to vector<16xf32>
        %gather3A_293 = tpu.vector_load_idx %arg12[%get3A_279] : memref<10240xf32, #tpu.memory_space<vmem>>[vector<16xi32>], vector<16xf32>,
        %max3A_294 = arith.maximumf %gather3A_293, %broadcast_in_dim3A_292 : vector<16xf32>
        tpu.vector_store_idx %arg12[%get3A_279], %max3A_294 : memref<10240xf32, #tpu.memory_space<vmem>>[vector<16xi32>], vector<16xf32>,
        %slice3A_295 = vector.extract_strided_slice %get3A_69 {offsets = [8], sizes = [1], strides = [1]} : vector<16xf32> to vector<1xf32>
        %squeeze3A_296 = vector.extract %slice3A_295[0] : f32 from vector<1xf32>
        %broadcast_in_dim3A_297 = vector.broadcast %squeeze3A_296 : f32 to vector<16xf32>
        %gather3A_298 = tpu.vector_load_idx %arg13[%get3A_279] : memref<10240xf32, #tpu.memory_space<vmem>>[vector<16xi32>], vector<16xf32>,
        %max3A_299 = arith.maximumf %gather3A_298, %broadcast_in_dim3A_297 : vector<16xf32>
        tpu.vector_store_idx %arg13[%get3A_279], %max3A_299 : memref<10240xf32, #tpu.memory_space<vmem>>[vector<16xi32>], vector<16xf32>,
        %add3A_300 = arith.constant 9 : i32
        %add3A_301 = arith.addi %mul3A_50, %add3A_300 : i32
        %mul3A_302 = arith.constant 16 : i32
        %mul3A_303 = arith.muli %add3A_301, %mul3A_302 : i32
        %get3A_304 = arith.index_cast %mul3A_303 : i32 to index
        %get3A_305 = tpu.vector_load %arg5[%get3A_304] {strides = array<i32>} : memref<32000xi32, #tpu.memory_space<vmem>>, vector<16xi32>,
        %slice3A_306 = vector.extract_strided_slice %get3A_54 {offsets = [9], sizes = [1], strides = [1]} : vector<16xf32> to vector<1xf32>
        %squeeze3A_307 = vector.extract %slice3A_306[0] : f32 from vector<1xf32>
        %broadcast_in_dim3A_308 = vector.broadcast %squeeze3A_307 : f32 to vector<16xf32>
        %gather3A_309 = tpu.vector_load_idx %arg10[%get3A_305] : memref<10240xf32, #tpu.memory_space<vmem>>[vector<16xi32>], vector<16xf32>,
        %max3A_310 = arith.maximumf %gather3A_309, %broadcast_in_dim3A_308 : vector<16xf32>
        tpu.vector_store_idx %arg10[%get3A_305], %max3A_310 : memref<10240xf32, #tpu.memory_space<vmem>>[vector<16xi32>], vector<16xf32>,
        %slice3A_311 = vector.extract_strided_slice %get3A_59 {offsets = [9], sizes = [1], strides = [1]} : vector<16xf32> to vector<1xf32>
        %squeeze3A_312 = vector.extract %slice3A_311[0] : f32 from vector<1xf32>
        %broadcast_in_dim3A_313 = vector.broadcast %squeeze3A_312 : f32 to vector<16xf32>
        %gather3A_314 = tpu.vector_load_idx %arg11[%get3A_305] : memref<10240xf32, #tpu.memory_space<vmem>>[vector<16xi32>], vector<16xf32>,
        %max3A_315 = arith.maximumf %gather3A_314, %broadcast_in_dim3A_313 : vector<16xf32>
        tpu.vector_store_idx %arg11[%get3A_305], %max3A_315 : memref<10240xf32, #tpu.memory_space<vmem>>[vector<16xi32>], vector<16xf32>,
        %slice3A_316 = vector.extract_strided_slice %get3A_64 {offsets = [9], sizes = [1], strides = [1]} : vector<16xf32> to vector<1xf32>
        %squeeze3A_317 = vector.extract %slice3A_316[0] : f32 from vector<1xf32>
        %broadcast_in_dim3A_318 = vector.broadcast %squeeze3A_317 : f32 to vector<16xf32>
        %gather3A_319 = tpu.vector_load_idx %arg12[%get3A_305] : memref<10240xf32, #tpu.memory_space<vmem>>[vector<16xi32>], vector<16xf32>,
        %max3A_320 = arith.maximumf %gather3A_319, %broadcast_in_dim3A_318 : vector<16xf32>
        tpu.vector_store_idx %arg12[%get3A_305], %max3A_320 : memref<10240xf32, #tpu.memory_space<vmem>>[vector<16xi32>], vector<16xf32>,
        %slice3A_321 = vector.extract_strided_slice %get3A_69 {offsets = [9], sizes = [1], strides = [1]} : vector<16xf32> to vector<1xf32>
        %squeeze3A_322 = vector.extract %slice3A_321[0] : f32 from vector<1xf32>
        %broadcast_in_dim3A_323 = vector.broadcast %squeeze3A_322 : f32 to vector<16xf32>
        %gather3A_324 = tpu.vector_load_idx %arg13[%get3A_305] : memref<10240xf32, #tpu.memory_space<vmem>>[vector<16xi32>], vector<16xf32>,
        %max3A_325 = arith.maximumf %gather3A_324, %broadcast_in_dim3A_323 : vector<16xf32>
        tpu.vector_store_idx %arg13[%get3A_305], %max3A_325 : memref<10240xf32, #tpu.memory_space<vmem>>[vector<16xi32>], vector<16xf32>,
        %add3A_326 = arith.constant 10 : i32
        %add3A_327 = arith.addi %mul3A_50, %add3A_326 : i32
        %mul3A_328 = arith.constant 16 : i32
        %mul3A_329 = arith.muli %add3A_327, %mul3A_328 : i32
        %get3A_330 = arith.index_cast %mul3A_329 : i32 to index
        %get3A_331 = tpu.vector_load %arg5[%get3A_330] {strides = array<i32>} : memref<32000xi32, #tpu.memory_space<vmem>>, vector<16xi32>,
        %slice3A_332 = vector.extract_strided_slice %get3A_54 {offsets = [10], sizes = [1], strides = [1]} : vector<16xf32> to vector<1xf32>
        %squeeze3A_333 = vector.extract %slice3A_332[0] : f32 from vector<1xf32>
        %broadcast_in_dim3A_334 = vector.broadcast %squeeze3A_333 : f32 to vector<16xf32>
        %gather3A_335 = tpu.vector_load_idx %arg10[%get3A_331] : memref<10240xf32, #tpu.memory_space<vmem>>[vector<16xi32>], vector<16xf32>,
        %max3A_336 = arith.maximumf %gather3A_335, %broadcast_in_dim3A_334 : vector<16xf32>
        tpu.vector_store_idx %arg10[%get3A_331], %max3A_336 : memref<10240xf32, #tpu.memory_space<vmem>>[vector<16xi32>], vector<16xf32>,
        %slice3A_337 = vector.extract_strided_slice %get3A_59 {offsets = [10], sizes = [1], strides = [1]} : vector<16xf32> to vector<1xf32>
        %squeeze3A_338 = vector.extract %slice3A_337[0] : f32 from vector<1xf32>
        %broadcast_in_dim3A_339 = vector.broadcast %squeeze3A_338 : f32 to vector<16xf32>
        %gather3A_340 = tpu.vector_load_idx %arg11[%get3A_331] : memref<10240xf32, #tpu.memory_space<vmem>>[vector<16xi32>], vector<16xf32>,
        %max3A_341 = arith.maximumf %gather3A_340, %broadcast_in_dim3A_339 : vector<16xf32>
        tpu.vector_store_idx %arg11[%get3A_331], %max3A_341 : memref<10240xf32, #tpu.memory_space<vmem>>[vector<16xi32>], vector<16xf32>,
        %slice3A_342 = vector.extract_strided_slice %get3A_64 {offsets = [10], sizes = [1], strides = [1]} : vector<16xf32> to vector<1xf32>
        %squeeze3A_343 = vector.extract %slice3A_342[0] : f32 from vector<1xf32>
        %broadcast_in_dim3A_344 = vector.broadcast %squeeze3A_343 : f32 to vector<16xf32>
        %gather3A_345 = tpu.vector_load_idx %arg12[%get3A_331] : memref<10240xf32, #tpu.memory_space<vmem>>[vector<16xi32>], vector<16xf32>,
        %max3A_346 = arith.maximumf %gather3A_345, %broadcast_in_dim3A_344 : vector<16xf32>
        tpu.vector_store_idx %arg12[%get3A_331], %max3A_346 : memref<10240xf32, #tpu.memory_space<vmem>>[vector<16xi32>], vector<16xf32>,
        %slice3A_347 = vector.extract_strided_slice %get3A_69 {offsets = [10], sizes = [1], strides = [1]} : vector<16xf32> to vector<1xf32>
        %squeeze3A_348 = vector.extract %slice3A_347[0] : f32 from vector<1xf32>
        %broadcast_in_dim3A_349 = vector.broadcast %squeeze3A_348 : f32 to vector<16xf32>
        %gather3A_350 = tpu.vector_load_idx %arg13[%get3A_331] : memref<10240xf32, #tpu.memory_space<vmem>>[vector<16xi32>], vector<16xf32>,
        %max3A_351 = arith.maximumf %gather3A_350, %broadcast_in_dim3A_349 : vector<16xf32>
        tpu.vector_store_idx %arg13[%get3A_331], %max3A_351 : memref<10240xf32, #tpu.memory_space<vmem>>[vector<16xi32>], vector<16xf32>,
        %add3A_352 = arith.constant 11 : i32
        %add3A_353 = arith.addi %mul3A_50, %add3A_352 : i32
        %mul3A_354 = arith.constant 16 : i32
        %mul3A_355 = arith.muli %add3A_353, %mul3A_354 : i32
        %get3A_356 = arith.index_cast %mul3A_355 : i32 to index
        %get3A_357 = tpu.vector_load %arg5[%get3A_356] {strides = array<i32>} : memref<32000xi32, #tpu.memory_space<vmem>>, vector<16xi32>,
        %slice3A_358 = vector.extract_strided_slice %get3A_54 {offsets = [11], sizes = [1], strides = [1]} : vector<16xf32> to vector<1xf32>
        %squeeze3A_359 = vector.extract %slice3A_358[0] : f32 from vector<1xf32>
        %broadcast_in_dim3A_360 = vector.broadcast %squeeze3A_359 : f32 to vector<16xf32>
        %gather3A_361 = tpu.vector_load_idx %arg10[%get3A_357] : memref<10240xf32, #tpu.memory_space<vmem>>[vector<16xi32>], vector<16xf32>,
        %max3A_362 = arith.maximumf %gather3A_361, %broadcast_in_dim3A_360 : vector<16xf32>
        tpu.vector_store_idx %arg10[%get3A_357], %max3A_362 : memref<10240xf32, #tpu.memory_space<vmem>>[vector<16xi32>], vector<16xf32>,
        %slice3A_363 = vector.extract_strided_slice %get3A_59 {offsets = [11], sizes = [1], strides = [1]} : vector<16xf32> to vector<1xf32>
        %squeeze3A_364 = vector.extract %slice3A_363[0] : f32 from vector<1xf32>
        %broadcast_in_dim3A_365 = vector.broadcast %squeeze3A_364 : f32 to vector<16xf32>
        %gather3A_366 = tpu.vector_load_idx %arg11[%get3A_357] : memref<10240xf32, #tpu.memory_space<vmem>>[vector<16xi32>], vector<16xf32>,
        %max3A_367 = arith.maximumf %gather3A_366, %broadcast_in_dim3A_365 : vector<16xf32>
        tpu.vector_store_idx %arg11[%get3A_357], %max3A_367 : memref<10240xf32, #tpu.memory_space<vmem>>[vector<16xi32>], vector<16xf32>,
        %slice3A_368 = vector.extract_strided_slice %get3A_64 {offsets = [11], sizes = [1], strides = [1]} : vector<16xf32> to vector<1xf32>
        %squeeze3A_369 = vector.extract %slice3A_368[0] : f32 from vector<1xf32>
        %broadcast_in_dim3A_370 = vector.broadcast %squeeze3A_369 : f32 to vector<16xf32>
        %gather3A_371 = tpu.vector_load_idx %arg12[%get3A_357] : memref<10240xf32, #tpu.memory_space<vmem>>[vector<16xi32>], vector<16xf32>,
        %max3A_372 = arith.maximumf %gather3A_371, %broadcast_in_dim3A_370 : vector<16xf32>
        tpu.vector_store_idx %arg12[%get3A_357], %max3A_372 : memref<10240xf32, #tpu.memory_space<vmem>>[vector<16xi32>], vector<16xf32>,
        %slice3A_373 = vector.extract_strided_slice %get3A_69 {offsets = [11], sizes = [1], strides = [1]} : vector<16xf32> to vector<1xf32>
        %squeeze3A_374 = vector.extract %slice3A_373[0] : f32 from vector<1xf32>
        %broadcast_in_dim3A_375 = vector.broadcast %squeeze3A_374 : f32 to vector<16xf32>
        %gather3A_376 = tpu.vector_load_idx %arg13[%get3A_357] : memref<10240xf32, #tpu.memory_space<vmem>>[vector<16xi32>], vector<16xf32>,
        %max3A_377 = arith.maximumf %gather3A_376, %broadcast_in_dim3A_375 : vector<16xf32>
        tpu.vector_store_idx %arg13[%get3A_357], %max3A_377 : memref<10240xf32, #tpu.memory_space<vmem>>[vector<16xi32>], vector<16xf32>,
        %add3A_378 = arith.constant 12 : i32
        %add3A_379 = arith.addi %mul3A_50, %add3A_378 : i32
        %mul3A_380 = arith.constant 16 : i32
        %mul3A_381 = arith.muli %add3A_379, %mul3A_380 : i32
        %get3A_382 = arith.index_cast %mul3A_381 : i32 to index
        %get3A_383 = tpu.vector_load %arg5[%get3A_382] {strides = array<i32>} : memref<32000xi32, #tpu.memory_space<vmem>>, vector<16xi32>,
        %slice3A_384 = vector.extract_strided_slice %get3A_54 {offsets = [12], sizes = [1], strides = [1]} : vector<16xf32> to vector<1xf32>
        %squeeze3A_385 = vector.extract %slice3A_384[0] : f32 from vector<1xf32>
        %broadcast_in_dim3A_386 = vector.broadcast %squeeze3A_385 : f32 to vector<16xf32>
        %gather3A_387 = tpu.vector_load_idx %arg10[%get3A_383] : memref<10240xf32, #tpu.memory_space<vmem>>[vector<16xi32>], vector<16xf32>,
        %max3A_388 = arith.maximumf %gather3A_387, %broadcast_in_dim3A_386 : vector<16xf32>
        tpu.vector_store_idx %arg10[%get3A_383], %max3A_388 : memref<10240xf32, #tpu.memory_space<vmem>>[vector<16xi32>], vector<16xf32>,
        %slice3A_389 = vector.extract_strided_slice %get3A_59 {offsets = [12], sizes = [1], strides = [1]} : vector<16xf32> to vector<1xf32>
        %squeeze3A_390 = vector.extract %slice3A_389[0] : f32 from vector<1xf32>
        %broadcast_in_dim3A_391 = vector.broadcast %squeeze3A_390 : f32 to vector<16xf32>
        %gather3A_392 = tpu.vector_load_idx %arg11[%get3A_383] : memref<10240xf32, #tpu.memory_space<vmem>>[vector<16xi32>], vector<16xf32>,
        %max3A_393 = arith.maximumf %gather3A_392, %broadcast_in_dim3A_391 : vector<16xf32>
        tpu.vector_store_idx %arg11[%get3A_383], %max3A_393 : memref<10240xf32, #tpu.memory_space<vmem>>[vector<16xi32>], vector<16xf32>,
        %slice3A_394 = vector.extract_strided_slice %get3A_64 {offsets = [12], sizes = [1], strides = [1]} : vector<16xf32> to vector<1xf32>
        %squeeze3A_395 = vector.extract %slice3A_394[0] : f32 from vector<1xf32>
        %broadcast_in_dim3A_396 = vector.broadcast %squeeze3A_395 : f32 to vector<16xf32>
        %gather3A_397 = tpu.vector_load_idx %arg12[%get3A_383] : memref<10240xf32, #tpu.memory_space<vmem>>[vector<16xi32>], vector<16xf32>,
        %max3A_398 = arith.maximumf %gather3A_397, %broadcast_in_dim3A_396 : vector<16xf32>
        tpu.vector_store_idx %arg12[%get3A_383], %max3A_398 : memref<10240xf32, #tpu.memory_space<vmem>>[vector<16xi32>], vector<16xf32>,
        %slice3A_399 = vector.extract_strided_slice %get3A_69 {offsets = [12], sizes = [1], strides = [1]} : vector<16xf32> to vector<1xf32>
        %squeeze3A_400 = vector.extract %slice3A_399[0] : f32 from vector<1xf32>
        %broadcast_in_dim3A_401 = vector.broadcast %squeeze3A_400 : f32 to vector<16xf32>
        %gather3A_402 = tpu.vector_load_idx %arg13[%get3A_383] : memref<10240xf32, #tpu.memory_space<vmem>>[vector<16xi32>], vector<16xf32>,
        %max3A_403 = arith.maximumf %gather3A_402, %broadcast_in_dim3A_401 : vector<16xf32>
        tpu.vector_store_idx %arg13[%get3A_383], %max3A_403 : memref<10240xf32, #tpu.memory_space<vmem>>[vector<16xi32>], vector<16xf32>,
        %add3A_404 = arith.constant 13 : i32
        %add3A_405 = arith.addi %mul3A_50, %add3A_404 : i32
        %mul3A_406 = arith.constant 16 : i32
        %mul3A_407 = arith.muli %add3A_405, %mul3A_406 : i32
        %get3A_408 = arith.index_cast %mul3A_407 : i32 to index
        %get3A_409 = tpu.vector_load %arg5[%get3A_408] {strides = array<i32>} : memref<32000xi32, #tpu.memory_space<vmem>>, vector<16xi32>,
        %slice3A_410 = vector.extract_strided_slice %get3A_54 {offsets = [13], sizes = [1], strides = [1]} : vector<16xf32> to vector<1xf32>
        %squeeze3A_411 = vector.extract %slice3A_410[0] : f32 from vector<1xf32>
        %broadcast_in_dim3A_412 = vector.broadcast %squeeze3A_411 : f32 to vector<16xf32>
        %gather3A_413 = tpu.vector_load_idx %arg10[%get3A_409] : memref<10240xf32, #tpu.memory_space<vmem>>[vector<16xi32>], vector<16xf32>,
        %max3A_414 = arith.maximumf %gather3A_413, %broadcast_in_dim3A_412 : vector<16xf32>
        tpu.vector_store_idx %arg10[%get3A_409], %max3A_414 : memref<10240xf32, #tpu.memory_space<vmem>>[vector<16xi32>], vector<16xf32>,
        %slice3A_415 = vector.extract_strided_slice %get3A_59 {offsets = [13], sizes = [1], strides = [1]} : vector<16xf32> to vector<1xf32>
        %squeeze3A_416 = vector.extract %slice3A_415[0] : f32 from vector<1xf32>
        %broadcast_in_dim3A_417 = vector.broadcast %squeeze3A_416 : f32 to vector<16xf32>
        %gather3A_418 = tpu.vector_load_idx %arg11[%get3A_409] : memref<10240xf32, #tpu.memory_space<vmem>>[vector<16xi32>], vector<16xf32>,
        %max3A_419 = arith.maximumf %gather3A_418, %broadcast_in_dim3A_417 : vector<16xf32>
        tpu.vector_store_idx %arg11[%get3A_409], %max3A_419 : memref<10240xf32, #tpu.memory_space<vmem>>[vector<16xi32>], vector<16xf32>,
        %slice3A_420 = vector.extract_strided_slice %get3A_64 {offsets = [13], sizes = [1], strides = [1]} : vector<16xf32> to vector<1xf32>
        %squeeze3A_421 = vector.extract %slice3A_420[0] : f32 from vector<1xf32>
        %broadcast_in_dim3A_422 = vector.broadcast %squeeze3A_421 : f32 to vector<16xf32>
        %gather3A_423 = tpu.vector_load_idx %arg12[%get3A_409] : memref<10240xf32, #tpu.memory_space<vmem>>[vector<16xi32>], vector<16xf32>,
        %max3A_424 = arith.maximumf %gather3A_423, %broadcast_in_dim3A_422 : vector<16xf32>
        tpu.vector_store_idx %arg12[%get3A_409], %max3A_424 : memref<10240xf32, #tpu.memory_space<vmem>>[vector<16xi32>], vector<16xf32>,
        %slice3A_425 = vector.extract_strided_slice %get3A_69 {offsets = [13], sizes = [1], strides = [1]} : vector<16xf32> to vector<1xf32>
        %squeeze3A_426 = vector.extract %slice3A_425[0] : f32 from vector<1xf32>
        %broadcast_in_dim3A_427 = vector.broadcast %squeeze3A_426 : f32 to vector<16xf32>
        %gather3A_428 = tpu.vector_load_idx %arg13[%get3A_409] : memref<10240xf32, #tpu.memory_space<vmem>>[vector<16xi32>], vector<16xf32>,
        %max3A_429 = arith.maximumf %gather3A_428, %broadcast_in_dim3A_427 : vector<16xf32>
        tpu.vector_store_idx %arg13[%get3A_409], %max3A_429 : memref<10240xf32, #tpu.memory_space<vmem>>[vector<16xi32>], vector<16xf32>,
        %add3A_430 = arith.constant 14 : i32
        %add3A_431 = arith.addi %mul3A_50, %add3A_430 : i32
        %mul3A_432 = arith.constant 16 : i32
        %mul3A_433 = arith.muli %add3A_431, %mul3A_432 : i32
        %get3A_434 = arith.index_cast %mul3A_433 : i32 to index
        %get3A_435 = tpu.vector_load %arg5[%get3A_434] {strides = array<i32>} : memref<32000xi32, #tpu.memory_space<vmem>>, vector<16xi32>,
        %slice3A_436 = vector.extract_strided_slice %get3A_54 {offsets = [14], sizes = [1], strides = [1]} : vector<16xf32> to vector<1xf32>
        %squeeze3A_437 = vector.extract %slice3A_436[0] : f32 from vector<1xf32>
        %broadcast_in_dim3A_438 = vector.broadcast %squeeze3A_437 : f32 to vector<16xf32>
        %gather3A_439 = tpu.vector_load_idx %arg10[%get3A_435] : memref<10240xf32, #tpu.memory_space<vmem>>[vector<16xi32>], vector<16xf32>,
        %max3A_440 = arith.maximumf %gather3A_439, %broadcast_in_dim3A_438 : vector<16xf32>
        tpu.vector_store_idx %arg10[%get3A_435], %max3A_440 : memref<10240xf32, #tpu.memory_space<vmem>>[vector<16xi32>], vector<16xf32>,
        %slice3A_441 = vector.extract_strided_slice %get3A_59 {offsets = [14], sizes = [1], strides = [1]} : vector<16xf32> to vector<1xf32>
        %squeeze3A_442 = vector.extract %slice3A_441[0] : f32 from vector<1xf32>
        %broadcast_in_dim3A_443 = vector.broadcast %squeeze3A_442 : f32 to vector<16xf32>
        %gather3A_444 = tpu.vector_load_idx %arg11[%get3A_435] : memref<10240xf32, #tpu.memory_space<vmem>>[vector<16xi32>], vector<16xf32>,
        %max3A_445 = arith.maximumf %gather3A_444, %broadcast_in_dim3A_443 : vector<16xf32>
        tpu.vector_store_idx %arg11[%get3A_435], %max3A_445 : memref<10240xf32, #tpu.memory_space<vmem>>[vector<16xi32>], vector<16xf32>,
        %slice3A_446 = vector.extract_strided_slice %get3A_64 {offsets = [14], sizes = [1], strides = [1]} : vector<16xf32> to vector<1xf32>
        %squeeze3A_447 = vector.extract %slice3A_446[0] : f32 from vector<1xf32>
        %broadcast_in_dim3A_448 = vector.broadcast %squeeze3A_447 : f32 to vector<16xf32>
        %gather3A_449 = tpu.vector_load_idx %arg12[%get3A_435] : memref<10240xf32, #tpu.memory_space<vmem>>[vector<16xi32>], vector<16xf32>,
        %max3A_450 = arith.maximumf %gather3A_449, %broadcast_in_dim3A_448 : vector<16xf32>
        tpu.vector_store_idx %arg12[%get3A_435], %max3A_450 : memref<10240xf32, #tpu.memory_space<vmem>>[vector<16xi32>], vector<16xf32>,
        %slice3A_451 = vector.extract_strided_slice %get3A_69 {offsets = [14], sizes = [1], strides = [1]} : vector<16xf32> to vector<1xf32>
        %squeeze3A_452 = vector.extract %slice3A_451[0] : f32 from vector<1xf32>
        %broadcast_in_dim3A_453 = vector.broadcast %squeeze3A_452 : f32 to vector<16xf32>
        %gather3A_454 = tpu.vector_load_idx %arg13[%get3A_435] : memref<10240xf32, #tpu.memory_space<vmem>>[vector<16xi32>], vector<16xf32>,
        %max3A_455 = arith.maximumf %gather3A_454, %broadcast_in_dim3A_453 : vector<16xf32>
        tpu.vector_store_idx %arg13[%get3A_435], %max3A_455 : memref<10240xf32, #tpu.memory_space<vmem>>[vector<16xi32>], vector<16xf32>,
        %add3A_456 = arith.constant 15 : i32
        %add3A_457 = arith.addi %mul3A_50, %add3A_456 : i32
        %mul3A_458 = arith.constant 16 : i32
        %mul3A_459 = arith.muli %add3A_457, %mul3A_458 : i32
        %get3A_460 = arith.index_cast %mul3A_459 : i32 to index
        %get3A_461 = tpu.vector_load %arg5[%get3A_460] {strides = array<i32>} : memref<32000xi32, #tpu.memory_space<vmem>>, vector<16xi32>,
        %slice3A_462 = vector.extract_strided_slice %get3A_54 {offsets = [15], sizes = [1], strides = [1]} : vector<16xf32> to vector<1xf32>
        %squeeze3A_463 = vector.extract %slice3A_462[0] : f32 from vector<1xf32>
        %broadcast_in_dim3A_464 = vector.broadcast %squeeze3A_463 : f32 to vector<16xf32>
        %gather3A_465 = tpu.vector_load_idx %arg10[%get3A_461] : memref<10240xf32, #tpu.memory_space<vmem>>[vector<16xi32>], vector<16xf32>,
        %max3A_466 = arith.maximumf %gather3A_465, %broadcast_in_dim3A_464 : vector<16xf32>
        tpu.vector_store_idx %arg10[%get3A_461], %max3A_466 : memref<10240xf32, #tpu.memory_space<vmem>>[vector<16xi32>], vector<16xf32>,
        %slice3A_467 = vector.extract_strided_slice %get3A_59 {offsets = [15], sizes = [1], strides = [1]} : vector<16xf32> to vector<1xf32>
        %squeeze3A_468 = vector.extract %slice3A_467[0] : f32 from vector<1xf32>
        %broadcast_in_dim3A_469 = vector.broadcast %squeeze3A_468 : f32 to vector<16xf32>
        %gather3A_470 = tpu.vector_load_idx %arg11[%get3A_461] : memref<10240xf32, #tpu.memory_space<vmem>>[vector<16xi32>], vector<16xf32>,
        %max3A_471 = arith.maximumf %gather3A_470, %broadcast_in_dim3A_469 : vector<16xf32>
        tpu.vector_store_idx %arg11[%get3A_461], %max3A_471 : memref<10240xf32, #tpu.memory_space<vmem>>[vector<16xi32>], vector<16xf32>,
        %slice3A_472 = vector.extract_strided_slice %get3A_64 {offsets = [15], sizes = [1], strides = [1]} : vector<16xf32> to vector<1xf32>
        %squeeze3A_473 = vector.extract %slice3A_472[0] : f32 from vector<1xf32>
        %broadcast_in_dim3A_474 = vector.broadcast %squeeze3A_473 : f32 to vector<16xf32>
        %gather3A_475 = tpu.vector_load_idx %arg12[%get3A_461] : memref<10240xf32, #tpu.memory_space<vmem>>[vector<16xi32>], vector<16xf32>,
        %max3A_476 = arith.maximumf %gather3A_475, %broadcast_in_dim3A_474 : vector<16xf32>
        tpu.vector_store_idx %arg12[%get3A_461], %max3A_476 : memref<10240xf32, #tpu.memory_space<vmem>>[vector<16xi32>], vector<16xf32>,
        %slice3A_477 = vector.extract_strided_slice %get3A_69 {offsets = [15], sizes = [1], strides = [1]} : vector<16xf32> to vector<1xf32>
        %squeeze3A_478 = vector.extract %slice3A_477[0] : f32 from vector<1xf32>
        %broadcast_in_dim3A_479 = vector.broadcast %squeeze3A_478 : f32 to vector<16xf32>
        %gather3A_480 = tpu.vector_load_idx %arg13[%get3A_461] : memref<10240xf32, #tpu.memory_space<vmem>>[vector<16xi32>], vector<16xf32>,
        %max3A_481 = arith.maximumf %gather3A_480, %broadcast_in_dim3A_479 : vector<16xf32>
        tpu.vector_store_idx %arg13[%get3A_461], %max3A_481 : memref<10240xf32, #tpu.memory_space<vmem>>[vector<16xi32>], vector<16xf32>,
        %scan3A_482 = arith.constant 0 : i32
        scf.yield %scan3A_482 : i32
      }
      %scan3A_45 = arith.constant 125 : i32
      %scan3A_46 = arith.constant 0 : i32
      scf.yield %scan3A_46 : i32
    }
    %scan3A_24 = arith.constant 5 : i32
    %add3A_25 = arith.constant 0 : i32
    %add3A_26 = arith.addi %mul3A_2, %add3A_25 : i32
    "tpu.region"() ({
      %run_scoped3A = tpu.sem_alloc : memref<!tpu.dma_semaphore, #tpu.memory_space<semaphore_mem>>
      %dma_start3A = arith.constant 0 : i32
      %dma_start3A_33 = tpu.memref_slice %arg4[%add3A_26, %dma_start3A] : memref<128x10240xf32, #tpu.memory_space<hbm>> -> memref<1x10240xf32, #tpu.memory_space<hbm>>
      %dma_start3A_34 = tpu.memref_squeeze %dma_start3A_33 : memref<1x10240xf32, #tpu.memory_space<hbm>> -> memref<10240xf32, #tpu.memory_space<hbm>>
      %dma_start3A_35 = arith.constant 0 : i32
      %dma_start3A_36 = tpu.memref_slice %arg4[%add3A_26, %dma_start3A_35] : memref<128x10240xf32, #tpu.memory_space<hbm>> -> memref<1x10240xf32, #tpu.memory_space<hbm>>
      %dma_start3A_37 = tpu.memref_squeeze %dma_start3A_36 : memref<1x10240xf32, #tpu.memory_space<hbm>> -> memref<10240xf32, #tpu.memory_space<hbm>>
      tpu.enqueue_dma source(%arg10 : memref<10240xf32, #tpu.memory_space<vmem>>) target(%dma_start3A_37 : memref<10240xf32, #tpu.memory_space<hbm>>) target_semaphore(%run_scoped3A : memref<!tpu.dma_semaphore, #tpu.memory_space<semaphore_mem>>)
      %dma_wait3A = arith.constant 0 : i32
      %dma_wait3A_38 = tpu.memref_slice %arg4[%add3A_26, %dma_wait3A] : memref<128x10240xf32, #tpu.memory_space<hbm>> -> memref<1x10240xf32, #tpu.memory_space<hbm>>
      %dma_wait3A_39 = tpu.memref_squeeze %dma_wait3A_38 : memref<1x10240xf32, #tpu.memory_space<hbm>> -> memref<10240xf32, #tpu.memory_space<hbm>>
      %dma_wait3A_40 = arith.constant 0 : i32
      %dma_wait3A_41 = tpu.memref_slice %arg4[%add3A_26, %dma_wait3A_40] : memref<128x10240xf32, #tpu.memory_space<hbm>> -> memref<1x10240xf32, #tpu.memory_space<hbm>>
      %dma_wait3A_42 = tpu.memref_squeeze %dma_wait3A_41 : memref<1x10240xf32, #tpu.memory_space<hbm>> -> memref<10240xf32, #tpu.memory_space<hbm>>
      tpu.wait_dma2 semaphore(%run_scoped3A : memref<!tpu.dma_semaphore, #tpu.memory_space<semaphore_mem>>) src(%arg10 : memref<10240xf32, #tpu.memory_space<vmem>>) dst(%dma_wait3A_42 : memref<10240xf32, #tpu.memory_space<hbm>>)
      tpu.yield
    }) : () -> ()
    %add3A_27 = arith.constant 1 : i32
    %add3A_28 = arith.addi %mul3A_2, %add3A_27 : i32
    "tpu.region"() ({
      %run_scoped3A = tpu.sem_alloc : memref<!tpu.dma_semaphore, #tpu.memory_space<semaphore_mem>>
      %dma_start3A = arith.constant 0 : i32
      %dma_start3A_33 = tpu.memref_slice %arg4[%add3A_28, %dma_start3A] : memref<128x10240xf32, #tpu.memory_space<hbm>> -> memref<1x10240xf32, #tpu.memory_space<hbm>>
      %dma_start3A_34 = tpu.memref_squeeze %dma_start3A_33 : memref<1x10240xf32, #tpu.memory_space<hbm>> -> memref<10240xf32, #tpu.memory_space<hbm>>
      %dma_start3A_35 = arith.constant 0 : i32
      %dma_start3A_36 = tpu.memref_slice %arg4[%add3A_28, %dma_start3A_35] : memref<128x10240xf32, #tpu.memory_space<hbm>> -> memref<1x10240xf32, #tpu.memory_space<hbm>>
      %dma_start3A_37 = tpu.memref_squeeze %dma_start3A_36 : memref<1x10240xf32, #tpu.memory_space<hbm>> -> memref<10240xf32, #tpu.memory_space<hbm>>
      tpu.enqueue_dma source(%arg11 : memref<10240xf32, #tpu.memory_space<vmem>>) target(%dma_start3A_37 : memref<10240xf32, #tpu.memory_space<hbm>>) target_semaphore(%run_scoped3A : memref<!tpu.dma_semaphore, #tpu.memory_space<semaphore_mem>>)
      %dma_wait3A = arith.constant 0 : i32
      %dma_wait3A_38 = tpu.memref_slice %arg4[%add3A_28, %dma_wait3A] : memref<128x10240xf32, #tpu.memory_space<hbm>> -> memref<1x10240xf32, #tpu.memory_space<hbm>>
      %dma_wait3A_39 = tpu.memref_squeeze %dma_wait3A_38 : memref<1x10240xf32, #tpu.memory_space<hbm>> -> memref<10240xf32, #tpu.memory_space<hbm>>
      %dma_wait3A_40 = arith.constant 0 : i32
      %dma_wait3A_41 = tpu.memref_slice %arg4[%add3A_28, %dma_wait3A_40] : memref<128x10240xf32, #tpu.memory_space<hbm>> -> memref<1x10240xf32, #tpu.memory_space<hbm>>
      %dma_wait3A_42 = tpu.memref_squeeze %dma_wait3A_41 : memref<1x10240xf32, #tpu.memory_space<hbm>> -> memref<10240xf32, #tpu.memory_space<hbm>>
      tpu.wait_dma2 semaphore(%run_scoped3A : memref<!tpu.dma_semaphore, #tpu.memory_space<semaphore_mem>>) src(%arg11 : memref<10240xf32, #tpu.memory_space<vmem>>) dst(%dma_wait3A_42 : memref<10240xf32, #tpu.memory_space<hbm>>)
      tpu.yield
    }) : () -> ()
    %add3A_29 = arith.constant 2 : i32
    %add3A_30 = arith.addi %mul3A_2, %add3A_29 : i32
    "tpu.region"() ({
      %run_scoped3A = tpu.sem_alloc : memref<!tpu.dma_semaphore, #tpu.memory_space<semaphore_mem>>
      %dma_start3A = arith.constant 0 : i32
      %dma_start3A_33 = tpu.memref_slice %arg4[%add3A_30, %dma_start3A] : memref<128x10240xf32, #tpu.memory_space<hbm>> -> memref<1x10240xf32, #tpu.memory_space<hbm>>
      %dma_start3A_34 = tpu.memref_squeeze %dma_start3A_33 : memref<1x10240xf32, #tpu.memory_space<hbm>> -> memref<10240xf32, #tpu.memory_space<hbm>>
      %dma_start3A_35 = arith.constant 0 : i32
      %dma_start3A_36 = tpu.memref_slice %arg4[%add3A_30, %dma_start3A_35] : memref<128x10240xf32, #tpu.memory_space<hbm>> -> memref<1x10240xf32, #tpu.memory_space<hbm>>
      %dma_start3A_37 = tpu.memref_squeeze %dma_start3A_36 : memref<1x10240xf32, #tpu.memory_space<hbm>> -> memref<10240xf32, #tpu.memory_space<hbm>>
      tpu.enqueue_dma source(%arg12 : memref<10240xf32, #tpu.memory_space<vmem>>) target(%dma_start3A_37 : memref<10240xf32, #tpu.memory_space<hbm>>) target_semaphore(%run_scoped3A : memref<!tpu.dma_semaphore, #tpu.memory_space<semaphore_mem>>)
      %dma_wait3A = arith.constant 0 : i32
      %dma_wait3A_38 = tpu.memref_slice %arg4[%add3A_30, %dma_wait3A] : memref<128x10240xf32, #tpu.memory_space<hbm>> -> memref<1x10240xf32, #tpu.memory_space<hbm>>
      %dma_wait3A_39 = tpu.memref_squeeze %dma_wait3A_38 : memref<1x10240xf32, #tpu.memory_space<hbm>> -> memref<10240xf32, #tpu.memory_space<hbm>>
      %dma_wait3A_40 = arith.constant 0 : i32
      %dma_wait3A_41 = tpu.memref_slice %arg4[%add3A_30, %dma_wait3A_40] : memref<128x10240xf32, #tpu.memory_space<hbm>> -> memref<1x10240xf32, #tpu.memory_space<hbm>>
      %dma_wait3A_42 = tpu.memref_squeeze %dma_wait3A_41 : memref<1x10240xf32, #tpu.memory_space<hbm>> -> memref<10240xf32, #tpu.memory_space<hbm>>
      tpu.wait_dma2 semaphore(%run_scoped3A : memref<!tpu.dma_semaphore, #tpu.memory_space<semaphore_mem>>) src(%arg12 : memref<10240xf32, #tpu.memory_space<vmem>>) dst(%dma_wait3A_42 : memref<10240xf32, #tpu.memory_space<hbm>>)
      tpu.yield
    }) : () -> ()
    %add3A_31 = arith.constant 3 : i32
    %add3A_32 = arith.addi %mul3A_2, %add3A_31 : i32
    "tpu.region"() ({
      %run_scoped3A = tpu.sem_alloc : memref<!tpu.dma_semaphore, #tpu.memory_space<semaphore_mem>>
      %dma_start3A = arith.constant 0 : i32
      %dma_start3A_33 = tpu.memref_slice %arg4[%add3A_32, %dma_start3A] : memref<128x10240xf32, #tpu.memory_space<hbm>> -> memref<1x10240xf32, #tpu.memory_space<hbm>>
      %dma_start3A_34 = tpu.memref_squeeze %dma_start3A_33 : memref<1x10240xf32, #tpu.memory_space<hbm>> -> memref<10240xf32, #tpu.memory_space<hbm>>
      %dma_start3A_35 = arith.constant 0 : i32
      %dma_start3A_36 = tpu.memref_slice %arg4[%add3A_32, %dma_start3A_35] : memref<128x10240xf32, #tpu.memory_space<hbm>> -> memref<1x10240xf32, #tpu.memory_space<hbm>>
      %dma_start3A_37 = tpu.memref_squeeze %dma_start3A_36 : memref<1x10240xf32, #tpu.memory_space<hbm>> -> memref<10240xf32, #tpu.memory_space<hbm>>
      tpu.enqueue_dma source(%arg13 : memref<10240xf32, #tpu.memory_space<vmem>>) target(%dma_start3A_37 : memref<10240xf32, #tpu.memory_space<hbm>>) target_semaphore(%run_scoped3A : memref<!tpu.dma_semaphore, #tpu.memory_space<semaphore_mem>>)
      %dma_wait3A = arith.constant 0 : i32
      %dma_wait3A_38 = tpu.memref_slice %arg4[%add3A_32, %dma_wait3A] : memref<128x10240xf32, #tpu.memory_space<hbm>> -> memref<1x10240xf32, #tpu.memory_space<hbm>>
      %dma_wait3A_39 = tpu.memref_squeeze %dma_wait3A_38 : memref<1x10240xf32, #tpu.memory_space<hbm>> -> memref<10240xf32, #tpu.memory_space<hbm>>
      %dma_wait3A_40 = arith.constant 0 : i32
      %dma_wait3A_41 = tpu.memref_slice %arg4[%add3A_32, %dma_wait3A_40] : memref<128x10240xf32, #tpu.memory_space<hbm>> -> memref<1x10240xf32, #tpu.memory_space<hbm>>
      %dma_wait3A_42 = tpu.memref_squeeze %dma_wait3A_41 : memref<1x10240xf32, #tpu.memory_space<hbm>> -> memref<10240xf32, #tpu.memory_space<hbm>>
      tpu.wait_dma2 semaphore(%run_scoped3A : memref<!tpu.dma_semaphore, #tpu.memory_space<semaphore_mem>>) src(%arg13 : memref<10240xf32, #tpu.memory_space<vmem>>) dst(%dma_wait3A_42 : memref<10240xf32, #tpu.memory_space<hbm>>)
      tpu.yield
    }) : () -> ()
    return
  }
}

module attributes {stable_mosaic.version = 14 : i64} {
  func.func @_lin_bn_body(%arg0: memref<128x10240xf32, #tpu.memory_space<vmem>>, %arg1: memref<128x128xf32, #tpu.memory_space<vmem>>, %arg2: memref<1x128xf32, #tpu.memory_space<vmem>>, %arg3: memref<1x128xf32, #tpu.memory_space<vmem>>, %arg4: memref<1x128xf32, #tpu.memory_space<vmem>>, %arg5: memref<10240x128xf32, #tpu.memory_space<vmem>>) attributes {dimension_semantics = [], scalar_prefetch = 0 : i64, scratch_operands = 0 : i64, tpu.core_type = #tpu.core_type<tc>} {
    %get3A = arith.constant 0 : index
    %get3A_0 = arith.constant 0 : index
    %get3A_1 = vector.load %arg1[%get3A, %get3A_0] : memref<128x128xf32, #tpu.memory_space<vmem>>, vector<128x128xf32>
    %broadcast_in_dim3A = arith.constant 0.000000e+00 : f32
    %broadcast_in_dim3A_2 = vector.broadcast %broadcast_in_dim3A : f32 to vector<1x128xf32>
    %scan3A = arith.constant 0 : i32
    %scan3A_3 = arith.constant 5 : i32
    %scan3A_4 = arith.addi %scan3A, %scan3A_3 : i32
    %scan3A_5 = arith.constant 1 : i32
    %scan3A_6 = scf.for %scan3A_36 = %scan3A to %scan3A_4 step %scan3A_5 iter_args(%scan3A_37 = %broadcast_in_dim3A_2) -> (vector<1x128xf32>)  : i32 {
      %mul3A_38 = arith.constant 2048 : i32
      %mul3A_39 = arith.muli %scan3A_36, %mul3A_38 : i32
      %get3A_40 = arith.constant 0 : index
      %get3A_41 = arith.index_cast %mul3A_39 : i32 to index
      %get3A_42 = vector.load %arg0[%get3A_40, %get3A_41] : memref<128x10240xf32, #tpu.memory_space<vmem>>, vector<128x2048xf32>
      %eq3A = arith.constant 0xFF800000 : f32
      %eq3A_43 = vector.broadcast %eq3A : f32 to vector<128x2048xf32>
      %eq3A_44 = arith.cmpf oeq, %get3A_42, %eq3A_43 : vector<128x2048xf32>
      %jit3A = arith.constant 0.000000e+00 : f32
      %broadcast_in_dim3A_45 = vector.broadcast %jit3A : f32 to vector<128x2048xf32>
      %select_n3A = arith.select %eq3A_44, %broadcast_in_dim3A_45, %get3A_42 : vector<128x2048xi1>, vector<128x2048xf32>
      %dot_general3A = arith.constant dense<0.000000e+00> : vector<2048x128xf32>
      %dot_general3A_46 = tpu.matmul %select_n3A, %get3A_1, %dot_general3A {dimension_numbers = #tpu.dot_dimension_numbers<[0], [1], [1], [0], [0, 1, 1, 0], [], []>, transpose_lhs_hint = false} : vector<128x2048xf32>, vector<128x128xf32>, vector<2048x128xf32> -> vector<2048x128xf32>
      %get3A_47 = arith.constant 0 : index
      %get3A_48 = arith.constant 0 : index
      %get3A_49 = vector.load %arg2[%get3A_47, %get3A_48] : memref<1x128xf32, #tpu.memory_space<vmem>>, vector<1x128xf32>
      %add3A_50 = vector.broadcast %get3A_49 : vector<1x128xf32> to vector<2048x128xf32>
      %add3A_51 = arith.addf %dot_general3A_46, %add3A_50 : vector<2048x128xf32>
      %mul3A_52 = arith.constant 2048 : i32
      %mul3A_53 = arith.muli %scan3A_36, %mul3A_52 : i32
      %swap3A = arith.index_cast %mul3A_53 : i32 to index
      %swap3A_54 = arith.constant 0 : index
      %swap3A_55 = vector.load %arg5[%swap3A, %swap3A_54] : memref<10240x128xf32, #tpu.memory_space<vmem>>, vector<2048x128xf32>
      tpu.vector_store %arg5[%swap3A, %swap3A_54], %add3A_51 {strides = array<i32>} : memref<10240x128xf32, #tpu.memory_space<vmem>>, vector<2048x128xf32>,
      %iota3A = tpu.iota {dimensions = array<i32: 0>} : vector<2048x1xi32>
      %mul3A_56 = arith.constant 2048 : i32
      %mul3A_57 = arith.muli %scan3A_36, %mul3A_56 : i32
      %add3A_58 = vector.broadcast %mul3A_57 : i32 to vector<2048x1xi32>
      %add3A_59 = arith.addi %iota3A, %add3A_58 : vector<2048x1xi32>
      %lt3A = arith.constant 10000 : i32
      %lt3A_60 = vector.broadcast %lt3A : i32 to vector<2048x1xi32>
      %lt3A_61 = arith.cmpi slt, %add3A_59, %lt3A_60 : vector<2048x1xi32>
      %jit3A_62 = arith.constant 0.000000e+00 : f32
      %broadcast_in_dim3A_63 = vector.shape_cast %lt3A_61 : vector<2048x1xi1> to vector<2048x1xi1>
      %broadcast_in_dim3A_64 = vector.broadcast %broadcast_in_dim3A_63 : vector<2048x1xi1> to vector<2048x128xi1>
      %broadcast_in_dim3A_65 = vector.broadcast %jit3A_62 : f32 to vector<2048x128xf32>
      %select_n3A_66 = arith.select %broadcast_in_dim3A_64, %add3A_51, %broadcast_in_dim3A_65 : vector<2048x128xi1>, vector<2048x128xf32>
      %reduce_sum3A = arith.constant dense<0.000000e+00> : vector<128xf32>
      %reduce_sum3A_67 = vector.multi_reduction <add>, %select_n3A_66, %reduce_sum3A [0] : vector<2048x128xf32> to vector<128xf32>
      %broadcast_in_dim3A_68 = vector.shape_cast %reduce_sum3A_67 : vector<128xf32> to vector<1x128xf32>
      %add3A_69 = arith.addf %scan3A_37, %broadcast_in_dim3A_68 : vector<1x128xf32>
      scf.yield %add3A_69 : vector<1x128xf32>
    }
    %scan3A_7 = arith.constant 5 : i32
    %mul3A = arith.constant 9.99999974E-5 : f32
    %mul3A_8 = vector.broadcast %mul3A : f32 to vector<1x128xf32>
    %mul3A_9 = arith.mulf %scan3A_6, %mul3A_8 : vector<1x128xf32>
    %broadcast_in_dim3A_10 = arith.constant 0.000000e+00 : f32
    %broadcast_in_dim3A_11 = vector.broadcast %broadcast_in_dim3A_10 : f32 to vector<1x128xf32>
    %scan3A_12 = arith.constant 0 : i32
    %scan3A_13 = arith.constant 5 : i32
    %scan3A_14 = arith.addi %scan3A_12, %scan3A_13 : i32
    %scan3A_15 = arith.constant 1 : i32
    %scan3A_16 = scf.for %scan3A_36 = %scan3A_12 to %scan3A_14 step %scan3A_15 iter_args(%scan3A_37 = %broadcast_in_dim3A_11) -> (vector<1x128xf32>)  : i32 {
      %mul3A_38 = arith.constant 2048 : i32
      %mul3A_39 = arith.muli %scan3A_36, %mul3A_38 : i32
      %get3A_40 = arith.index_cast %mul3A_39 : i32 to index
      %get3A_41 = arith.constant 0 : index
      %get3A_42 = vector.load %arg5[%get3A_40, %get3A_41] : memref<10240x128xf32, #tpu.memory_space<vmem>>, vector<2048x128xf32>
      %sub3A_43 = vector.broadcast %mul3A_9 : vector<1x128xf32> to vector<2048x128xf32>
      %sub3A_44 = arith.subf %get3A_42, %sub3A_43 : vector<2048x128xf32>
      %iota3A = tpu.iota {dimensions = array<i32: 0>} : vector<2048x1xi32>
      %mul3A_45 = arith.constant 2048 : i32
      %mul3A_46 = arith.muli %scan3A_36, %mul3A_45 : i32
      %add3A_47 = vector.broadcast %mul3A_46 : i32 to vector<2048x1xi32>
      %add3A_48 = arith.addi %iota3A, %add3A_47 : vector<2048x1xi32>
      %lt3A = arith.constant 10000 : i32
      %lt3A_49 = vector.broadcast %lt3A : i32 to vector<2048x1xi32>
      %lt3A_50 = arith.cmpi slt, %add3A_48, %lt3A_49 : vector<2048x1xi32>
      %mul3A_51 = arith.mulf %sub3A_44, %sub3A_44 : vector<2048x128xf32>
      %jit3A = arith.constant 0.000000e+00 : f32
      %broadcast_in_dim3A_52 = vector.shape_cast %lt3A_50 : vector<2048x1xi1> to vector<2048x1xi1>
      %broadcast_in_dim3A_53 = vector.broadcast %broadcast_in_dim3A_52 : vector<2048x1xi1> to vector<2048x128xi1>
      %broadcast_in_dim3A_54 = vector.broadcast %jit3A : f32 to vector<2048x128xf32>
      %select_n3A = arith.select %broadcast_in_dim3A_53, %mul3A_51, %broadcast_in_dim3A_54 : vector<2048x128xi1>, vector<2048x128xf32>
      %reduce_sum3A = arith.constant dense<0.000000e+00> : vector<128xf32>
      %reduce_sum3A_55 = vector.multi_reduction <add>, %select_n3A, %reduce_sum3A [0] : vector<2048x128xf32> to vector<128xf32>
      %broadcast_in_dim3A_56 = vector.shape_cast %reduce_sum3A_55 : vector<128xf32> to vector<1x128xf32>
      %add3A_57 = arith.addf %scan3A_37, %broadcast_in_dim3A_56 : vector<1x128xf32>
      scf.yield %add3A_57 : vector<1x128xf32>
    }
    %scan3A_17 = arith.constant 5 : i32
    %mul3A_18 = arith.constant 9.99999974E-5 : f32
    %mul3A_19 = vector.broadcast %mul3A_18 : f32 to vector<1x128xf32>
    %mul3A_20 = arith.mulf %scan3A_16, %mul3A_19 : vector<1x128xf32>
    %get3A_21 = arith.constant 0 : index
    %get3A_22 = arith.constant 0 : index
    %get3A_23 = vector.load %arg3[%get3A_21, %get3A_22] : memref<1x128xf32, #tpu.memory_space<vmem>>, vector<1x128xf32>
    %add3A = arith.constant 9.99999974E-6 : f32
    %add3A_24 = vector.broadcast %add3A : f32 to vector<1x128xf32>
    %add3A_25 = arith.addf %mul3A_20, %add3A_24 : vector<1x128xf32>
    %rsqrt3A = math.rsqrt %add3A_25 : vector<1x128xf32>
    %mul3A_26 = arith.mulf %get3A_23, %rsqrt3A : vector<1x128xf32>
    %get3A_27 = arith.constant 0 : index
    %get3A_28 = arith.constant 0 : index
    %get3A_29 = vector.load %arg4[%get3A_27, %get3A_28] : memref<1x128xf32, #tpu.memory_space<vmem>>, vector<1x128xf32>
    %mul3A_30 = arith.mulf %mul3A_9, %mul3A_26 : vector<1x128xf32>
    %sub3A = arith.subf %get3A_29, %mul3A_30 : vector<1x128xf32>
    %scan3A_31 = arith.constant 0 : i32
    %scan3A_32 = arith.constant 5 : i32
    %scan3A_33 = arith.addi %scan3A_31, %scan3A_32 : i32
    %scan3A_34 = arith.constant 1 : i32
    scf.for %scan3A_36 = %scan3A_31 to %scan3A_33 step %scan3A_34  : i32 {
      %mul3A_37 = arith.constant 2048 : i32
      %mul3A_38 = arith.muli %scan3A_36, %mul3A_37 : i32
      %get3A_39 = arith.index_cast %mul3A_38 : i32 to index
      %get3A_40 = arith.constant 0 : index
      %get3A_41 = vector.load %arg5[%get3A_39, %get3A_40] : memref<10240x128xf32, #tpu.memory_space<vmem>>, vector<2048x128xf32>
      %mul3A_42 = vector.broadcast %mul3A_26 : vector<1x128xf32> to vector<2048x128xf32>
      %mul3A_43 = arith.mulf %get3A_41, %mul3A_42 : vector<2048x128xf32>
      %add3A_44 = vector.broadcast %sub3A : vector<1x128xf32> to vector<2048x128xf32>
      %add3A_45 = arith.addf %mul3A_43, %add3A_44 : vector<2048x128xf32>
      %max3A = arith.constant 0.000000e+00 : f32
      %max3A_46 = vector.broadcast %max3A : f32 to vector<2048x128xf32>
      %max3A_47 = arith.maximumf %add3A_45, %max3A_46 : vector<2048x128xf32>
      %mul3A_48 = arith.constant 2048 : i32
      %mul3A_49 = arith.muli %scan3A_36, %mul3A_48 : i32
      %swap3A = arith.index_cast %mul3A_49 : i32 to index
      %swap3A_50 = arith.constant 0 : index
      %swap3A_51 = vector.load %arg5[%swap3A, %swap3A_50] : memref<10240x128xf32, #tpu.memory_space<vmem>>, vector<2048x128xf32>
      tpu.vector_store %arg5[%swap3A, %swap3A_50], %max3A_47 {strides = array<i32>} : memref<10240x128xf32, #tpu.memory_space<vmem>>, vector<2048x128xf32>,
    }
    %scan3A_35 = arith.constant 5 : i32
    return
  }
}

module attributes {stable_mosaic.version = 14 : i64} {
  func.func @_knn_body(%arg0: i32, %arg1: memref<25x2xi32, #tpu.memory_space<smem>>, %arg2: memref<400x1xi32, #tpu.memory_space<vmem>>, %arg3: memref<1x10240xi32, #tpu.memory_space<vmem>>, %arg4: memref<400x128xf32, #tpu.memory_space<vmem>>, %arg5: memref<10240x128xf32, #tpu.memory_space<vmem>>, %arg6: memref<400x16xi32, #tpu.memory_space<vmem>>, %arg7: memref<400x10240xf32, #tpu.memory_space<vmem>>, %arg8: memref<8x10240xf32, #tpu.memory_space<vmem>>) attributes {dimension_semantics = [#tpu.dimension_semantics<arbitrary>], iteration_bounds = array<i64: 25>, scalar_prefetch = 0 : i64, scratch_operands = 2 : i64, tpu.core_type = #tpu.core_type<tc>, window_params = [{transform_indices = @transform_0, window_bounds = array<i64: 25, 2>}, {transform_indices = @transform_1, window_bounds = array<i64: 400, 1>}, {pipeline_mode = #tpu.pipeline_mode<synchronous>, transform_indices = @transform_2, window_bounds = array<i64: 1, 10240>}, {transform_indices = @transform_3, window_bounds = array<i64: 400, 128>}, {pipeline_mode = #tpu.pipeline_mode<synchronous>, transform_indices = @transform_4, window_bounds = array<i64: 10240, 128>}, {transform_indices = @transform_5, window_bounds = array<i64: 400, 16>}]} {
    %eq3A = arith.constant 0 : i32
    %eq3A_0 = arith.cmpi eq, %arg0, %eq3A : i32
    %convert_element_type3A = arith.extui %eq3A_0 : i1 to i32
    %cond3A = arith.constant 0 : i32
    %cond3A_1 = arith.cmpi ne, %convert_element_type3A, %cond3A : i32
    scf.if %cond3A_1 {
      %broadcast_in_dim3A_136 = arith.constant 1.000000e+00 : f32
      %broadcast_in_dim3A_137 = vector.broadcast %broadcast_in_dim3A_136 : f32 to vector<8x128xf32>
      %scan3A = arith.constant 0 : i32
      %scan3A_138 = arith.constant 5 : i32
      %scan3A_139 = arith.addi %scan3A, %scan3A_138 : i32
      %scan3A_140 = arith.constant 1 : i32
      scf.for %scan3A_142 = %scan3A to %scan3A_139 step %scan3A_140  : i32 {
        %mul3A_143 = arith.constant 2048 : i32
        %mul3A_144 = arith.muli %scan3A_142, %mul3A_143 : i32
        %get3A_145 = arith.index_cast %mul3A_144 : i32 to index
        %get3A_146 = arith.constant 0 : index
        %get3A_147 = vector.load %arg5[%get3A_145, %get3A_146] : memref<10240x128xf32, #tpu.memory_space<vmem>>, vector<2048x128xf32>
        %mul3A_148 = arith.mulf %get3A_147, %get3A_147 : vector<2048x128xf32>
        %dot_general3A = arith.constant dense<0.000000e+00> : vector<8x2048xf32>
        %dot_general3A_149 = tpu.matmul %broadcast_in_dim3A_137, %mul3A_148, %dot_general3A {dimension_numbers = #tpu.dot_dimension_numbers<[1], [1], [0], [0], [0, 0, 1, 0], [], []>, precision = #tpu.contract_precision<fp32>, transpose_lhs_hint = false} : vector<8x128xf32>, vector<2048x128xf32>, vector<8x2048xf32> -> vector<8x2048xf32>
        %mul3A_150 = arith.constant 2048 : i32
        %mul3A_151 = arith.muli %scan3A_142, %mul3A_150 : i32
        %swap3A_152 = arith.constant 0 : index
        %swap3A_153 = arith.index_cast %mul3A_151 : i32 to index
        %swap3A_154 = vector.load %arg8[%swap3A_152, %swap3A_153] : memref<8x10240xf32, #tpu.memory_space<vmem>>, vector<8x2048xf32>
        tpu.vector_store %arg8[%swap3A_152, %swap3A_153], %dot_general3A_149 {strides = array<i32>} : memref<8x10240xf32, #tpu.memory_space<vmem>>, vector<8x2048xf32>,
      }
      %scan3A_141 = arith.constant 5 : i32
    } else {
    }
    %get3A = arith.index_cast %arg0 : i32 to index
    %get3A_2 = arith.constant 0 : index
    %get3A_3 = memref.load %arg1[%get3A, %get3A_2] : memref<25x2xi32, #tpu.memory_space<smem>>
    %get3A_4 = arith.index_cast %arg0 : i32 to index
    %get3A_5 = arith.constant 1 : index
    %get3A_6 = memref.load %arg1[%get3A_4, %get3A_5] : memref<25x2xi32, #tpu.memory_space<smem>>
    %mul3A = arith.constant 400 : i32
    %mul3A_7 = arith.muli %arg0, %mul3A : i32
    %get3A_8 = arith.constant 0 : index
    %get3A_9 = arith.constant 0 : index
    %get3A_10 = vector.load %arg4[%get3A_8, %get3A_9] : memref<400x128xf32, #tpu.memory_space<vmem>>, vector<400x128xf32>
    %mul3A_11 = arith.mulf %get3A_10, %get3A_10 : vector<400x128xf32>
    %reduce_sum3A = arith.constant dense<0.000000e+00> : vector<400xf32>
    %reduce_sum3A_12 = vector.multi_reduction <add>, %mul3A_11, %reduce_sum3A [1] : vector<400x128xf32> to vector<400xf32>
    %broadcast_in_dim3A = vector.shape_cast %reduce_sum3A_12 : vector<400xf32> to vector<400x1xf32>
    %convert_element_type3A_13 = arith.truncf %get3A_10 : vector<400x128xf32> to vector<400x128xbf16>
    %get3A_14 = arith.constant 0 : index
    %get3A_15 = arith.constant 0 : index
    %get3A_16 = vector.load %arg2[%get3A_14, %get3A_15] : memref<400x1xi32, #tpu.memory_space<vmem>>, vector<400x1xi32>
    %while3A = arith.constant 0 : i32
    %while3A_17 = arith.subi %get3A_6, %get3A_3 : i32
    %while3A_18 = arith.addi %get3A_3, %while3A_17 : i32
    %while3A_19 = arith.constant 1 : i32
    %while3A_20 = arith.divsi %while3A_17, %while3A_19 : i32
    %while3A_21 = arith.muli %while3A_20, %while3A_19 : i32
    %while3A_22 = arith.addi %get3A_3, %while3A_21 : i32
    %while3A_23 = arith.constant 1 : i32
    %while3A_24 = scf.for %while3A_136 = %get3A_3 to %while3A_22 step %while3A_23 iter_args(%while3A_137 = %while3A) -> (i32)  : i32 {
      %mul3A_138 = arith.constant 2048 : i32
      %mul3A_139 = arith.muli %while3A_136, %mul3A_138 : i32
      %get3A_140 = arith.index_cast %mul3A_139 : i32 to index
      %get3A_141 = arith.constant 0 : index
      %get3A_142 = vector.load %arg5[%get3A_140, %get3A_141] : memref<10240x128xf32, #tpu.memory_space<vmem>>, vector<2048x128xf32>
      %convert_element_type3A_143 = arith.truncf %get3A_142 : vector<2048x128xf32> to vector<2048x128xbf16>
      %dot_general3A = arith.constant dense<0.000000e+00> : vector<400x2048xf32>
      %dot_general3A_144 = tpu.matmul %convert_element_type3A_13, %convert_element_type3A_143, %dot_general3A {dimension_numbers = #tpu.dot_dimension_numbers<[1], [1], [0], [0], [0, 0, 1, 0], [], []>, transpose_lhs_hint = false} : vector<400x128xbf16>, vector<2048x128xbf16>, vector<400x2048xf32> -> vector<400x2048xf32>
      %mul3A_145 = arith.constant 2.000000e+00 : f32
      %mul3A_146 = vector.broadcast %mul3A_145 : f32 to vector<400x2048xf32>
      %mul3A_147 = arith.mulf %mul3A_146, %dot_general3A_144 : vector<400x2048xf32>
      %sub3A = vector.broadcast %broadcast_in_dim3A : vector<400x1xf32> to vector<400x2048xf32>
      %sub3A_148 = arith.subf %sub3A, %mul3A_147 : vector<400x2048xf32>
      %mul3A_149 = arith.constant 2048 : i32
      %mul3A_150 = arith.muli %while3A_136, %mul3A_149 : i32
      %get3A_151 = arith.constant 0 : index
      %get3A_152 = arith.index_cast %mul3A_150 : i32 to index
      %get3A_153 = vector.load %arg8[%get3A_151, %get3A_152] : memref<8x10240xf32, #tpu.memory_space<vmem>>, vector<1x2048xf32>
      %add3A = vector.broadcast %get3A_153 : vector<1x2048xf32> to vector<400x2048xf32>
      %add3A_154 = arith.addf %sub3A_148, %add3A : vector<400x2048xf32>
      %mul3A_155 = arith.constant 2048 : i32
      %mul3A_156 = arith.muli %while3A_136, %mul3A_155 : i32
      %get3A_157 = arith.constant 0 : index
      %get3A_158 = arith.index_cast %mul3A_156 : i32 to index
      %get3A_159 = vector.load %arg3[%get3A_157, %get3A_158] : memref<1x10240xi32, #tpu.memory_space<vmem>>, vector<1x2048xi32>
      %iota3A = tpu.iota {dimensions = array<i32: 1>} : vector<400x2048xi32>
      %mul3A_160 = arith.constant 2048 : i32
      %mul3A_161 = arith.muli %while3A_136, %mul3A_160 : i32
      %add3A_162 = vector.broadcast %mul3A_161 : i32 to vector<400x2048xi32>
      %add3A_163 = arith.addi %iota3A, %add3A_162 : vector<400x2048xi32>
      %iota3A_164 = tpu.iota {dimensions = array<i32: 0>} : vector<400x2048xi32>
      %add3A_165 = vector.broadcast %mul3A_7 : i32 to vector<400x2048xi32>
      %add3A_166 = arith.addi %iota3A_164, %add3A_165 : vector<400x2048xi32>
      %ne3A = vector.broadcast %get3A_159 : vector<1x2048xi32> to vector<400x2048xi32>
      %ne3A_167 = vector.broadcast %get3A_16 : vector<400x1xi32> to vector<400x2048xi32>
      %ne3A_168 = arith.cmpi ne, %ne3A, %ne3A_167 : vector<400x2048xi32>
      %eq3A_169 = arith.cmpi eq, %add3A_163, %add3A_166 : vector<400x2048xi32>
      %or3A = arith.ori %ne3A_168, %eq3A_169 : vector<400x2048xi1>
      %jit3A = arith.constant 0x7F800000 : f32
      %broadcast_in_dim3A_170 = vector.broadcast %jit3A : f32 to vector<400x2048xf32>
      %select_n3A = arith.select %or3A, %broadcast_in_dim3A_170, %add3A_154 : vector<400x2048xi1>, vector<400x2048xf32>
      %mul3A_171 = arith.constant 2048 : i32
      %mul3A_172 = arith.muli %while3A_136, %mul3A_171 : i32
      %swap3A_173 = arith.constant 0 : index
      %swap3A_174 = arith.index_cast %mul3A_172 : i32 to index
      %swap3A_175 = vector.load %arg7[%swap3A_173, %swap3A_174] : memref<400x10240xf32, #tpu.memory_space<vmem>>, vector<400x2048xf32>
      tpu.vector_store %arg7[%swap3A_173, %swap3A_174], %select_n3A {strides = array<i32>} : memref<400x10240xf32, #tpu.memory_space<vmem>>, vector<400x2048xf32>,
      %while3A_176 = arith.constant 0 : i32
      scf.yield %while3A_176 : i32
    }
    %while3A_25 = arith.constant 1 : i32
    %while3A_26 = scf.for %while3A_136 = %while3A_22 to %while3A_18 step %while3A_25 iter_args(%while3A_137 = %while3A_24) -> (i32)  : i32 {
      %mul3A_138 = arith.constant 2048 : i32
      %mul3A_139 = arith.muli %while3A_136, %mul3A_138 : i32
      %get3A_140 = arith.index_cast %mul3A_139 : i32 to index
      %get3A_141 = arith.constant 0 : index
      %get3A_142 = vector.load %arg5[%get3A_140, %get3A_141] : memref<10240x128xf32, #tpu.memory_space<vmem>>, vector<2048x128xf32>
      %convert_element_type3A_143 = arith.truncf %get3A_142 : vector<2048x128xf32> to vector<2048x128xbf16>
      %dot_general3A = arith.constant dense<0.000000e+00> : vector<400x2048xf32>
      %dot_general3A_144 = tpu.matmul %convert_element_type3A_13, %convert_element_type3A_143, %dot_general3A {dimension_numbers = #tpu.dot_dimension_numbers<[1], [1], [0], [0], [0, 0, 1, 0], [], []>, transpose_lhs_hint = false} : vector<400x128xbf16>, vector<2048x128xbf16>, vector<400x2048xf32> -> vector<400x2048xf32>
      %mul3A_145 = arith.constant 2.000000e+00 : f32
      %mul3A_146 = vector.broadcast %mul3A_145 : f32 to vector<400x2048xf32>
      %mul3A_147 = arith.mulf %mul3A_146, %dot_general3A_144 : vector<400x2048xf32>
      %sub3A = vector.broadcast %broadcast_in_dim3A : vector<400x1xf32> to vector<400x2048xf32>
      %sub3A_148 = arith.subf %sub3A, %mul3A_147 : vector<400x2048xf32>
      %mul3A_149 = arith.constant 2048 : i32
      %mul3A_150 = arith.muli %while3A_136, %mul3A_149 : i32
      %get3A_151 = arith.constant 0 : index
      %get3A_152 = arith.index_cast %mul3A_150 : i32 to index
      %get3A_153 = vector.load %arg8[%get3A_151, %get3A_152] : memref<8x10240xf32, #tpu.memory_space<vmem>>, vector<1x2048xf32>
      %add3A = vector.broadcast %get3A_153 : vector<1x2048xf32> to vector<400x2048xf32>
      %add3A_154 = arith.addf %sub3A_148, %add3A : vector<400x2048xf32>
      %mul3A_155 = arith.constant 2048 : i32
      %mul3A_156 = arith.muli %while3A_136, %mul3A_155 : i32
      %get3A_157 = arith.constant 0 : index
      %get3A_158 = arith.index_cast %mul3A_156 : i32 to index
      %get3A_159 = vector.load %arg3[%get3A_157, %get3A_158] : memref<1x10240xi32, #tpu.memory_space<vmem>>, vector<1x2048xi32>
      %iota3A = tpu.iota {dimensions = array<i32: 1>} : vector<400x2048xi32>
      %mul3A_160 = arith.constant 2048 : i32
      %mul3A_161 = arith.muli %while3A_136, %mul3A_160 : i32
      %add3A_162 = vector.broadcast %mul3A_161 : i32 to vector<400x2048xi32>
      %add3A_163 = arith.addi %iota3A, %add3A_162 : vector<400x2048xi32>
      %iota3A_164 = tpu.iota {dimensions = array<i32: 0>} : vector<400x2048xi32>
      %add3A_165 = vector.broadcast %mul3A_7 : i32 to vector<400x2048xi32>
      %add3A_166 = arith.addi %iota3A_164, %add3A_165 : vector<400x2048xi32>
      %ne3A = vector.broadcast %get3A_159 : vector<1x2048xi32> to vector<400x2048xi32>
      %ne3A_167 = vector.broadcast %get3A_16 : vector<400x1xi32> to vector<400x2048xi32>
      %ne3A_168 = arith.cmpi ne, %ne3A, %ne3A_167 : vector<400x2048xi32>
      %eq3A_169 = arith.cmpi eq, %add3A_163, %add3A_166 : vector<400x2048xi32>
      %or3A = arith.ori %ne3A_168, %eq3A_169 : vector<400x2048xi1>
      %jit3A = arith.constant 0x7F800000 : f32
      %broadcast_in_dim3A_170 = vector.broadcast %jit3A : f32 to vector<400x2048xf32>
      %select_n3A = arith.select %or3A, %broadcast_in_dim3A_170, %add3A_154 : vector<400x2048xi1>, vector<400x2048xf32>
      %mul3A_171 = arith.constant 2048 : i32
      %mul3A_172 = arith.muli %while3A_136, %mul3A_171 : i32
      %swap3A_173 = arith.constant 0 : index
      %swap3A_174 = arith.index_cast %mul3A_172 : i32 to index
      %swap3A_175 = vector.load %arg7[%swap3A_173, %swap3A_174] : memref<400x10240xf32, #tpu.memory_space<vmem>>, vector<400x2048xf32>
      tpu.vector_store %arg7[%swap3A_173, %swap3A_174], %select_n3A {strides = array<i32>} : memref<400x10240xf32, #tpu.memory_space<vmem>>, vector<400x2048xf32>,
      %while3A_176 = arith.constant 0 : i32
      scf.yield %while3A_176 : i32
    }
    %broadcast_in_dim3A_27 = arith.constant 0xFF800000 : f32
    %broadcast_in_dim3A_28 = vector.broadcast %broadcast_in_dim3A_27 : f32 to vector<400x1xf32>
    %broadcast_in_dim3A_29 = arith.constant -1 : i32
    %broadcast_in_dim3A_30 = vector.broadcast %broadcast_in_dim3A_29 : i32 to vector<400x1xi32>
    %broadcast_in_dim3A_31 = arith.constant 0x7F800000 : f32
    %broadcast_in_dim3A_32 = vector.broadcast %broadcast_in_dim3A_31 : f32 to vector<400x1xf32>
    %broadcast_in_dim3A_33 = arith.constant 1073741824 : i32
    %broadcast_in_dim3A_34 = vector.broadcast %broadcast_in_dim3A_33 : i32 to vector<400x1xi32>
    %while3A_35 = arith.subi %get3A_6, %get3A_3 : i32
    %while3A_36 = arith.addi %get3A_3, %while3A_35 : i32
    %while3A_37 = arith.constant 1 : i32
    %while3A_38 = arith.divsi %while3A_35, %while3A_37 : i32
    %while3A_39 = arith.muli %while3A_38, %while3A_37 : i32
    %while3A_40 = arith.addi %get3A_3, %while3A_39 : i32
    %while3A_41 = arith.constant 1 : i32
    %while3A_42:8 = scf.for %while3A_136 = %get3A_3 to %while3A_40 step %while3A_41 iter_args(%while3A_137 = %broadcast_in_dim3A_32, %while3A_138 = %broadcast_in_dim3A_34, %while3A_139 = %broadcast_in_dim3A_32, %while3A_140 = %broadcast_in_dim3A_34, %while3A_141 = %broadcast_in_dim3A_32, %while3A_142 = %broadcast_in_dim3A_34, %while3A_143 = %broadcast_in_dim3A_32, %while3A_144 = %broadcast_in_dim3A_34) -> (vector<400x1xf32>, vector<400x1xi32>, vector<400x1xf32>, vector<400x1xi32>, vector<400x1xf32>, vector<400x1xi32>, vector<400x1xf32>, vector<400x1xi32>)  : i32 {
      %mul3A_145 = arith.constant 2048 : i32
      %mul3A_146 = arith.muli %while3A_136, %mul3A_145 : i32
      %get3A_147 = arith.constant 0 : index
      %get3A_148 = arith.index_cast %mul3A_146 : i32 to index
      %get3A_149 = vector.load %arg7[%get3A_147, %get3A_148] : memref<400x10240xf32, #tpu.memory_space<vmem>>, vector<400x2048xf32>
      %iota3A = tpu.iota {dimensions = array<i32: 1>} : vector<400x2048xi32>
      %mul3A_150 = arith.constant 2048 : i32
      %mul3A_151 = arith.muli %while3A_136, %mul3A_150 : i32
      %add3A = vector.broadcast %mul3A_151 : i32 to vector<400x2048xi32>
      %add3A_152 = arith.addi %iota3A, %add3A : vector<400x2048xi32>
      %gt3A = vector.broadcast %broadcast_in_dim3A_28 : vector<400x1xf32> to vector<400x2048xf32>
      %gt3A_153 = arith.cmpf ogt, %get3A_149, %gt3A : vector<400x2048xf32>
      %eq3A_154 = vector.broadcast %broadcast_in_dim3A_28 : vector<400x1xf32> to vector<400x2048xf32>
      %eq3A_155 = arith.cmpf oeq, %get3A_149, %eq3A_154 : vector<400x2048xf32>
      %gt3A_156 = vector.broadcast %broadcast_in_dim3A_30 : vector<400x1xi32> to vector<400x2048xi32>
      %gt3A_157 = arith.cmpi sgt, %add3A_152, %gt3A_156 : vector<400x2048xi32>
      %and3A = arith.andi %eq3A_155, %gt3A_157 : vector<400x2048xi1>
      %or3A = arith.ori %gt3A_153, %and3A : vector<400x2048xi1>
      %jit3A = arith.constant 0x7F800000 : f32
      %broadcast_in_dim3A_158 = vector.broadcast %jit3A : f32 to vector<400x2048xf32>
      %select_n3A = arith.select %or3A, %get3A_149, %broadcast_in_dim3A_158 : vector<400x2048xi1>, vector<400x2048xf32>
      %reduce_min3A = arith.constant dense<0x7F800000> : vector<400xf32>
      %reduce_min3A_159 = vector.multi_reduction <minimumf>, %select_n3A, %reduce_min3A [1] : vector<400x2048xf32> to vector<400xf32>
      %broadcast_in_dim3A_160 = vector.shape_cast %reduce_min3A_159 : vector<400xf32> to vector<400x1xf32>
      %eq3A_161 = vector.broadcast %broadcast_in_dim3A_160 : vector<400x1xf32> to vector<400x2048xf32>
      %eq3A_162 = arith.cmpf oeq, %select_n3A, %eq3A_161 : vector<400x2048xf32>
      %jit3A_163 = arith.constant 1073741824 : i32
      %broadcast_in_dim3A_164 = vector.broadcast %jit3A_163 : i32 to vector<400x2048xi32>
      %select_n3A_165 = arith.select %eq3A_162, %add3A_152, %broadcast_in_dim3A_164 : vector<400x2048xi1>, vector<400x2048xi32>
      %reduce_min3A_166 = arith.constant dense<2147483647> : vector<400xi32>
      %reduce_min3A_167 = vector.multi_reduction <minsi>, %select_n3A_165, %reduce_min3A_166 [1] : vector<400x2048xi32> to vector<400xi32>
      %broadcast_in_dim3A_168 = vector.shape_cast %reduce_min3A_167 : vector<400xi32> to vector<400x1xi32>
      %eq3A_169 = vector.broadcast %broadcast_in_dim3A_168 : vector<400x1xi32> to vector<400x2048xi32>
      %eq3A_170 = arith.cmpi eq, %add3A_152, %eq3A_169 : vector<400x2048xi32>
      %jit3A_171 = arith.constant 0x7F800000 : f32
      %broadcast_in_dim3A_172 = vector.broadcast %jit3A_171 : f32 to vector<400x2048xf32>
      %select_n3A_173 = arith.select %eq3A_170, %broadcast_in_dim3A_172, %select_n3A : vector<400x2048xi1>, vector<400x2048xf32>
      %reduce_min3A_174 = arith.constant dense<0x7F800000> : vector<400xf32>
      %reduce_min3A_175 = vector.multi_reduction <minimumf>, %select_n3A_173, %reduce_min3A_174 [1] : vector<400x2048xf32> to vector<400xf32>
      %broadcast_in_dim3A_176 = vector.shape_cast %reduce_min3A_175 : vector<400xf32> to vector<400x1xf32>
      %eq3A_177 = vector.broadcast %broadcast_in_dim3A_176 : vector<400x1xf32> to vector<400x2048xf32>
      %eq3A_178 = arith.cmpf oeq, %select_n3A_173, %eq3A_177 : vector<400x2048xf32>
      %jit3A_179 = arith.constant 1073741824 : i32
      %broadcast_in_dim3A_180 = vector.broadcast %jit3A_179 : i32 to vector<400x2048xi32>
      %select_n3A_181 = arith.select %eq3A_178, %add3A_152, %broadcast_in_dim3A_180 : vector<400x2048xi1>, vector<400x2048xi32>
      %reduce_min3A_182 = arith.constant dense<2147483647> : vector<400xi32>
      %reduce_min3A_183 = vector.multi_reduction <minsi>, %select_n3A_181, %reduce_min3A_182 [1] : vector<400x2048xi32> to vector<400xi32>
      %broadcast_in_dim3A_184 = vector.shape_cast %reduce_min3A_183 : vector<400xi32> to vector<400x1xi32>
      %eq3A_185 = vector.broadcast %broadcast_in_dim3A_184 : vector<400x1xi32> to vector<400x2048xi32>
      %eq3A_186 = arith.cmpi eq, %add3A_152, %eq3A_185 : vector<400x2048xi32>
      %jit3A_187 = arith.constant 0x7F800000 : f32
      %broadcast_in_dim3A_188 = vector.broadcast %jit3A_187 : f32 to vector<400x2048xf32>
      %select_n3A_189 = arith.select %eq3A_186, %broadcast_in_dim3A_188, %select_n3A_173 : vector<400x2048xi1>, vector<400x2048xf32>
      %reduce_min3A_190 = arith.constant dense<0x7F800000> : vector<400xf32>
      %reduce_min3A_191 = vector.multi_reduction <minimumf>, %select_n3A_189, %reduce_min3A_190 [1] : vector<400x2048xf32> to vector<400xf32>
      %broadcast_in_dim3A_192 = vector.shape_cast %reduce_min3A_191 : vector<400xf32> to vector<400x1xf32>
      %eq3A_193 = vector.broadcast %broadcast_in_dim3A_192 : vector<400x1xf32> to vector<400x2048xf32>
      %eq3A_194 = arith.cmpf oeq, %select_n3A_189, %eq3A_193 : vector<400x2048xf32>
      %jit3A_195 = arith.constant 1073741824 : i32
      %broadcast_in_dim3A_196 = vector.broadcast %jit3A_195 : i32 to vector<400x2048xi32>
      %select_n3A_197 = arith.select %eq3A_194, %add3A_152, %broadcast_in_dim3A_196 : vector<400x2048xi1>, vector<400x2048xi32>
      %reduce_min3A_198 = arith.constant dense<2147483647> : vector<400xi32>
      %reduce_min3A_199 = vector.multi_reduction <minsi>, %select_n3A_197, %reduce_min3A_198 [1] : vector<400x2048xi32> to vector<400xi32>
      %broadcast_in_dim3A_200 = vector.shape_cast %reduce_min3A_199 : vector<400xi32> to vector<400x1xi32>
      %eq3A_201 = vector.broadcast %broadcast_in_dim3A_200 : vector<400x1xi32> to vector<400x2048xi32>
      %eq3A_202 = arith.cmpi eq, %add3A_152, %eq3A_201 : vector<400x2048xi32>
      %jit3A_203 = arith.constant 0x7F800000 : f32
      %broadcast_in_dim3A_204 = vector.broadcast %jit3A_203 : f32 to vector<400x2048xf32>
      %select_n3A_205 = arith.select %eq3A_202, %broadcast_in_dim3A_204, %select_n3A_189 : vector<400x2048xi1>, vector<400x2048xf32>
      %reduce_min3A_206 = arith.constant dense<0x7F800000> : vector<400xf32>
      %reduce_min3A_207 = vector.multi_reduction <minimumf>, %select_n3A_205, %reduce_min3A_206 [1] : vector<400x2048xf32> to vector<400xf32>
      %broadcast_in_dim3A_208 = vector.shape_cast %reduce_min3A_207 : vector<400xf32> to vector<400x1xf32>
      %eq3A_209 = vector.broadcast %broadcast_in_dim3A_208 : vector<400x1xf32> to vector<400x2048xf32>
      %eq3A_210 = arith.cmpf oeq, %select_n3A_205, %eq3A_209 : vector<400x2048xf32>
      %jit3A_211 = arith.constant 1073741824 : i32
      %broadcast_in_dim3A_212 = vector.broadcast %jit3A_211 : i32 to vector<400x2048xi32>
      %select_n3A_213 = arith.select %eq3A_210, %add3A_152, %broadcast_in_dim3A_212 : vector<400x2048xi1>, vector<400x2048xi32>
      %reduce_min3A_214 = arith.constant dense<2147483647> : vector<400xi32>
      %reduce_min3A_215 = vector.multi_reduction <minsi>, %select_n3A_213, %reduce_min3A_214 [1] : vector<400x2048xi32> to vector<400xi32>
      %broadcast_in_dim3A_216 = vector.shape_cast %reduce_min3A_215 : vector<400xi32> to vector<400x1xi32>
      %lt3A = arith.cmpf olt, %while3A_137, %broadcast_in_dim3A_208 : vector<400x1xf32>
      %eq3A_217 = arith.cmpf oeq, %while3A_137, %broadcast_in_dim3A_208 : vector<400x1xf32>
      %lt3A_218 = arith.cmpi slt, %while3A_138, %broadcast_in_dim3A_216 : vector<400x1xi32>
      %and3A_219 = arith.andi %eq3A_217, %lt3A_218 : vector<400x1xi1>
      %or3A_220 = arith.ori %lt3A, %and3A_219 : vector<400x1xi1>
      %select_n3A_221 = arith.select %or3A_220, %while3A_137, %broadcast_in_dim3A_208 : vector<400x1xi1>, vector<400x1xf32>
      %select_n3A_222 = arith.select %or3A_220, %while3A_138, %broadcast_in_dim3A_216 : vector<400x1xi1>, vector<400x1xi32>
      %lt3A_223 = arith.cmpf olt, %while3A_139, %broadcast_in_dim3A_192 : vector<400x1xf32>
      %eq3A_224 = arith.cmpf oeq, %while3A_139, %broadcast_in_dim3A_192 : vector<400x1xf32>
      %lt3A_225 = arith.cmpi slt, %while3A_140, %broadcast_in_dim3A_200 : vector<400x1xi32>
      %and3A_226 = arith.andi %eq3A_224, %lt3A_225 : vector<400x1xi1>
      %or3A_227 = arith.ori %lt3A_223, %and3A_226 : vector<400x1xi1>
      %select_n3A_228 = arith.select %or3A_227, %while3A_139, %broadcast_in_dim3A_192 : vector<400x1xi1>, vector<400x1xf32>
      %select_n3A_229 = arith.select %or3A_227, %while3A_140, %broadcast_in_dim3A_200 : vector<400x1xi1>, vector<400x1xi32>
      %lt3A_230 = arith.cmpf olt, %while3A_141, %broadcast_in_dim3A_176 : vector<400x1xf32>
      %eq3A_231 = arith.cmpf oeq, %while3A_141, %broadcast_in_dim3A_176 : vector<400x1xf32>
      %lt3A_232 = arith.cmpi slt, %while3A_142, %broadcast_in_dim3A_184 : vector<400x1xi32>
      %and3A_233 = arith.andi %eq3A_231, %lt3A_232 : vector<400x1xi1>
      %or3A_234 = arith.ori %lt3A_230, %and3A_233 : vector<400x1xi1>
      %select_n3A_235 = arith.select %or3A_234, %while3A_141, %broadcast_in_dim3A_176 : vector<400x1xi1>, vector<400x1xf32>
      %select_n3A_236 = arith.select %or3A_234, %while3A_142, %broadcast_in_dim3A_184 : vector<400x1xi1>, vector<400x1xi32>
      %lt3A_237 = arith.cmpf olt, %while3A_143, %broadcast_in_dim3A_160 : vector<400x1xf32>
      %eq3A_238 = arith.cmpf oeq, %while3A_143, %broadcast_in_dim3A_160 : vector<400x1xf32>
      %lt3A_239 = arith.cmpi slt, %while3A_144, %broadcast_in_dim3A_168 : vector<400x1xi32>
      %and3A_240 = arith.andi %eq3A_238, %lt3A_239 : vector<400x1xi1>
      %or3A_241 = arith.ori %lt3A_237, %and3A_240 : vector<400x1xi1>
      %select_n3A_242 = arith.select %or3A_241, %while3A_143, %broadcast_in_dim3A_160 : vector<400x1xi1>, vector<400x1xf32>
      %select_n3A_243 = arith.select %or3A_241, %while3A_144, %broadcast_in_dim3A_168 : vector<400x1xi1>, vector<400x1xi32>
      %lt3A_244 = arith.cmpf olt, %select_n3A_221, %select_n3A_235 : vector<400x1xf32>
      %eq3A_245 = arith.cmpf oeq, %select_n3A_221, %select_n3A_235 : vector<400x1xf32>
      %lt3A_246 = arith.cmpi slt, %select_n3A_222, %select_n3A_236 : vector<400x1xi32>
      %and3A_247 = arith.andi %eq3A_245, %lt3A_246 : vector<400x1xi1>
      %or3A_248 = arith.ori %lt3A_244, %and3A_247 : vector<400x1xi1>
      %select_n3A_249 = arith.select %or3A_248, %select_n3A_221, %select_n3A_235 : vector<400x1xi1>, vector<400x1xf32>
      %select_n3A_250 = arith.select %or3A_248, %select_n3A_222, %select_n3A_236 : vector<400x1xi1>, vector<400x1xi32>
      %select_n3A_251 = arith.select %or3A_248, %select_n3A_235, %select_n3A_221 : vector<400x1xi1>, vector<400x1xf32>
      %select_n3A_252 = arith.select %or3A_248, %select_n3A_236, %select_n3A_222 : vector<400x1xi1>, vector<400x1xi32>
      %lt3A_253 = arith.cmpf olt, %select_n3A_228, %select_n3A_242 : vector<400x1xf32>
      %eq3A_254 = arith.cmpf oeq, %select_n3A_228, %select_n3A_242 : vector<400x1xf32>
      %lt3A_255 = arith.cmpi slt, %select_n3A_229, %select_n3A_243 : vector<400x1xi32>
      %and3A_256 = arith.andi %eq3A_254, %lt3A_255 : vector<400x1xi1>
      %or3A_257 = arith.ori %lt3A_253, %and3A_256 : vector<400x1xi1>
      %select_n3A_258 = arith.select %or3A_257, %select_n3A_228, %select_n3A_242 : vector<400x1xi1>, vector<400x1xf32>
      %select_n3A_259 = arith.select %or3A_257, %select_n3A_229, %select_n3A_243 : vector<400x1xi1>, vector<400x1xi32>
      %select_n3A_260 = arith.select %or3A_257, %select_n3A_242, %select_n3A_228 : vector<400x1xi1>, vector<400x1xf32>
      %select_n3A_261 = arith.select %or3A_257, %select_n3A_243, %select_n3A_229 : vector<400x1xi1>, vector<400x1xi32>
      %lt3A_262 = arith.cmpf olt, %select_n3A_249, %select_n3A_258 : vector<400x1xf32>
      %eq3A_263 = arith.cmpf oeq, %select_n3A_249, %select_n3A_258 : vector<400x1xf32>
      %lt3A_264 = arith.cmpi slt, %select_n3A_250, %select_n3A_259 : vector<400x1xi32>
      %and3A_265 = arith.andi %eq3A_263, %lt3A_264 : vector<400x1xi1>
      %or3A_266 = arith.ori %lt3A_262, %and3A_265 : vector<400x1xi1>
      %select_n3A_267 = arith.select %or3A_266, %select_n3A_249, %select_n3A_258 : vector<400x1xi1>, vector<400x1xf32>
      %select_n3A_268 = arith.select %or3A_266, %select_n3A_250, %select_n3A_259 : vector<400x1xi1>, vector<400x1xi32>
      %select_n3A_269 = arith.select %or3A_266, %select_n3A_258, %select_n3A_249 : vector<400x1xi1>, vector<400x1xf32>
      %select_n3A_270 = arith.select %or3A_266, %select_n3A_259, %select_n3A_250 : vector<400x1xi1>, vector<400x1xi32>
      %lt3A_271 = arith.cmpf olt, %select_n3A_251, %select_n3A_260 : vector<400x1xf32>
      %eq3A_272 = arith.cmpf oeq, %select_n3A_251, %select_n3A_260 : vector<400x1xf32>
      %lt3A_273 = arith.cmpi slt, %select_n3A_252, %select_n3A_261 : vector<400x1xi32>
      %and3A_274 = arith.andi %eq3A_272, %lt3A_273 : vector<400x1xi1>
      %or3A_275 = arith.ori %lt3A_271, %and3A_274 : vector<400x1xi1>
      %select_n3A_276 = arith.select %or3A_275, %select_n3A_251, %select_n3A_260 : vector<400x1xi1>, vector<400x1xf32>
      %select_n3A_277 = arith.select %or3A_275, %select_n3A_252, %select_n3A_261 : vector<400x1xi1>, vector<400x1xi32>
      %select_n3A_278 = arith.select %or3A_275, %select_n3A_260, %select_n3A_251 : vector<400x1xi1>, vector<400x1xf32>
      %select_n3A_279 = arith.select %or3A_275, %select_n3A_261, %select_n3A_252 : vector<400x1xi1>, vector<400x1xi32>
      scf.yield %select_n3A_267, %select_n3A_268, %select_n3A_269, %select_n3A_270, %select_n3A_276, %select_n3A_277, %select_n3A_278, %select_n3A_279 : vector<400x1xf32>, vector<400x1xi32>, vector<400x1xf32>, vector<400x1xi32>, vector<400x1xf32>, vector<400x1xi32>, vector<400x1xf32>, vector<400x1xi32>
    }
    %while3A_43 = arith.constant 1 : i32
    %while3A_44:8 = scf.for %while3A_136 = %while3A_40 to %while3A_36 step %while3A_43 iter_args(%while3A_137 = %while3A_42#0, %while3A_138 = %while3A_42#1, %while3A_139 = %while3A_42#2, %while3A_140 = %while3A_42#3, %while3A_141 = %while3A_42#4, %while3A_142 = %while3A_42#5, %while3A_143 = %while3A_42#6, %while3A_144 = %while3A_42#7) -> (vector<400x1xf32>, vector<400x1xi32>, vector<400x1xf32>, vector<400x1xi32>, vector<400x1xf32>, vector<400x1xi32>, vector<400x1xf32>, vector<400x1xi32>)  : i32 {
      %mul3A_145 = arith.constant 2048 : i32
      %mul3A_146 = arith.muli %while3A_136, %mul3A_145 : i32
      %get3A_147 = arith.constant 0 : index
      %get3A_148 = arith.index_cast %mul3A_146 : i32 to index
      %get3A_149 = vector.load %arg7[%get3A_147, %get3A_148] : memref<400x10240xf32, #tpu.memory_space<vmem>>, vector<400x2048xf32>
      %iota3A = tpu.iota {dimensions = array<i32: 1>} : vector<400x2048xi32>
      %mul3A_150 = arith.constant 2048 : i32
      %mul3A_151 = arith.muli %while3A_136, %mul3A_150 : i32
      %add3A = vector.broadcast %mul3A_151 : i32 to vector<400x2048xi32>
      %add3A_152 = arith.addi %iota3A, %add3A : vector<400x2048xi32>
      %gt3A = vector.broadcast %broadcast_in_dim3A_28 : vector<400x1xf32> to vector<400x2048xf32>
      %gt3A_153 = arith.cmpf ogt, %get3A_149, %gt3A : vector<400x2048xf32>
      %eq3A_154 = vector.broadcast %broadcast_in_dim3A_28 : vector<400x1xf32> to vector<400x2048xf32>
      %eq3A_155 = arith.cmpf oeq, %get3A_149, %eq3A_154 : vector<400x2048xf32>
      %gt3A_156 = vector.broadcast %broadcast_in_dim3A_30 : vector<400x1xi32> to vector<400x2048xi32>
      %gt3A_157 = arith.cmpi sgt, %add3A_152, %gt3A_156 : vector<400x2048xi32>
      %and3A = arith.andi %eq3A_155, %gt3A_157 : vector<400x2048xi1>
      %or3A = arith.ori %gt3A_153, %and3A : vector<400x2048xi1>
      %jit3A = arith.constant 0x7F800000 : f32
      %broadcast_in_dim3A_158 = vector.broadcast %jit3A : f32 to vector<400x2048xf32>
      %select_n3A = arith.select %or3A, %get3A_149, %broadcast_in_dim3A_158 : vector<400x2048xi1>, vector<400x2048xf32>
      %reduce_min3A = arith.constant dense<0x7F800000> : vector<400xf32>
      %reduce_min3A_159 = vector.multi_reduction <minimumf>, %select_n3A, %reduce_min3A [1] : vector<400x2048xf32> to vector<400xf32>
      %broadcast_in_dim3A_160 = vector.shape_cast %reduce_min3A_159 : vector<400xf32> to vector<400x1xf32>
      %eq3A_161 = vector.broadcast %broadcast_in_dim3A_160 : vector<400x1xf32> to vector<400x2048xf32>
      %eq3A_162 = arith.cmpf oeq, %select_n3A, %eq3A_161 : vector<400x2048xf32>
      %jit3A_163 = arith.constant 1073741824 : i32
      %broadcast_in_dim3A_164 = vector.broadcast %jit3A_163 : i32 to vector<400x2048xi32>
      %select_n3A_165 = arith.select %eq3A_162, %add3A_152, %broadcast_in_dim3A_164 : vector<400x2048xi1>, vector<400x2048xi32>
      %reduce_min3A_166 = arith.constant dense<2147483647> : vector<400xi32>
      %reduce_min3A_167 = vector.multi_reduction <minsi>, %select_n3A_165, %reduce_min3A_166 [1] : vector<400x2048xi32> to vector<400xi32>
      %broadcast_in_dim3A_168 = vector.shape_cast %reduce_min3A_167 : vector<400xi32> to vector<400x1xi32>
      %eq3A_169 = vector.broadcast %broadcast_in_dim3A_168 : vector<400x1xi32> to vector<400x2048xi32>
      %eq3A_170 = arith.cmpi eq, %add3A_152, %eq3A_169 : vector<400x2048xi32>
      %jit3A_171 = arith.constant 0x7F800000 : f32
      %broadcast_in_dim3A_172 = vector.broadcast %jit3A_171 : f32 to vector<400x2048xf32>
      %select_n3A_173 = arith.select %eq3A_170, %broadcast_in_dim3A_172, %select_n3A : vector<400x2048xi1>, vector<400x2048xf32>
      %reduce_min3A_174 = arith.constant dense<0x7F800000> : vector<400xf32>
      %reduce_min3A_175 = vector.multi_reduction <minimumf>, %select_n3A_173, %reduce_min3A_174 [1] : vector<400x2048xf32> to vector<400xf32>
      %broadcast_in_dim3A_176 = vector.shape_cast %reduce_min3A_175 : vector<400xf32> to vector<400x1xf32>
      %eq3A_177 = vector.broadcast %broadcast_in_dim3A_176 : vector<400x1xf32> to vector<400x2048xf32>
      %eq3A_178 = arith.cmpf oeq, %select_n3A_173, %eq3A_177 : vector<400x2048xf32>
      %jit3A_179 = arith.constant 1073741824 : i32
      %broadcast_in_dim3A_180 = vector.broadcast %jit3A_179 : i32 to vector<400x2048xi32>
      %select_n3A_181 = arith.select %eq3A_178, %add3A_152, %broadcast_in_dim3A_180 : vector<400x2048xi1>, vector<400x2048xi32>
      %reduce_min3A_182 = arith.constant dense<2147483647> : vector<400xi32>
      %reduce_min3A_183 = vector.multi_reduction <minsi>, %select_n3A_181, %reduce_min3A_182 [1] : vector<400x2048xi32> to vector<400xi32>
      %broadcast_in_dim3A_184 = vector.shape_cast %reduce_min3A_183 : vector<400xi32> to vector<400x1xi32>
      %eq3A_185 = vector.broadcast %broadcast_in_dim3A_184 : vector<400x1xi32> to vector<400x2048xi32>
      %eq3A_186 = arith.cmpi eq, %add3A_152, %eq3A_185 : vector<400x2048xi32>
      %jit3A_187 = arith.constant 0x7F800000 : f32
      %broadcast_in_dim3A_188 = vector.broadcast %jit3A_187 : f32 to vector<400x2048xf32>
      %select_n3A_189 = arith.select %eq3A_186, %broadcast_in_dim3A_188, %select_n3A_173 : vector<400x2048xi1>, vector<400x2048xf32>
      %reduce_min3A_190 = arith.constant dense<0x7F800000> : vector<400xf32>
      %reduce_min3A_191 = vector.multi_reduction <minimumf>, %select_n3A_189, %reduce_min3A_190 [1] : vector<400x2048xf32> to vector<400xf32>
      %broadcast_in_dim3A_192 = vector.shape_cast %reduce_min3A_191 : vector<400xf32> to vector<400x1xf32>
      %eq3A_193 = vector.broadcast %broadcast_in_dim3A_192 : vector<400x1xf32> to vector<400x2048xf32>
      %eq3A_194 = arith.cmpf oeq, %select_n3A_189, %eq3A_193 : vector<400x2048xf32>
      %jit3A_195 = arith.constant 1073741824 : i32
      %broadcast_in_dim3A_196 = vector.broadcast %jit3A_195 : i32 to vector<400x2048xi32>
      %select_n3A_197 = arith.select %eq3A_194, %add3A_152, %broadcast_in_dim3A_196 : vector<400x2048xi1>, vector<400x2048xi32>
      %reduce_min3A_198 = arith.constant dense<2147483647> : vector<400xi32>
      %reduce_min3A_199 = vector.multi_reduction <minsi>, %select_n3A_197, %reduce_min3A_198 [1] : vector<400x2048xi32> to vector<400xi32>
      %broadcast_in_dim3A_200 = vector.shape_cast %reduce_min3A_199 : vector<400xi32> to vector<400x1xi32>
      %eq3A_201 = vector.broadcast %broadcast_in_dim3A_200 : vector<400x1xi32> to vector<400x2048xi32>
      %eq3A_202 = arith.cmpi eq, %add3A_152, %eq3A_201 : vector<400x2048xi32>
      %jit3A_203 = arith.constant 0x7F800000 : f32
      %broadcast_in_dim3A_204 = vector.broadcast %jit3A_203 : f32 to vector<400x2048xf32>
      %select_n3A_205 = arith.select %eq3A_202, %broadcast_in_dim3A_204, %select_n3A_189 : vector<400x2048xi1>, vector<400x2048xf32>
      %reduce_min3A_206 = arith.constant dense<0x7F800000> : vector<400xf32>
      %reduce_min3A_207 = vector.multi_reduction <minimumf>, %select_n3A_205, %reduce_min3A_206 [1] : vector<400x2048xf32> to vector<400xf32>
      %broadcast_in_dim3A_208 = vector.shape_cast %reduce_min3A_207 : vector<400xf32> to vector<400x1xf32>
      %eq3A_209 = vector.broadcast %broadcast_in_dim3A_208 : vector<400x1xf32> to vector<400x2048xf32>
      %eq3A_210 = arith.cmpf oeq, %select_n3A_205, %eq3A_209 : vector<400x2048xf32>
      %jit3A_211 = arith.constant 1073741824 : i32
      %broadcast_in_dim3A_212 = vector.broadcast %jit3A_211 : i32 to vector<400x2048xi32>
      %select_n3A_213 = arith.select %eq3A_210, %add3A_152, %broadcast_in_dim3A_212 : vector<400x2048xi1>, vector<400x2048xi32>
      %reduce_min3A_214 = arith.constant dense<2147483647> : vector<400xi32>
      %reduce_min3A_215 = vector.multi_reduction <minsi>, %select_n3A_213, %reduce_min3A_214 [1] : vector<400x2048xi32> to vector<400xi32>
      %broadcast_in_dim3A_216 = vector.shape_cast %reduce_min3A_215 : vector<400xi32> to vector<400x1xi32>
      %lt3A = arith.cmpf olt, %while3A_137, %broadcast_in_dim3A_208 : vector<400x1xf32>
      %eq3A_217 = arith.cmpf oeq, %while3A_137, %broadcast_in_dim3A_208 : vector<400x1xf32>
      %lt3A_218 = arith.cmpi slt, %while3A_138, %broadcast_in_dim3A_216 : vector<400x1xi32>
      %and3A_219 = arith.andi %eq3A_217, %lt3A_218 : vector<400x1xi1>
      %or3A_220 = arith.ori %lt3A, %and3A_219 : vector<400x1xi1>
      %select_n3A_221 = arith.select %or3A_220, %while3A_137, %broadcast_in_dim3A_208 : vector<400x1xi1>, vector<400x1xf32>
      %select_n3A_222 = arith.select %or3A_220, %while3A_138, %broadcast_in_dim3A_216 : vector<400x1xi1>, vector<400x1xi32>
      %lt3A_223 = arith.cmpf olt, %while3A_139, %broadcast_in_dim3A_192 : vector<400x1xf32>
      %eq3A_224 = arith.cmpf oeq, %while3A_139, %broadcast_in_dim3A_192 : vector<400x1xf32>
      %lt3A_225 = arith.cmpi slt, %while3A_140, %broadcast_in_dim3A_200 : vector<400x1xi32>
      %and3A_226 = arith.andi %eq3A_224, %lt3A_225 : vector<400x1xi1>
      %or3A_227 = arith.ori %lt3A_223, %and3A_226 : vector<400x1xi1>
      %select_n3A_228 = arith.select %or3A_227, %while3A_139, %broadcast_in_dim3A_192 : vector<400x1xi1>, vector<400x1xf32>
      %select_n3A_229 = arith.select %or3A_227, %while3A_140, %broadcast_in_dim3A_200 : vector<400x1xi1>, vector<400x1xi32>
      %lt3A_230 = arith.cmpf olt, %while3A_141, %broadcast_in_dim3A_176 : vector<400x1xf32>
      %eq3A_231 = arith.cmpf oeq, %while3A_141, %broadcast_in_dim3A_176 : vector<400x1xf32>
      %lt3A_232 = arith.cmpi slt, %while3A_142, %broadcast_in_dim3A_184 : vector<400x1xi32>
      %and3A_233 = arith.andi %eq3A_231, %lt3A_232 : vector<400x1xi1>
      %or3A_234 = arith.ori %lt3A_230, %and3A_233 : vector<400x1xi1>
      %select_n3A_235 = arith.select %or3A_234, %while3A_141, %broadcast_in_dim3A_176 : vector<400x1xi1>, vector<400x1xf32>
      %select_n3A_236 = arith.select %or3A_234, %while3A_142, %broadcast_in_dim3A_184 : vector<400x1xi1>, vector<400x1xi32>
      %lt3A_237 = arith.cmpf olt, %while3A_143, %broadcast_in_dim3A_160 : vector<400x1xf32>
      %eq3A_238 = arith.cmpf oeq, %while3A_143, %broadcast_in_dim3A_160 : vector<400x1xf32>
      %lt3A_239 = arith.cmpi slt, %while3A_144, %broadcast_in_dim3A_168 : vector<400x1xi32>
      %and3A_240 = arith.andi %eq3A_238, %lt3A_239 : vector<400x1xi1>
      %or3A_241 = arith.ori %lt3A_237, %and3A_240 : vector<400x1xi1>
      %select_n3A_242 = arith.select %or3A_241, %while3A_143, %broadcast_in_dim3A_160 : vector<400x1xi1>, vector<400x1xf32>
      %select_n3A_243 = arith.select %or3A_241, %while3A_144, %broadcast_in_dim3A_168 : vector<400x1xi1>, vector<400x1xi32>
      %lt3A_244 = arith.cmpf olt, %select_n3A_221, %select_n3A_235 : vector<400x1xf32>
      %eq3A_245 = arith.cmpf oeq, %select_n3A_221, %select_n3A_235 : vector<400x1xf32>
      %lt3A_246 = arith.cmpi slt, %select_n3A_222, %select_n3A_236 : vector<400x1xi32>
      %and3A_247 = arith.andi %eq3A_245, %lt3A_246 : vector<400x1xi1>
      %or3A_248 = arith.ori %lt3A_244, %and3A_247 : vector<400x1xi1>
      %select_n3A_249 = arith.select %or3A_248, %select_n3A_221, %select_n3A_235 : vector<400x1xi1>, vector<400x1xf32>
      %select_n3A_250 = arith.select %or3A_248, %select_n3A_222, %select_n3A_236 : vector<400x1xi1>, vector<400x1xi32>
      %select_n3A_251 = arith.select %or3A_248, %select_n3A_235, %select_n3A_221 : vector<400x1xi1>, vector<400x1xf32>
      %select_n3A_252 = arith.select %or3A_248, %select_n3A_236, %select_n3A_222 : vector<400x1xi1>, vector<400x1xi32>
      %lt3A_253 = arith.cmpf olt, %select_n3A_228, %select_n3A_242 : vector<400x1xf32>
      %eq3A_254 = arith.cmpf oeq, %select_n3A_228, %select_n3A_242 : vector<400x1xf32>
      %lt3A_255 = arith.cmpi slt, %select_n3A_229, %select_n3A_243 : vector<400x1xi32>
      %and3A_256 = arith.andi %eq3A_254, %lt3A_255 : vector<400x1xi1>
      %or3A_257 = arith.ori %lt3A_253, %and3A_256 : vector<400x1xi1>
      %select_n3A_258 = arith.select %or3A_257, %select_n3A_228, %select_n3A_242 : vector<400x1xi1>, vector<400x1xf32>
      %select_n3A_259 = arith.select %or3A_257, %select_n3A_229, %select_n3A_243 : vector<400x1xi1>, vector<400x1xi32>
      %select_n3A_260 = arith.select %or3A_257, %select_n3A_242, %select_n3A_228 : vector<400x1xi1>, vector<400x1xf32>
      %select_n3A_261 = arith.select %or3A_257, %select_n3A_243, %select_n3A_229 : vector<400x1xi1>, vector<400x1xi32>
      %lt3A_262 = arith.cmpf olt, %select_n3A_249, %select_n3A_258 : vector<400x1xf32>
      %eq3A_263 = arith.cmpf oeq, %select_n3A_249, %select_n3A_258 : vector<400x1xf32>
      %lt3A_264 = arith.cmpi slt, %select_n3A_250, %select_n3A_259 : vector<400x1xi32>
      %and3A_265 = arith.andi %eq3A_263, %lt3A_264 : vector<400x1xi1>
      %or3A_266 = arith.ori %lt3A_262, %and3A_265 : vector<400x1xi1>
      %select_n3A_267 = arith.select %or3A_266, %select_n3A_249, %select_n3A_258 : vector<400x1xi1>, vector<400x1xf32>
      %select_n3A_268 = arith.select %or3A_266, %select_n3A_250, %select_n3A_259 : vector<400x1xi1>, vector<400x1xi32>
      %select_n3A_269 = arith.select %or3A_266, %select_n3A_258, %select_n3A_249 : vector<400x1xi1>, vector<400x1xf32>
      %select_n3A_270 = arith.select %or3A_266, %select_n3A_259, %select_n3A_250 : vector<400x1xi1>, vector<400x1xi32>
      %lt3A_271 = arith.cmpf olt, %select_n3A_251, %select_n3A_260 : vector<400x1xf32>
      %eq3A_272 = arith.cmpf oeq, %select_n3A_251, %select_n3A_260 : vector<400x1xf32>
      %lt3A_273 = arith.cmpi slt, %select_n3A_252, %select_n3A_261 : vector<400x1xi32>
      %and3A_274 = arith.andi %eq3A_272, %lt3A_273 : vector<400x1xi1>
      %or3A_275 = arith.ori %lt3A_271, %and3A_274 : vector<400x1xi1>
      %select_n3A_276 = arith.select %or3A_275, %select_n3A_251, %select_n3A_260 : vector<400x1xi1>, vector<400x1xf32>
      %select_n3A_277 = arith.select %or3A_275, %select_n3A_252, %select_n3A_261 : vector<400x1xi1>, vector<400x1xi32>
      %select_n3A_278 = arith.select %or3A_275, %select_n3A_260, %select_n3A_251 : vector<400x1xi1>, vector<400x1xf32>
      %select_n3A_279 = arith.select %or3A_275, %select_n3A_261, %select_n3A_252 : vector<400x1xi1>, vector<400x1xi32>
      scf.yield %select_n3A_267, %select_n3A_268, %select_n3A_269, %select_n3A_270, %select_n3A_276, %select_n3A_277, %select_n3A_278, %select_n3A_279 : vector<400x1xf32>, vector<400x1xi32>, vector<400x1xf32>, vector<400x1xi32>, vector<400x1xf32>, vector<400x1xi32>, vector<400x1xf32>, vector<400x1xi32>
    }
    %min3A = arith.constant 10239 : i32
    %min3A_45 = vector.broadcast %min3A : i32 to vector<400x1xi32>
    %min3A_46 = arith.minsi %while3A_44#1, %min3A_45 : vector<400x1xi32>
    %min3A_47 = arith.constant 10239 : i32
    %min3A_48 = vector.broadcast %min3A_47 : i32 to vector<400x1xi32>
    %min3A_49 = arith.minsi %while3A_44#3, %min3A_48 : vector<400x1xi32>
    %min3A_50 = arith.constant 10239 : i32
    %min3A_51 = vector.broadcast %min3A_50 : i32 to vector<400x1xi32>
    %min3A_52 = arith.minsi %while3A_44#5, %min3A_51 : vector<400x1xi32>
    %min3A_53 = arith.constant 10239 : i32
    %min3A_54 = vector.broadcast %min3A_53 : i32 to vector<400x1xi32>
    %min3A_55 = arith.minsi %while3A_44#7, %min3A_54 : vector<400x1xi32>
    %broadcast_in_dim3A_56 = arith.constant 0x7F800000 : f32
    %broadcast_in_dim3A_57 = vector.broadcast %broadcast_in_dim3A_56 : f32 to vector<400x1xf32>
    %broadcast_in_dim3A_58 = arith.constant 1073741824 : i32
    %broadcast_in_dim3A_59 = vector.broadcast %broadcast_in_dim3A_58 : i32 to vector<400x1xi32>
    %while3A_60 = arith.subi %get3A_6, %get3A_3 : i32
    %while3A_61 = arith.addi %get3A_3, %while3A_60 : i32
    %while3A_62 = arith.constant 1 : i32
    %while3A_63 = arith.divsi %while3A_60, %while3A_62 : i32
    %while3A_64 = arith.muli %while3A_63, %while3A_62 : i32
    %while3A_65 = arith.addi %get3A_3, %while3A_64 : i32
    %while3A_66 = arith.constant 1 : i32
    %while3A_67:8 = scf.for %while3A_136 = %get3A_3 to %while3A_65 step %while3A_66 iter_args(%while3A_137 = %broadcast_in_dim3A_57, %while3A_138 = %broadcast_in_dim3A_59, %while3A_139 = %broadcast_in_dim3A_57, %while3A_140 = %broadcast_in_dim3A_59, %while3A_141 = %broadcast_in_dim3A_57, %while3A_142 = %broadcast_in_dim3A_59, %while3A_143 = %broadcast_in_dim3A_57, %while3A_144 = %broadcast_in_dim3A_59) -> (vector<400x1xf32>, vector<400x1xi32>, vector<400x1xf32>, vector<400x1xi32>, vector<400x1xf32>, vector<400x1xi32>, vector<400x1xf32>, vector<400x1xi32>)  : i32 {
      %mul3A_145 = arith.constant 2048 : i32
      %mul3A_146 = arith.muli %while3A_136, %mul3A_145 : i32
      %get3A_147 = arith.constant 0 : index
      %get3A_148 = arith.index_cast %mul3A_146 : i32 to index
      %get3A_149 = vector.load %arg7[%get3A_147, %get3A_148] : memref<400x10240xf32, #tpu.memory_space<vmem>>, vector<400x2048xf32>
      %iota3A = tpu.iota {dimensions = array<i32: 1>} : vector<400x2048xi32>
      %mul3A_150 = arith.constant 2048 : i32
      %mul3A_151 = arith.muli %while3A_136, %mul3A_150 : i32
      %add3A = vector.broadcast %mul3A_151 : i32 to vector<400x2048xi32>
      %add3A_152 = arith.addi %iota3A, %add3A : vector<400x2048xi32>
      %gt3A = vector.broadcast %while3A_44#6 : vector<400x1xf32> to vector<400x2048xf32>
      %gt3A_153 = arith.cmpf ogt, %get3A_149, %gt3A : vector<400x2048xf32>
      %eq3A_154 = vector.broadcast %while3A_44#6 : vector<400x1xf32> to vector<400x2048xf32>
      %eq3A_155 = arith.cmpf oeq, %get3A_149, %eq3A_154 : vector<400x2048xf32>
      %gt3A_156 = vector.broadcast %while3A_44#7 : vector<400x1xi32> to vector<400x2048xi32>
      %gt3A_157 = arith.cmpi sgt, %add3A_152, %gt3A_156 : vector<400x2048xi32>
      %and3A = arith.andi %eq3A_155, %gt3A_157 : vector<400x2048xi1>
      %or3A = arith.ori %gt3A_153, %and3A : vector<400x2048xi1>
      %jit3A = arith.constant 0x7F800000 : f32
      %broadcast_in_dim3A_158 = vector.broadcast %jit3A : f32 to vector<400x2048xf32>
      %select_n3A = arith.select %or3A, %get3A_149, %broadcast_in_dim3A_158 : vector<400x2048xi1>, vector<400x2048xf32>
      %reduce_min3A = arith.constant dense<0x7F800000> : vector<400xf32>
      %reduce_min3A_159 = vector.multi_reduction <minimumf>, %select_n3A, %reduce_min3A [1] : vector<400x2048xf32> to vector<400xf32>
      %broadcast_in_dim3A_160 = vector.shape_cast %reduce_min3A_159 : vector<400xf32> to vector<400x1xf32>
      %eq3A_161 = vector.broadcast %broadcast_in_dim3A_160 : vector<400x1xf32> to vector<400x2048xf32>
      %eq3A_162 = arith.cmpf oeq, %select_n3A, %eq3A_161 : vector<400x2048xf32>
      %jit3A_163 = arith.constant 1073741824 : i32
      %broadcast_in_dim3A_164 = vector.broadcast %jit3A_163 : i32 to vector<400x2048xi32>
      %select_n3A_165 = arith.select %eq3A_162, %add3A_152, %broadcast_in_dim3A_164 : vector<400x2048xi1>, vector<400x2048xi32>
      %reduce_min3A_166 = arith.constant dense<2147483647> : vector<400xi32>
      %reduce_min3A_167 = vector.multi_reduction <minsi>, %select_n3A_165, %reduce_min3A_166 [1] : vector<400x2048xi32> to vector<400xi32>
      %broadcast_in_dim3A_168 = vector.shape_cast %reduce_min3A_167 : vector<400xi32> to vector<400x1xi32>
      %eq3A_169 = vector.broadcast %broadcast_in_dim3A_168 : vector<400x1xi32> to vector<400x2048xi32>
      %eq3A_170 = arith.cmpi eq, %add3A_152, %eq3A_169 : vector<400x2048xi32>
      %jit3A_171 = arith.constant 0x7F800000 : f32
      %broadcast_in_dim3A_172 = vector.broadcast %jit3A_171 : f32 to vector<400x2048xf32>
      %select_n3A_173 = arith.select %eq3A_170, %broadcast_in_dim3A_172, %select_n3A : vector<400x2048xi1>, vector<400x2048xf32>
      %reduce_min3A_174 = arith.constant dense<0x7F800000> : vector<400xf32>
      %reduce_min3A_175 = vector.multi_reduction <minimumf>, %select_n3A_173, %reduce_min3A_174 [1] : vector<400x2048xf32> to vector<400xf32>
      %broadcast_in_dim3A_176 = vector.shape_cast %reduce_min3A_175 : vector<400xf32> to vector<400x1xf32>
      %eq3A_177 = vector.broadcast %broadcast_in_dim3A_176 : vector<400x1xf32> to vector<400x2048xf32>
      %eq3A_178 = arith.cmpf oeq, %select_n3A_173, %eq3A_177 : vector<400x2048xf32>
      %jit3A_179 = arith.constant 1073741824 : i32
      %broadcast_in_dim3A_180 = vector.broadcast %jit3A_179 : i32 to vector<400x2048xi32>
      %select_n3A_181 = arith.select %eq3A_178, %add3A_152, %broadcast_in_dim3A_180 : vector<400x2048xi1>, vector<400x2048xi32>
      %reduce_min3A_182 = arith.constant dense<2147483647> : vector<400xi32>
      %reduce_min3A_183 = vector.multi_reduction <minsi>, %select_n3A_181, %reduce_min3A_182 [1] : vector<400x2048xi32> to vector<400xi32>
      %broadcast_in_dim3A_184 = vector.shape_cast %reduce_min3A_183 : vector<400xi32> to vector<400x1xi32>
      %eq3A_185 = vector.broadcast %broadcast_in_dim3A_184 : vector<400x1xi32> to vector<400x2048xi32>
      %eq3A_186 = arith.cmpi eq, %add3A_152, %eq3A_185 : vector<400x2048xi32>
      %jit3A_187 = arith.constant 0x7F800000 : f32
      %broadcast_in_dim3A_188 = vector.broadcast %jit3A_187 : f32 to vector<400x2048xf32>
      %select_n3A_189 = arith.select %eq3A_186, %broadcast_in_dim3A_188, %select_n3A_173 : vector<400x2048xi1>, vector<400x2048xf32>
      %reduce_min3A_190 = arith.constant dense<0x7F800000> : vector<400xf32>
      %reduce_min3A_191 = vector.multi_reduction <minimumf>, %select_n3A_189, %reduce_min3A_190 [1] : vector<400x2048xf32> to vector<400xf32>
      %broadcast_in_dim3A_192 = vector.shape_cast %reduce_min3A_191 : vector<400xf32> to vector<400x1xf32>
      %eq3A_193 = vector.broadcast %broadcast_in_dim3A_192 : vector<400x1xf32> to vector<400x2048xf32>
      %eq3A_194 = arith.cmpf oeq, %select_n3A_189, %eq3A_193 : vector<400x2048xf32>
      %jit3A_195 = arith.constant 1073741824 : i32
      %broadcast_in_dim3A_196 = vector.broadcast %jit3A_195 : i32 to vector<400x2048xi32>
      %select_n3A_197 = arith.select %eq3A_194, %add3A_152, %broadcast_in_dim3A_196 : vector<400x2048xi1>, vector<400x2048xi32>
      %reduce_min3A_198 = arith.constant dense<2147483647> : vector<400xi32>
      %reduce_min3A_199 = vector.multi_reduction <minsi>, %select_n3A_197, %reduce_min3A_198 [1] : vector<400x2048xi32> to vector<400xi32>
      %broadcast_in_dim3A_200 = vector.shape_cast %reduce_min3A_199 : vector<400xi32> to vector<400x1xi32>
      %eq3A_201 = vector.broadcast %broadcast_in_dim3A_200 : vector<400x1xi32> to vector<400x2048xi32>
      %eq3A_202 = arith.cmpi eq, %add3A_152, %eq3A_201 : vector<400x2048xi32>
      %jit3A_203 = arith.constant 0x7F800000 : f32
      %broadcast_in_dim3A_204 = vector.broadcast %jit3A_203 : f32 to vector<400x2048xf32>
      %select_n3A_205 = arith.select %eq3A_202, %broadcast_in_dim3A_204, %select_n3A_189 : vector<400x2048xi1>, vector<400x2048xf32>
      %reduce_min3A_206 = arith.constant dense<0x7F800000> : vector<400xf32>
      %reduce_min3A_207 = vector.multi_reduction <minimumf>, %select_n3A_205, %reduce_min3A_206 [1] : vector<400x2048xf32> to vector<400xf32>
      %broadcast_in_dim3A_208 = vector.shape_cast %reduce_min3A_207 : vector<400xf32> to vector<400x1xf32>
      %eq3A_209 = vector.broadcast %broadcast_in_dim3A_208 : vector<400x1xf32> to vector<400x2048xf32>
      %eq3A_210 = arith.cmpf oeq, %select_n3A_205, %eq3A_209 : vector<400x2048xf32>
      %jit3A_211 = arith.constant 1073741824 : i32
      %broadcast_in_dim3A_212 = vector.broadcast %jit3A_211 : i32 to vector<400x2048xi32>
      %select_n3A_213 = arith.select %eq3A_210, %add3A_152, %broadcast_in_dim3A_212 : vector<400x2048xi1>, vector<400x2048xi32>
      %reduce_min3A_214 = arith.constant dense<2147483647> : vector<400xi32>
      %reduce_min3A_215 = vector.multi_reduction <minsi>, %select_n3A_213, %reduce_min3A_214 [1] : vector<400x2048xi32> to vector<400xi32>
      %broadcast_in_dim3A_216 = vector.shape_cast %reduce_min3A_215 : vector<400xi32> to vector<400x1xi32>
      %lt3A = arith.cmpf olt, %while3A_137, %broadcast_in_dim3A_208 : vector<400x1xf32>
      %eq3A_217 = arith.cmpf oeq, %while3A_137, %broadcast_in_dim3A_208 : vector<400x1xf32>
      %lt3A_218 = arith.cmpi slt, %while3A_138, %broadcast_in_dim3A_216 : vector<400x1xi32>
      %and3A_219 = arith.andi %eq3A_217, %lt3A_218 : vector<400x1xi1>
      %or3A_220 = arith.ori %lt3A, %and3A_219 : vector<400x1xi1>
      %select_n3A_221 = arith.select %or3A_220, %while3A_137, %broadcast_in_dim3A_208 : vector<400x1xi1>, vector<400x1xf32>
      %select_n3A_222 = arith.select %or3A_220, %while3A_138, %broadcast_in_dim3A_216 : vector<400x1xi1>, vector<400x1xi32>
      %lt3A_223 = arith.cmpf olt, %while3A_139, %broadcast_in_dim3A_192 : vector<400x1xf32>
      %eq3A_224 = arith.cmpf oeq, %while3A_139, %broadcast_in_dim3A_192 : vector<400x1xf32>
      %lt3A_225 = arith.cmpi slt, %while3A_140, %broadcast_in_dim3A_200 : vector<400x1xi32>
      %and3A_226 = arith.andi %eq3A_224, %lt3A_225 : vector<400x1xi1>
      %or3A_227 = arith.ori %lt3A_223, %and3A_226 : vector<400x1xi1>
      %select_n3A_228 = arith.select %or3A_227, %while3A_139, %broadcast_in_dim3A_192 : vector<400x1xi1>, vector<400x1xf32>
      %select_n3A_229 = arith.select %or3A_227, %while3A_140, %broadcast_in_dim3A_200 : vector<400x1xi1>, vector<400x1xi32>
      %lt3A_230 = arith.cmpf olt, %while3A_141, %broadcast_in_dim3A_176 : vector<400x1xf32>
      %eq3A_231 = arith.cmpf oeq, %while3A_141, %broadcast_in_dim3A_176 : vector<400x1xf32>
      %lt3A_232 = arith.cmpi slt, %while3A_142, %broadcast_in_dim3A_184 : vector<400x1xi32>
      %and3A_233 = arith.andi %eq3A_231, %lt3A_232 : vector<400x1xi1>
      %or3A_234 = arith.ori %lt3A_230, %and3A_233 : vector<400x1xi1>
      %select_n3A_235 = arith.select %or3A_234, %while3A_141, %broadcast_in_dim3A_176 : vector<400x1xi1>, vector<400x1xf32>
      %select_n3A_236 = arith.select %or3A_234, %while3A_142, %broadcast_in_dim3A_184 : vector<400x1xi1>, vector<400x1xi32>
      %lt3A_237 = arith.cmpf olt, %while3A_143, %broadcast_in_dim3A_160 : vector<400x1xf32>
      %eq3A_238 = arith.cmpf oeq, %while3A_143, %broadcast_in_dim3A_160 : vector<400x1xf32>
      %lt3A_239 = arith.cmpi slt, %while3A_144, %broadcast_in_dim3A_168 : vector<400x1xi32>
      %and3A_240 = arith.andi %eq3A_238, %lt3A_239 : vector<400x1xi1>
      %or3A_241 = arith.ori %lt3A_237, %and3A_240 : vector<400x1xi1>
      %select_n3A_242 = arith.select %or3A_241, %while3A_143, %broadcast_in_dim3A_160 : vector<400x1xi1>, vector<400x1xf32>
      %select_n3A_243 = arith.select %or3A_241, %while3A_144, %broadcast_in_dim3A_168 : vector<400x1xi1>, vector<400x1xi32>
      %lt3A_244 = arith.cmpf olt, %select_n3A_221, %select_n3A_235 : vector<400x1xf32>
      %eq3A_245 = arith.cmpf oeq, %select_n3A_221, %select_n3A_235 : vector<400x1xf32>
      %lt3A_246 = arith.cmpi slt, %select_n3A_222, %select_n3A_236 : vector<400x1xi32>
      %and3A_247 = arith.andi %eq3A_245, %lt3A_246 : vector<400x1xi1>
      %or3A_248 = arith.ori %lt3A_244, %and3A_247 : vector<400x1xi1>
      %select_n3A_249 = arith.select %or3A_248, %select_n3A_221, %select_n3A_235 : vector<400x1xi1>, vector<400x1xf32>
      %select_n3A_250 = arith.select %or3A_248, %select_n3A_222, %select_n3A_236 : vector<400x1xi1>, vector<400x1xi32>
      %select_n3A_251 = arith.select %or3A_248, %select_n3A_235, %select_n3A_221 : vector<400x1xi1>, vector<400x1xf32>
      %select_n3A_252 = arith.select %or3A_248, %select_n3A_236, %select_n3A_222 : vector<400x1xi1>, vector<400x1xi32>
      %lt3A_253 = arith.cmpf olt, %select_n3A_228, %select_n3A_242 : vector<400x1xf32>
      %eq3A_254 = arith.cmpf oeq, %select_n3A_228, %select_n3A_242 : vector<400x1xf32>
      %lt3A_255 = arith.cmpi slt, %select_n3A_229, %select_n3A_243 : vector<400x1xi32>
      %and3A_256 = arith.andi %eq3A_254, %lt3A_255 : vector<400x1xi1>
      %or3A_257 = arith.ori %lt3A_253, %and3A_256 : vector<400x1xi1>
      %select_n3A_258 = arith.select %or3A_257, %select_n3A_228, %select_n3A_242 : vector<400x1xi1>, vector<400x1xf32>
      %select_n3A_259 = arith.select %or3A_257, %select_n3A_229, %select_n3A_243 : vector<400x1xi1>, vector<400x1xi32>
      %select_n3A_260 = arith.select %or3A_257, %select_n3A_242, %select_n3A_228 : vector<400x1xi1>, vector<400x1xf32>
      %select_n3A_261 = arith.select %or3A_257, %select_n3A_243, %select_n3A_229 : vector<400x1xi1>, vector<400x1xi32>
      %lt3A_262 = arith.cmpf olt, %select_n3A_249, %select_n3A_258 : vector<400x1xf32>
      %eq3A_263 = arith.cmpf oeq, %select_n3A_249, %select_n3A_258 : vector<400x1xf32>
      %lt3A_264 = arith.cmpi slt, %select_n3A_250, %select_n3A_259 : vector<400x1xi32>
      %and3A_265 = arith.andi %eq3A_263, %lt3A_264 : vector<400x1xi1>
      %or3A_266 = arith.ori %lt3A_262, %and3A_265 : vector<400x1xi1>
      %select_n3A_267 = arith.select %or3A_266, %select_n3A_249, %select_n3A_258 : vector<400x1xi1>, vector<400x1xf32>
      %select_n3A_268 = arith.select %or3A_266, %select_n3A_250, %select_n3A_259 : vector<400x1xi1>, vector<400x1xi32>
      %select_n3A_269 = arith.select %or3A_266, %select_n3A_258, %select_n3A_249 : vector<400x1xi1>, vector<400x1xf32>
      %select_n3A_270 = arith.select %or3A_266, %select_n3A_259, %select_n3A_250 : vector<400x1xi1>, vector<400x1xi32>
      %lt3A_271 = arith.cmpf olt, %select_n3A_251, %select_n3A_260 : vector<400x1xf32>
      %eq3A_272 = arith.cmpf oeq, %select_n3A_251, %select_n3A_260 : vector<400x1xf32>
      %lt3A_273 = arith.cmpi slt, %select_n3A_252, %select_n3A_261 : vector<400x1xi32>
      %and3A_274 = arith.andi %eq3A_272, %lt3A_273 : vector<400x1xi1>
      %or3A_275 = arith.ori %lt3A_271, %and3A_274 : vector<400x1xi1>
      %select_n3A_276 = arith.select %or3A_275, %select_n3A_251, %select_n3A_260 : vector<400x1xi1>, vector<400x1xf32>
      %select_n3A_277 = arith.select %or3A_275, %select_n3A_252, %select_n3A_261 : vector<400x1xi1>, vector<400x1xi32>
      %select_n3A_278 = arith.select %or3A_275, %select_n3A_260, %select_n3A_251 : vector<400x1xi1>, vector<400x1xf32>
      %select_n3A_279 = arith.select %or3A_275, %select_n3A_261, %select_n3A_252 : vector<400x1xi1>, vector<400x1xi32>
      scf.yield %select_n3A_267, %select_n3A_268, %select_n3A_269, %select_n3A_270, %select_n3A_276, %select_n3A_277, %select_n3A_278, %select_n3A_279 : vector<400x1xf32>, vector<400x1xi32>, vector<400x1xf32>, vector<400x1xi32>, vector<400x1xf32>, vector<400x1xi32>, vector<400x1xf32>, vector<400x1xi32>
    }
    %while3A_68 = arith.constant 1 : i32
    %while3A_69:8 = scf.for %while3A_136 = %while3A_65 to %while3A_61 step %while3A_68 iter_args(%while3A_137 = %while3A_67#0, %while3A_138 = %while3A_67#1, %while3A_139 = %while3A_67#2, %while3A_140 = %while3A_67#3, %while3A_141 = %while3A_67#4, %while3A_142 = %while3A_67#5, %while3A_143 = %while3A_67#6, %while3A_144 = %while3A_67#7) -> (vector<400x1xf32>, vector<400x1xi32>, vector<400x1xf32>, vector<400x1xi32>, vector<400x1xf32>, vector<400x1xi32>, vector<400x1xf32>, vector<400x1xi32>)  : i32 {
      %mul3A_145 = arith.constant 2048 : i32
      %mul3A_146 = arith.muli %while3A_136, %mul3A_145 : i32
      %get3A_147 = arith.constant 0 : index
      %get3A_148 = arith.index_cast %mul3A_146 : i32 to index
      %get3A_149 = vector.load %arg7[%get3A_147, %get3A_148] : memref<400x10240xf32, #tpu.memory_space<vmem>>, vector<400x2048xf32>
      %iota3A = tpu.iota {dimensions = array<i32: 1>} : vector<400x2048xi32>
      %mul3A_150 = arith.constant 2048 : i32
      %mul3A_151 = arith.muli %while3A_136, %mul3A_150 : i32
      %add3A = vector.broadcast %mul3A_151 : i32 to vector<400x2048xi32>
      %add3A_152 = arith.addi %iota3A, %add3A : vector<400x2048xi32>
      %gt3A = vector.broadcast %while3A_44#6 : vector<400x1xf32> to vector<400x2048xf32>
      %gt3A_153 = arith.cmpf ogt, %get3A_149, %gt3A : vector<400x2048xf32>
      %eq3A_154 = vector.broadcast %while3A_44#6 : vector<400x1xf32> to vector<400x2048xf32>
      %eq3A_155 = arith.cmpf oeq, %get3A_149, %eq3A_154 : vector<400x2048xf32>
      %gt3A_156 = vector.broadcast %while3A_44#7 : vector<400x1xi32> to vector<400x2048xi32>
      %gt3A_157 = arith.cmpi sgt, %add3A_152, %gt3A_156 : vector<400x2048xi32>
      %and3A = arith.andi %eq3A_155, %gt3A_157 : vector<400x2048xi1>
      %or3A = arith.ori %gt3A_153, %and3A : vector<400x2048xi1>
      %jit3A = arith.constant 0x7F800000 : f32
      %broadcast_in_dim3A_158 = vector.broadcast %jit3A : f32 to vector<400x2048xf32>
      %select_n3A = arith.select %or3A, %get3A_149, %broadcast_in_dim3A_158 : vector<400x2048xi1>, vector<400x2048xf32>
      %reduce_min3A = arith.constant dense<0x7F800000> : vector<400xf32>
      %reduce_min3A_159 = vector.multi_reduction <minimumf>, %select_n3A, %reduce_min3A [1] : vector<400x2048xf32> to vector<400xf32>
      %broadcast_in_dim3A_160 = vector.shape_cast %reduce_min3A_159 : vector<400xf32> to vector<400x1xf32>
      %eq3A_161 = vector.broadcast %broadcast_in_dim3A_160 : vector<400x1xf32> to vector<400x2048xf32>
      %eq3A_162 = arith.cmpf oeq, %select_n3A, %eq3A_161 : vector<400x2048xf32>
      %jit3A_163 = arith.constant 1073741824 : i32
      %broadcast_in_dim3A_164 = vector.broadcast %jit3A_163 : i32 to vector<400x2048xi32>
      %select_n3A_165 = arith.select %eq3A_162, %add3A_152, %broadcast_in_dim3A_164 : vector<400x2048xi1>, vector<400x2048xi32>
      %reduce_min3A_166 = arith.constant dense<2147483647> : vector<400xi32>
      %reduce_min3A_167 = vector.multi_reduction <minsi>, %select_n3A_165, %reduce_min3A_166 [1] : vector<400x2048xi32> to vector<400xi32>
      %broadcast_in_dim3A_168 = vector.shape_cast %reduce_min3A_167 : vector<400xi32> to vector<400x1xi32>
      %eq3A_169 = vector.broadcast %broadcast_in_dim3A_168 : vector<400x1xi32> to vector<400x2048xi32>
      %eq3A_170 = arith.cmpi eq, %add3A_152, %eq3A_169 : vector<400x2048xi32>
      %jit3A_171 = arith.constant 0x7F800000 : f32
      %broadcast_in_dim3A_172 = vector.broadcast %jit3A_171 : f32 to vector<400x2048xf32>
      %select_n3A_173 = arith.select %eq3A_170, %broadcast_in_dim3A_172, %select_n3A : vector<400x2048xi1>, vector<400x2048xf32>
      %reduce_min3A_174 = arith.constant dense<0x7F800000> : vector<400xf32>
      %reduce_min3A_175 = vector.multi_reduction <minimumf>, %select_n3A_173, %reduce_min3A_174 [1] : vector<400x2048xf32> to vector<400xf32>
      %broadcast_in_dim3A_176 = vector.shape_cast %reduce_min3A_175 : vector<400xf32> to vector<400x1xf32>
      %eq3A_177 = vector.broadcast %broadcast_in_dim3A_176 : vector<400x1xf32> to vector<400x2048xf32>
      %eq3A_178 = arith.cmpf oeq, %select_n3A_173, %eq3A_177 : vector<400x2048xf32>
      %jit3A_179 = arith.constant 1073741824 : i32
      %broadcast_in_dim3A_180 = vector.broadcast %jit3A_179 : i32 to vector<400x2048xi32>
      %select_n3A_181 = arith.select %eq3A_178, %add3A_152, %broadcast_in_dim3A_180 : vector<400x2048xi1>, vector<400x2048xi32>
      %reduce_min3A_182 = arith.constant dense<2147483647> : vector<400xi32>
      %reduce_min3A_183 = vector.multi_reduction <minsi>, %select_n3A_181, %reduce_min3A_182 [1] : vector<400x2048xi32> to vector<400xi32>
      %broadcast_in_dim3A_184 = vector.shape_cast %reduce_min3A_183 : vector<400xi32> to vector<400x1xi32>
      %eq3A_185 = vector.broadcast %broadcast_in_dim3A_184 : vector<400x1xi32> to vector<400x2048xi32>
      %eq3A_186 = arith.cmpi eq, %add3A_152, %eq3A_185 : vector<400x2048xi32>
      %jit3A_187 = arith.constant 0x7F800000 : f32
      %broadcast_in_dim3A_188 = vector.broadcast %jit3A_187 : f32 to vector<400x2048xf32>
      %select_n3A_189 = arith.select %eq3A_186, %broadcast_in_dim3A_188, %select_n3A_173 : vector<400x2048xi1>, vector<400x2048xf32>
      %reduce_min3A_190 = arith.constant dense<0x7F800000> : vector<400xf32>
      %reduce_min3A_191 = vector.multi_reduction <minimumf>, %select_n3A_189, %reduce_min3A_190 [1] : vector<400x2048xf32> to vector<400xf32>
      %broadcast_in_dim3A_192 = vector.shape_cast %reduce_min3A_191 : vector<400xf32> to vector<400x1xf32>
      %eq3A_193 = vector.broadcast %broadcast_in_dim3A_192 : vector<400x1xf32> to vector<400x2048xf32>
      %eq3A_194 = arith.cmpf oeq, %select_n3A_189, %eq3A_193 : vector<400x2048xf32>
      %jit3A_195 = arith.constant 1073741824 : i32
      %broadcast_in_dim3A_196 = vector.broadcast %jit3A_195 : i32 to vector<400x2048xi32>
      %select_n3A_197 = arith.select %eq3A_194, %add3A_152, %broadcast_in_dim3A_196 : vector<400x2048xi1>, vector<400x2048xi32>
      %reduce_min3A_198 = arith.constant dense<2147483647> : vector<400xi32>
      %reduce_min3A_199 = vector.multi_reduction <minsi>, %select_n3A_197, %reduce_min3A_198 [1] : vector<400x2048xi32> to vector<400xi32>
      %broadcast_in_dim3A_200 = vector.shape_cast %reduce_min3A_199 : vector<400xi32> to vector<400x1xi32>
      %eq3A_201 = vector.broadcast %broadcast_in_dim3A_200 : vector<400x1xi32> to vector<400x2048xi32>
      %eq3A_202 = arith.cmpi eq, %add3A_152, %eq3A_201 : vector<400x2048xi32>
      %jit3A_203 = arith.constant 0x7F800000 : f32
      %broadcast_in_dim3A_204 = vector.broadcast %jit3A_203 : f32 to vector<400x2048xf32>
      %select_n3A_205 = arith.select %eq3A_202, %broadcast_in_dim3A_204, %select_n3A_189 : vector<400x2048xi1>, vector<400x2048xf32>
      %reduce_min3A_206 = arith.constant dense<0x7F800000> : vector<400xf32>
      %reduce_min3A_207 = vector.multi_reduction <minimumf>, %select_n3A_205, %reduce_min3A_206 [1] : vector<400x2048xf32> to vector<400xf32>
      %broadcast_in_dim3A_208 = vector.shape_cast %reduce_min3A_207 : vector<400xf32> to vector<400x1xf32>
      %eq3A_209 = vector.broadcast %broadcast_in_dim3A_208 : vector<400x1xf32> to vector<400x2048xf32>
      %eq3A_210 = arith.cmpf oeq, %select_n3A_205, %eq3A_209 : vector<400x2048xf32>
      %jit3A_211 = arith.constant 1073741824 : i32
      %broadcast_in_dim3A_212 = vector.broadcast %jit3A_211 : i32 to vector<400x2048xi32>
      %select_n3A_213 = arith.select %eq3A_210, %add3A_152, %broadcast_in_dim3A_212 : vector<400x2048xi1>, vector<400x2048xi32>
      %reduce_min3A_214 = arith.constant dense<2147483647> : vector<400xi32>
      %reduce_min3A_215 = vector.multi_reduction <minsi>, %select_n3A_213, %reduce_min3A_214 [1] : vector<400x2048xi32> to vector<400xi32>
      %broadcast_in_dim3A_216 = vector.shape_cast %reduce_min3A_215 : vector<400xi32> to vector<400x1xi32>
      %lt3A = arith.cmpf olt, %while3A_137, %broadcast_in_dim3A_208 : vector<400x1xf32>
      %eq3A_217 = arith.cmpf oeq, %while3A_137, %broadcast_in_dim3A_208 : vector<400x1xf32>
      %lt3A_218 = arith.cmpi slt, %while3A_138, %broadcast_in_dim3A_216 : vector<400x1xi32>
      %and3A_219 = arith.andi %eq3A_217, %lt3A_218 : vector<400x1xi1>
      %or3A_220 = arith.ori %lt3A, %and3A_219 : vector<400x1xi1>
      %select_n3A_221 = arith.select %or3A_220, %while3A_137, %broadcast_in_dim3A_208 : vector<400x1xi1>, vector<400x1xf32>
      %select_n3A_222 = arith.select %or3A_220, %while3A_138, %broadcast_in_dim3A_216 : vector<400x1xi1>, vector<400x1xi32>
      %lt3A_223 = arith.cmpf olt, %while3A_139, %broadcast_in_dim3A_192 : vector<400x1xf32>
      %eq3A_224 = arith.cmpf oeq, %while3A_139, %broadcast_in_dim3A_192 : vector<400x1xf32>
      %lt3A_225 = arith.cmpi slt, %while3A_140, %broadcast_in_dim3A_200 : vector<400x1xi32>
      %and3A_226 = arith.andi %eq3A_224, %lt3A_225 : vector<400x1xi1>
      %or3A_227 = arith.ori %lt3A_223, %and3A_226 : vector<400x1xi1>
      %select_n3A_228 = arith.select %or3A_227, %while3A_139, %broadcast_in_dim3A_192 : vector<400x1xi1>, vector<400x1xf32>
      %select_n3A_229 = arith.select %or3A_227, %while3A_140, %broadcast_in_dim3A_200 : vector<400x1xi1>, vector<400x1xi32>
      %lt3A_230 = arith.cmpf olt, %while3A_141, %broadcast_in_dim3A_176 : vector<400x1xf32>
      %eq3A_231 = arith.cmpf oeq, %while3A_141, %broadcast_in_dim3A_176 : vector<400x1xf32>
      %lt3A_232 = arith.cmpi slt, %while3A_142, %broadcast_in_dim3A_184 : vector<400x1xi32>
      %and3A_233 = arith.andi %eq3A_231, %lt3A_232 : vector<400x1xi1>
      %or3A_234 = arith.ori %lt3A_230, %and3A_233 : vector<400x1xi1>
      %select_n3A_235 = arith.select %or3A_234, %while3A_141, %broadcast_in_dim3A_176 : vector<400x1xi1>, vector<400x1xf32>
      %select_n3A_236 = arith.select %or3A_234, %while3A_142, %broadcast_in_dim3A_184 : vector<400x1xi1>, vector<400x1xi32>
      %lt3A_237 = arith.cmpf olt, %while3A_143, %broadcast_in_dim3A_160 : vector<400x1xf32>
      %eq3A_238 = arith.cmpf oeq, %while3A_143, %broadcast_in_dim3A_160 : vector<400x1xf32>
      %lt3A_239 = arith.cmpi slt, %while3A_144, %broadcast_in_dim3A_168 : vector<400x1xi32>
      %and3A_240 = arith.andi %eq3A_238, %lt3A_239 : vector<400x1xi1>
      %or3A_241 = arith.ori %lt3A_237, %and3A_240 : vector<400x1xi1>
      %select_n3A_242 = arith.select %or3A_241, %while3A_143, %broadcast_in_dim3A_160 : vector<400x1xi1>, vector<400x1xf32>
      %select_n3A_243 = arith.select %or3A_241, %while3A_144, %broadcast_in_dim3A_168 : vector<400x1xi1>, vector<400x1xi32>
      %lt3A_244 = arith.cmpf olt, %select_n3A_221, %select_n3A_235 : vector<400x1xf32>
      %eq3A_245 = arith.cmpf oeq, %select_n3A_221, %select_n3A_235 : vector<400x1xf32>
      %lt3A_246 = arith.cmpi slt, %select_n3A_222, %select_n3A_236 : vector<400x1xi32>
      %and3A_247 = arith.andi %eq3A_245, %lt3A_246 : vector<400x1xi1>
      %or3A_248 = arith.ori %lt3A_244, %and3A_247 : vector<400x1xi1>
      %select_n3A_249 = arith.select %or3A_248, %select_n3A_221, %select_n3A_235 : vector<400x1xi1>, vector<400x1xf32>
      %select_n3A_250 = arith.select %or3A_248, %select_n3A_222, %select_n3A_236 : vector<400x1xi1>, vector<400x1xi32>
      %select_n3A_251 = arith.select %or3A_248, %select_n3A_235, %select_n3A_221 : vector<400x1xi1>, vector<400x1xf32>
      %select_n3A_252 = arith.select %or3A_248, %select_n3A_236, %select_n3A_222 : vector<400x1xi1>, vector<400x1xi32>
      %lt3A_253 = arith.cmpf olt, %select_n3A_228, %select_n3A_242 : vector<400x1xf32>
      %eq3A_254 = arith.cmpf oeq, %select_n3A_228, %select_n3A_242 : vector<400x1xf32>
      %lt3A_255 = arith.cmpi slt, %select_n3A_229, %select_n3A_243 : vector<400x1xi32>
      %and3A_256 = arith.andi %eq3A_254, %lt3A_255 : vector<400x1xi1>
      %or3A_257 = arith.ori %lt3A_253, %and3A_256 : vector<400x1xi1>
      %select_n3A_258 = arith.select %or3A_257, %select_n3A_228, %select_n3A_242 : vector<400x1xi1>, vector<400x1xf32>
      %select_n3A_259 = arith.select %or3A_257, %select_n3A_229, %select_n3A_243 : vector<400x1xi1>, vector<400x1xi32>
      %select_n3A_260 = arith.select %or3A_257, %select_n3A_242, %select_n3A_228 : vector<400x1xi1>, vector<400x1xf32>
      %select_n3A_261 = arith.select %or3A_257, %select_n3A_243, %select_n3A_229 : vector<400x1xi1>, vector<400x1xi32>
      %lt3A_262 = arith.cmpf olt, %select_n3A_249, %select_n3A_258 : vector<400x1xf32>
      %eq3A_263 = arith.cmpf oeq, %select_n3A_249, %select_n3A_258 : vector<400x1xf32>
      %lt3A_264 = arith.cmpi slt, %select_n3A_250, %select_n3A_259 : vector<400x1xi32>
      %and3A_265 = arith.andi %eq3A_263, %lt3A_264 : vector<400x1xi1>
      %or3A_266 = arith.ori %lt3A_262, %and3A_265 : vector<400x1xi1>
      %select_n3A_267 = arith.select %or3A_266, %select_n3A_249, %select_n3A_258 : vector<400x1xi1>, vector<400x1xf32>
      %select_n3A_268 = arith.select %or3A_266, %select_n3A_250, %select_n3A_259 : vector<400x1xi1>, vector<400x1xi32>
      %select_n3A_269 = arith.select %or3A_266, %select_n3A_258, %select_n3A_249 : vector<400x1xi1>, vector<400x1xf32>
      %select_n3A_270 = arith.select %or3A_266, %select_n3A_259, %select_n3A_250 : vector<400x1xi1>, vector<400x1xi32>
      %lt3A_271 = arith.cmpf olt, %select_n3A_251, %select_n3A_260 : vector<400x1xf32>
      %eq3A_272 = arith.cmpf oeq, %select_n3A_251, %select_n3A_260 : vector<400x1xf32>
      %lt3A_273 = arith.cmpi slt, %select_n3A_252, %select_n3A_261 : vector<400x1xi32>
      %and3A_274 = arith.andi %eq3A_272, %lt3A_273 : vector<400x1xi1>
      %or3A_275 = arith.ori %lt3A_271, %and3A_274 : vector<400x1xi1>
      %select_n3A_276 = arith.select %or3A_275, %select_n3A_251, %select_n3A_260 : vector<400x1xi1>, vector<400x1xf32>
      %select_n3A_277 = arith.select %or3A_275, %select_n3A_252, %select_n3A_261 : vector<400x1xi1>, vector<400x1xi32>
      %select_n3A_278 = arith.select %or3A_275, %select_n3A_260, %select_n3A_251 : vector<400x1xi1>, vector<400x1xf32>
      %select_n3A_279 = arith.select %or3A_275, %select_n3A_261, %select_n3A_252 : vector<400x1xi1>, vector<400x1xi32>
      scf.yield %select_n3A_267, %select_n3A_268, %select_n3A_269, %select_n3A_270, %select_n3A_276, %select_n3A_277, %select_n3A_278, %select_n3A_279 : vector<400x1xf32>, vector<400x1xi32>, vector<400x1xf32>, vector<400x1xi32>, vector<400x1xf32>, vector<400x1xi32>, vector<400x1xf32>, vector<400x1xi32>
    }
    %min3A_70 = arith.constant 10239 : i32
    %min3A_71 = vector.broadcast %min3A_70 : i32 to vector<400x1xi32>
    %min3A_72 = arith.minsi %while3A_69#1, %min3A_71 : vector<400x1xi32>
    %min3A_73 = arith.constant 10239 : i32
    %min3A_74 = vector.broadcast %min3A_73 : i32 to vector<400x1xi32>
    %min3A_75 = arith.minsi %while3A_69#3, %min3A_74 : vector<400x1xi32>
    %min3A_76 = arith.constant 10239 : i32
    %min3A_77 = vector.broadcast %min3A_76 : i32 to vector<400x1xi32>
    %min3A_78 = arith.minsi %while3A_69#5, %min3A_77 : vector<400x1xi32>
    %min3A_79 = arith.constant 10239 : i32
    %min3A_80 = vector.broadcast %min3A_79 : i32 to vector<400x1xi32>
    %min3A_81 = arith.minsi %while3A_69#7, %min3A_80 : vector<400x1xi32>
    %broadcast_in_dim3A_82 = arith.constant 0x7F800000 : f32
    %broadcast_in_dim3A_83 = vector.broadcast %broadcast_in_dim3A_82 : f32 to vector<400x1xf32>
    %broadcast_in_dim3A_84 = arith.constant 1073741824 : i32
    %broadcast_in_dim3A_85 = vector.broadcast %broadcast_in_dim3A_84 : i32 to vector<400x1xi32>
    %while3A_86 = arith.subi %get3A_6, %get3A_3 : i32
    %while3A_87 = arith.addi %get3A_3, %while3A_86 : i32
    %while3A_88 = arith.constant 1 : i32
    %while3A_89 = arith.divsi %while3A_86, %while3A_88 : i32
    %while3A_90 = arith.muli %while3A_89, %while3A_88 : i32
    %while3A_91 = arith.addi %get3A_3, %while3A_90 : i32
    %while3A_92 = arith.constant 1 : i32
    %while3A_93:8 = scf.for %while3A_136 = %get3A_3 to %while3A_91 step %while3A_92 iter_args(%while3A_137 = %broadcast_in_dim3A_83, %while3A_138 = %broadcast_in_dim3A_85, %while3A_139 = %broadcast_in_dim3A_83, %while3A_140 = %broadcast_in_dim3A_85, %while3A_141 = %broadcast_in_dim3A_83, %while3A_142 = %broadcast_in_dim3A_85, %while3A_143 = %broadcast_in_dim3A_83, %while3A_144 = %broadcast_in_dim3A_85) -> (vector<400x1xf32>, vector<400x1xi32>, vector<400x1xf32>, vector<400x1xi32>, vector<400x1xf32>, vector<400x1xi32>, vector<400x1xf32>, vector<400x1xi32>)  : i32 {
      %mul3A_145 = arith.constant 2048 : i32
      %mul3A_146 = arith.muli %while3A_136, %mul3A_145 : i32
      %get3A_147 = arith.constant 0 : index
      %get3A_148 = arith.index_cast %mul3A_146 : i32 to index
      %get3A_149 = vector.load %arg7[%get3A_147, %get3A_148] : memref<400x10240xf32, #tpu.memory_space<vmem>>, vector<400x2048xf32>
      %iota3A = tpu.iota {dimensions = array<i32: 1>} : vector<400x2048xi32>
      %mul3A_150 = arith.constant 2048 : i32
      %mul3A_151 = arith.muli %while3A_136, %mul3A_150 : i32
      %add3A = vector.broadcast %mul3A_151 : i32 to vector<400x2048xi32>
      %add3A_152 = arith.addi %iota3A, %add3A : vector<400x2048xi32>
      %gt3A = vector.broadcast %while3A_69#6 : vector<400x1xf32> to vector<400x2048xf32>
      %gt3A_153 = arith.cmpf ogt, %get3A_149, %gt3A : vector<400x2048xf32>
      %eq3A_154 = vector.broadcast %while3A_69#6 : vector<400x1xf32> to vector<400x2048xf32>
      %eq3A_155 = arith.cmpf oeq, %get3A_149, %eq3A_154 : vector<400x2048xf32>
      %gt3A_156 = vector.broadcast %while3A_69#7 : vector<400x1xi32> to vector<400x2048xi32>
      %gt3A_157 = arith.cmpi sgt, %add3A_152, %gt3A_156 : vector<400x2048xi32>
      %and3A = arith.andi %eq3A_155, %gt3A_157 : vector<400x2048xi1>
      %or3A = arith.ori %gt3A_153, %and3A : vector<400x2048xi1>
      %jit3A = arith.constant 0x7F800000 : f32
      %broadcast_in_dim3A_158 = vector.broadcast %jit3A : f32 to vector<400x2048xf32>
      %select_n3A = arith.select %or3A, %get3A_149, %broadcast_in_dim3A_158 : vector<400x2048xi1>, vector<400x2048xf32>
      %reduce_min3A = arith.constant dense<0x7F800000> : vector<400xf32>
      %reduce_min3A_159 = vector.multi_reduction <minimumf>, %select_n3A, %reduce_min3A [1] : vector<400x2048xf32> to vector<400xf32>
      %broadcast_in_dim3A_160 = vector.shape_cast %reduce_min3A_159 : vector<400xf32> to vector<400x1xf32>
      %eq3A_161 = vector.broadcast %broadcast_in_dim3A_160 : vector<400x1xf32> to vector<400x2048xf32>
      %eq3A_162 = arith.cmpf oeq, %select_n3A, %eq3A_161 : vector<400x2048xf32>
      %jit3A_163 = arith.constant 1073741824 : i32
      %broadcast_in_dim3A_164 = vector.broadcast %jit3A_163 : i32 to vector<400x2048xi32>
      %select_n3A_165 = arith.select %eq3A_162, %add3A_152, %broadcast_in_dim3A_164 : vector<400x2048xi1>, vector<400x2048xi32>
      %reduce_min3A_166 = arith.constant dense<2147483647> : vector<400xi32>
      %reduce_min3A_167 = vector.multi_reduction <minsi>, %select_n3A_165, %reduce_min3A_166 [1] : vector<400x2048xi32> to vector<400xi32>
      %broadcast_in_dim3A_168 = vector.shape_cast %reduce_min3A_167 : vector<400xi32> to vector<400x1xi32>
      %eq3A_169 = vector.broadcast %broadcast_in_dim3A_168 : vector<400x1xi32> to vector<400x2048xi32>
      %eq3A_170 = arith.cmpi eq, %add3A_152, %eq3A_169 : vector<400x2048xi32>
      %jit3A_171 = arith.constant 0x7F800000 : f32
      %broadcast_in_dim3A_172 = vector.broadcast %jit3A_171 : f32 to vector<400x2048xf32>
      %select_n3A_173 = arith.select %eq3A_170, %broadcast_in_dim3A_172, %select_n3A : vector<400x2048xi1>, vector<400x2048xf32>
      %reduce_min3A_174 = arith.constant dense<0x7F800000> : vector<400xf32>
      %reduce_min3A_175 = vector.multi_reduction <minimumf>, %select_n3A_173, %reduce_min3A_174 [1] : vector<400x2048xf32> to vector<400xf32>
      %broadcast_in_dim3A_176 = vector.shape_cast %reduce_min3A_175 : vector<400xf32> to vector<400x1xf32>
      %eq3A_177 = vector.broadcast %broadcast_in_dim3A_176 : vector<400x1xf32> to vector<400x2048xf32>
      %eq3A_178 = arith.cmpf oeq, %select_n3A_173, %eq3A_177 : vector<400x2048xf32>
      %jit3A_179 = arith.constant 1073741824 : i32
      %broadcast_in_dim3A_180 = vector.broadcast %jit3A_179 : i32 to vector<400x2048xi32>
      %select_n3A_181 = arith.select %eq3A_178, %add3A_152, %broadcast_in_dim3A_180 : vector<400x2048xi1>, vector<400x2048xi32>
      %reduce_min3A_182 = arith.constant dense<2147483647> : vector<400xi32>
      %reduce_min3A_183 = vector.multi_reduction <minsi>, %select_n3A_181, %reduce_min3A_182 [1] : vector<400x2048xi32> to vector<400xi32>
      %broadcast_in_dim3A_184 = vector.shape_cast %reduce_min3A_183 : vector<400xi32> to vector<400x1xi32>
      %eq3A_185 = vector.broadcast %broadcast_in_dim3A_184 : vector<400x1xi32> to vector<400x2048xi32>
      %eq3A_186 = arith.cmpi eq, %add3A_152, %eq3A_185 : vector<400x2048xi32>
      %jit3A_187 = arith.constant 0x7F800000 : f32
      %broadcast_in_dim3A_188 = vector.broadcast %jit3A_187 : f32 to vector<400x2048xf32>
      %select_n3A_189 = arith.select %eq3A_186, %broadcast_in_dim3A_188, %select_n3A_173 : vector<400x2048xi1>, vector<400x2048xf32>
      %reduce_min3A_190 = arith.constant dense<0x7F800000> : vector<400xf32>
      %reduce_min3A_191 = vector.multi_reduction <minimumf>, %select_n3A_189, %reduce_min3A_190 [1] : vector<400x2048xf32> to vector<400xf32>
      %broadcast_in_dim3A_192 = vector.shape_cast %reduce_min3A_191 : vector<400xf32> to vector<400x1xf32>
      %eq3A_193 = vector.broadcast %broadcast_in_dim3A_192 : vector<400x1xf32> to vector<400x2048xf32>
      %eq3A_194 = arith.cmpf oeq, %select_n3A_189, %eq3A_193 : vector<400x2048xf32>
      %jit3A_195 = arith.constant 1073741824 : i32
      %broadcast_in_dim3A_196 = vector.broadcast %jit3A_195 : i32 to vector<400x2048xi32>
      %select_n3A_197 = arith.select %eq3A_194, %add3A_152, %broadcast_in_dim3A_196 : vector<400x2048xi1>, vector<400x2048xi32>
      %reduce_min3A_198 = arith.constant dense<2147483647> : vector<400xi32>
      %reduce_min3A_199 = vector.multi_reduction <minsi>, %select_n3A_197, %reduce_min3A_198 [1] : vector<400x2048xi32> to vector<400xi32>
      %broadcast_in_dim3A_200 = vector.shape_cast %reduce_min3A_199 : vector<400xi32> to vector<400x1xi32>
      %eq3A_201 = vector.broadcast %broadcast_in_dim3A_200 : vector<400x1xi32> to vector<400x2048xi32>
      %eq3A_202 = arith.cmpi eq, %add3A_152, %eq3A_201 : vector<400x2048xi32>
      %jit3A_203 = arith.constant 0x7F800000 : f32
      %broadcast_in_dim3A_204 = vector.broadcast %jit3A_203 : f32 to vector<400x2048xf32>
      %select_n3A_205 = arith.select %eq3A_202, %broadcast_in_dim3A_204, %select_n3A_189 : vector<400x2048xi1>, vector<400x2048xf32>
      %reduce_min3A_206 = arith.constant dense<0x7F800000> : vector<400xf32>
      %reduce_min3A_207 = vector.multi_reduction <minimumf>, %select_n3A_205, %reduce_min3A_206 [1] : vector<400x2048xf32> to vector<400xf32>
      %broadcast_in_dim3A_208 = vector.shape_cast %reduce_min3A_207 : vector<400xf32> to vector<400x1xf32>
      %eq3A_209 = vector.broadcast %broadcast_in_dim3A_208 : vector<400x1xf32> to vector<400x2048xf32>
      %eq3A_210 = arith.cmpf oeq, %select_n3A_205, %eq3A_209 : vector<400x2048xf32>
      %jit3A_211 = arith.constant 1073741824 : i32
      %broadcast_in_dim3A_212 = vector.broadcast %jit3A_211 : i32 to vector<400x2048xi32>
      %select_n3A_213 = arith.select %eq3A_210, %add3A_152, %broadcast_in_dim3A_212 : vector<400x2048xi1>, vector<400x2048xi32>
      %reduce_min3A_214 = arith.constant dense<2147483647> : vector<400xi32>
      %reduce_min3A_215 = vector.multi_reduction <minsi>, %select_n3A_213, %reduce_min3A_214 [1] : vector<400x2048xi32> to vector<400xi32>
      %broadcast_in_dim3A_216 = vector.shape_cast %reduce_min3A_215 : vector<400xi32> to vector<400x1xi32>
      %lt3A = arith.cmpf olt, %while3A_137, %broadcast_in_dim3A_208 : vector<400x1xf32>
      %eq3A_217 = arith.cmpf oeq, %while3A_137, %broadcast_in_dim3A_208 : vector<400x1xf32>
      %lt3A_218 = arith.cmpi slt, %while3A_138, %broadcast_in_dim3A_216 : vector<400x1xi32>
      %and3A_219 = arith.andi %eq3A_217, %lt3A_218 : vector<400x1xi1>
      %or3A_220 = arith.ori %lt3A, %and3A_219 : vector<400x1xi1>
      %select_n3A_221 = arith.select %or3A_220, %while3A_137, %broadcast_in_dim3A_208 : vector<400x1xi1>, vector<400x1xf32>
      %select_n3A_222 = arith.select %or3A_220, %while3A_138, %broadcast_in_dim3A_216 : vector<400x1xi1>, vector<400x1xi32>
      %lt3A_223 = arith.cmpf olt, %while3A_139, %broadcast_in_dim3A_192 : vector<400x1xf32>
      %eq3A_224 = arith.cmpf oeq, %while3A_139, %broadcast_in_dim3A_192 : vector<400x1xf32>
      %lt3A_225 = arith.cmpi slt, %while3A_140, %broadcast_in_dim3A_200 : vector<400x1xi32>
      %and3A_226 = arith.andi %eq3A_224, %lt3A_225 : vector<400x1xi1>
      %or3A_227 = arith.ori %lt3A_223, %and3A_226 : vector<400x1xi1>
      %select_n3A_228 = arith.select %or3A_227, %while3A_139, %broadcast_in_dim3A_192 : vector<400x1xi1>, vector<400x1xf32>
      %select_n3A_229 = arith.select %or3A_227, %while3A_140, %broadcast_in_dim3A_200 : vector<400x1xi1>, vector<400x1xi32>
      %lt3A_230 = arith.cmpf olt, %while3A_141, %broadcast_in_dim3A_176 : vector<400x1xf32>
      %eq3A_231 = arith.cmpf oeq, %while3A_141, %broadcast_in_dim3A_176 : vector<400x1xf32>
      %lt3A_232 = arith.cmpi slt, %while3A_142, %broadcast_in_dim3A_184 : vector<400x1xi32>
      %and3A_233 = arith.andi %eq3A_231, %lt3A_232 : vector<400x1xi1>
      %or3A_234 = arith.ori %lt3A_230, %and3A_233 : vector<400x1xi1>
      %select_n3A_235 = arith.select %or3A_234, %while3A_141, %broadcast_in_dim3A_176 : vector<400x1xi1>, vector<400x1xf32>
      %select_n3A_236 = arith.select %or3A_234, %while3A_142, %broadcast_in_dim3A_184 : vector<400x1xi1>, vector<400x1xi32>
      %lt3A_237 = arith.cmpf olt, %while3A_143, %broadcast_in_dim3A_160 : vector<400x1xf32>
      %eq3A_238 = arith.cmpf oeq, %while3A_143, %broadcast_in_dim3A_160 : vector<400x1xf32>
      %lt3A_239 = arith.cmpi slt, %while3A_144, %broadcast_in_dim3A_168 : vector<400x1xi32>
      %and3A_240 = arith.andi %eq3A_238, %lt3A_239 : vector<400x1xi1>
      %or3A_241 = arith.ori %lt3A_237, %and3A_240 : vector<400x1xi1>
      %select_n3A_242 = arith.select %or3A_241, %while3A_143, %broadcast_in_dim3A_160 : vector<400x1xi1>, vector<400x1xf32>
      %select_n3A_243 = arith.select %or3A_241, %while3A_144, %broadcast_in_dim3A_168 : vector<400x1xi1>, vector<400x1xi32>
      %lt3A_244 = arith.cmpf olt, %select_n3A_221, %select_n3A_235 : vector<400x1xf32>
      %eq3A_245 = arith.cmpf oeq, %select_n3A_221, %select_n3A_235 : vector<400x1xf32>
      %lt3A_246 = arith.cmpi slt, %select_n3A_222, %select_n3A_236 : vector<400x1xi32>
      %and3A_247 = arith.andi %eq3A_245, %lt3A_246 : vector<400x1xi1>
      %or3A_248 = arith.ori %lt3A_244, %and3A_247 : vector<400x1xi1>
      %select_n3A_249 = arith.select %or3A_248, %select_n3A_221, %select_n3A_235 : vector<400x1xi1>, vector<400x1xf32>
      %select_n3A_250 = arith.select %or3A_248, %select_n3A_222, %select_n3A_236 : vector<400x1xi1>, vector<400x1xi32>
      %select_n3A_251 = arith.select %or3A_248, %select_n3A_235, %select_n3A_221 : vector<400x1xi1>, vector<400x1xf32>
      %select_n3A_252 = arith.select %or3A_248, %select_n3A_236, %select_n3A_222 : vector<400x1xi1>, vector<400x1xi32>
      %lt3A_253 = arith.cmpf olt, %select_n3A_228, %select_n3A_242 : vector<400x1xf32>
      %eq3A_254 = arith.cmpf oeq, %select_n3A_228, %select_n3A_242 : vector<400x1xf32>
      %lt3A_255 = arith.cmpi slt, %select_n3A_229, %select_n3A_243 : vector<400x1xi32>
      %and3A_256 = arith.andi %eq3A_254, %lt3A_255 : vector<400x1xi1>
      %or3A_257 = arith.ori %lt3A_253, %and3A_256 : vector<400x1xi1>
      %select_n3A_258 = arith.select %or3A_257, %select_n3A_228, %select_n3A_242 : vector<400x1xi1>, vector<400x1xf32>
      %select_n3A_259 = arith.select %or3A_257, %select_n3A_229, %select_n3A_243 : vector<400x1xi1>, vector<400x1xi32>
      %select_n3A_260 = arith.select %or3A_257, %select_n3A_242, %select_n3A_228 : vector<400x1xi1>, vector<400x1xf32>
      %select_n3A_261 = arith.select %or3A_257, %select_n3A_243, %select_n3A_229 : vector<400x1xi1>, vector<400x1xi32>
      %lt3A_262 = arith.cmpf olt, %select_n3A_249, %select_n3A_258 : vector<400x1xf32>
      %eq3A_263 = arith.cmpf oeq, %select_n3A_249, %select_n3A_258 : vector<400x1xf32>
      %lt3A_264 = arith.cmpi slt, %select_n3A_250, %select_n3A_259 : vector<400x1xi32>
      %and3A_265 = arith.andi %eq3A_263, %lt3A_264 : vector<400x1xi1>
      %or3A_266 = arith.ori %lt3A_262, %and3A_265 : vector<400x1xi1>
      %select_n3A_267 = arith.select %or3A_266, %select_n3A_249, %select_n3A_258 : vector<400x1xi1>, vector<400x1xf32>
      %select_n3A_268 = arith.select %or3A_266, %select_n3A_250, %select_n3A_259 : vector<400x1xi1>, vector<400x1xi32>
      %select_n3A_269 = arith.select %or3A_266, %select_n3A_258, %select_n3A_249 : vector<400x1xi1>, vector<400x1xf32>
      %select_n3A_270 = arith.select %or3A_266, %select_n3A_259, %select_n3A_250 : vector<400x1xi1>, vector<400x1xi32>
      %lt3A_271 = arith.cmpf olt, %select_n3A_251, %select_n3A_260 : vector<400x1xf32>
      %eq3A_272 = arith.cmpf oeq, %select_n3A_251, %select_n3A_260 : vector<400x1xf32>
      %lt3A_273 = arith.cmpi slt, %select_n3A_252, %select_n3A_261 : vector<400x1xi32>
      %and3A_274 = arith.andi %eq3A_272, %lt3A_273 : vector<400x1xi1>
      %or3A_275 = arith.ori %lt3A_271, %and3A_274 : vector<400x1xi1>
      %select_n3A_276 = arith.select %or3A_275, %select_n3A_251, %select_n3A_260 : vector<400x1xi1>, vector<400x1xf32>
      %select_n3A_277 = arith.select %or3A_275, %select_n3A_252, %select_n3A_261 : vector<400x1xi1>, vector<400x1xi32>
      %select_n3A_278 = arith.select %or3A_275, %select_n3A_260, %select_n3A_251 : vector<400x1xi1>, vector<400x1xf32>
      %select_n3A_279 = arith.select %or3A_275, %select_n3A_261, %select_n3A_252 : vector<400x1xi1>, vector<400x1xi32>
      scf.yield %select_n3A_267, %select_n3A_268, %select_n3A_269, %select_n3A_270, %select_n3A_276, %select_n3A_277, %select_n3A_278, %select_n3A_279 : vector<400x1xf32>, vector<400x1xi32>, vector<400x1xf32>, vector<400x1xi32>, vector<400x1xf32>, vector<400x1xi32>, vector<400x1xf32>, vector<400x1xi32>
    }
    %while3A_94 = arith.constant 1 : i32
    %while3A_95:8 = scf.for %while3A_136 = %while3A_91 to %while3A_87 step %while3A_94 iter_args(%while3A_137 = %while3A_93#0, %while3A_138 = %while3A_93#1, %while3A_139 = %while3A_93#2, %while3A_140 = %while3A_93#3, %while3A_141 = %while3A_93#4, %while3A_142 = %while3A_93#5, %while3A_143 = %while3A_93#6, %while3A_144 = %while3A_93#7) -> (vector<400x1xf32>, vector<400x1xi32>, vector<400x1xf32>, vector<400x1xi32>, vector<400x1xf32>, vector<400x1xi32>, vector<400x1xf32>, vector<400x1xi32>)  : i32 {
      %mul3A_145 = arith.constant 2048 : i32
      %mul3A_146 = arith.muli %while3A_136, %mul3A_145 : i32
      %get3A_147 = arith.constant 0 : index
      %get3A_148 = arith.index_cast %mul3A_146 : i32 to index
      %get3A_149 = vector.load %arg7[%get3A_147, %get3A_148] : memref<400x10240xf32, #tpu.memory_space<vmem>>, vector<400x2048xf32>
      %iota3A = tpu.iota {dimensions = array<i32: 1>} : vector<400x2048xi32>
      %mul3A_150 = arith.constant 2048 : i32
      %mul3A_151 = arith.muli %while3A_136, %mul3A_150 : i32
      %add3A = vector.broadcast %mul3A_151 : i32 to vector<400x2048xi32>
      %add3A_152 = arith.addi %iota3A, %add3A : vector<400x2048xi32>
      %gt3A = vector.broadcast %while3A_69#6 : vector<400x1xf32> to vector<400x2048xf32>
      %gt3A_153 = arith.cmpf ogt, %get3A_149, %gt3A : vector<400x2048xf32>
      %eq3A_154 = vector.broadcast %while3A_69#6 : vector<400x1xf32> to vector<400x2048xf32>
      %eq3A_155 = arith.cmpf oeq, %get3A_149, %eq3A_154 : vector<400x2048xf32>
      %gt3A_156 = vector.broadcast %while3A_69#7 : vector<400x1xi32> to vector<400x2048xi32>
      %gt3A_157 = arith.cmpi sgt, %add3A_152, %gt3A_156 : vector<400x2048xi32>
      %and3A = arith.andi %eq3A_155, %gt3A_157 : vector<400x2048xi1>
      %or3A = arith.ori %gt3A_153, %and3A : vector<400x2048xi1>
      %jit3A = arith.constant 0x7F800000 : f32
      %broadcast_in_dim3A_158 = vector.broadcast %jit3A : f32 to vector<400x2048xf32>
      %select_n3A = arith.select %or3A, %get3A_149, %broadcast_in_dim3A_158 : vector<400x2048xi1>, vector<400x2048xf32>
      %reduce_min3A = arith.constant dense<0x7F800000> : vector<400xf32>
      %reduce_min3A_159 = vector.multi_reduction <minimumf>, %select_n3A, %reduce_min3A [1] : vector<400x2048xf32> to vector<400xf32>
      %broadcast_in_dim3A_160 = vector.shape_cast %reduce_min3A_159 : vector<400xf32> to vector<400x1xf32>
      %eq3A_161 = vector.broadcast %broadcast_in_dim3A_160 : vector<400x1xf32> to vector<400x2048xf32>
      %eq3A_162 = arith.cmpf oeq, %select_n3A, %eq3A_161 : vector<400x2048xf32>
      %jit3A_163 = arith.constant 1073741824 : i32
      %broadcast_in_dim3A_164 = vector.broadcast %jit3A_163 : i32 to vector<400x2048xi32>
      %select_n3A_165 = arith.select %eq3A_162, %add3A_152, %broadcast_in_dim3A_164 : vector<400x2048xi1>, vector<400x2048xi32>
      %reduce_min3A_166 = arith.constant dense<2147483647> : vector<400xi32>
      %reduce_min3A_167 = vector.multi_reduction <minsi>, %select_n3A_165, %reduce_min3A_166 [1] : vector<400x2048xi32> to vector<400xi32>
      %broadcast_in_dim3A_168 = vector.shape_cast %reduce_min3A_167 : vector<400xi32> to vector<400x1xi32>
      %eq3A_169 = vector.broadcast %broadcast_in_dim3A_168 : vector<400x1xi32> to vector<400x2048xi32>
      %eq3A_170 = arith.cmpi eq, %add3A_152, %eq3A_169 : vector<400x2048xi32>
      %jit3A_171 = arith.constant 0x7F800000 : f32
      %broadcast_in_dim3A_172 = vector.broadcast %jit3A_171 : f32 to vector<400x2048xf32>
      %select_n3A_173 = arith.select %eq3A_170, %broadcast_in_dim3A_172, %select_n3A : vector<400x2048xi1>, vector<400x2048xf32>
      %reduce_min3A_174 = arith.constant dense<0x7F800000> : vector<400xf32>
      %reduce_min3A_175 = vector.multi_reduction <minimumf>, %select_n3A_173, %reduce_min3A_174 [1] : vector<400x2048xf32> to vector<400xf32>
      %broadcast_in_dim3A_176 = vector.shape_cast %reduce_min3A_175 : vector<400xf32> to vector<400x1xf32>
      %eq3A_177 = vector.broadcast %broadcast_in_dim3A_176 : vector<400x1xf32> to vector<400x2048xf32>
      %eq3A_178 = arith.cmpf oeq, %select_n3A_173, %eq3A_177 : vector<400x2048xf32>
      %jit3A_179 = arith.constant 1073741824 : i32
      %broadcast_in_dim3A_180 = vector.broadcast %jit3A_179 : i32 to vector<400x2048xi32>
      %select_n3A_181 = arith.select %eq3A_178, %add3A_152, %broadcast_in_dim3A_180 : vector<400x2048xi1>, vector<400x2048xi32>
      %reduce_min3A_182 = arith.constant dense<2147483647> : vector<400xi32>
      %reduce_min3A_183 = vector.multi_reduction <minsi>, %select_n3A_181, %reduce_min3A_182 [1] : vector<400x2048xi32> to vector<400xi32>
      %broadcast_in_dim3A_184 = vector.shape_cast %reduce_min3A_183 : vector<400xi32> to vector<400x1xi32>
      %eq3A_185 = vector.broadcast %broadcast_in_dim3A_184 : vector<400x1xi32> to vector<400x2048xi32>
      %eq3A_186 = arith.cmpi eq, %add3A_152, %eq3A_185 : vector<400x2048xi32>
      %jit3A_187 = arith.constant 0x7F800000 : f32
      %broadcast_in_dim3A_188 = vector.broadcast %jit3A_187 : f32 to vector<400x2048xf32>
      %select_n3A_189 = arith.select %eq3A_186, %broadcast_in_dim3A_188, %select_n3A_173 : vector<400x2048xi1>, vector<400x2048xf32>
      %reduce_min3A_190 = arith.constant dense<0x7F800000> : vector<400xf32>
      %reduce_min3A_191 = vector.multi_reduction <minimumf>, %select_n3A_189, %reduce_min3A_190 [1] : vector<400x2048xf32> to vector<400xf32>
      %broadcast_in_dim3A_192 = vector.shape_cast %reduce_min3A_191 : vector<400xf32> to vector<400x1xf32>
      %eq3A_193 = vector.broadcast %broadcast_in_dim3A_192 : vector<400x1xf32> to vector<400x2048xf32>
      %eq3A_194 = arith.cmpf oeq, %select_n3A_189, %eq3A_193 : vector<400x2048xf32>
      %jit3A_195 = arith.constant 1073741824 : i32
      %broadcast_in_dim3A_196 = vector.broadcast %jit3A_195 : i32 to vector<400x2048xi32>
      %select_n3A_197 = arith.select %eq3A_194, %add3A_152, %broadcast_in_dim3A_196 : vector<400x2048xi1>, vector<400x2048xi32>
      %reduce_min3A_198 = arith.constant dense<2147483647> : vector<400xi32>
      %reduce_min3A_199 = vector.multi_reduction <minsi>, %select_n3A_197, %reduce_min3A_198 [1] : vector<400x2048xi32> to vector<400xi32>
      %broadcast_in_dim3A_200 = vector.shape_cast %reduce_min3A_199 : vector<400xi32> to vector<400x1xi32>
      %eq3A_201 = vector.broadcast %broadcast_in_dim3A_200 : vector<400x1xi32> to vector<400x2048xi32>
      %eq3A_202 = arith.cmpi eq, %add3A_152, %eq3A_201 : vector<400x2048xi32>
      %jit3A_203 = arith.constant 0x7F800000 : f32
      %broadcast_in_dim3A_204 = vector.broadcast %jit3A_203 : f32 to vector<400x2048xf32>
      %select_n3A_205 = arith.select %eq3A_202, %broadcast_in_dim3A_204, %select_n3A_189 : vector<400x2048xi1>, vector<400x2048xf32>
      %reduce_min3A_206 = arith.constant dense<0x7F800000> : vector<400xf32>
      %reduce_min3A_207 = vector.multi_reduction <minimumf>, %select_n3A_205, %reduce_min3A_206 [1] : vector<400x2048xf32> to vector<400xf32>
      %broadcast_in_dim3A_208 = vector.shape_cast %reduce_min3A_207 : vector<400xf32> to vector<400x1xf32>
      %eq3A_209 = vector.broadcast %broadcast_in_dim3A_208 : vector<400x1xf32> to vector<400x2048xf32>
      %eq3A_210 = arith.cmpf oeq, %select_n3A_205, %eq3A_209 : vector<400x2048xf32>
      %jit3A_211 = arith.constant 1073741824 : i32
      %broadcast_in_dim3A_212 = vector.broadcast %jit3A_211 : i32 to vector<400x2048xi32>
      %select_n3A_213 = arith.select %eq3A_210, %add3A_152, %broadcast_in_dim3A_212 : vector<400x2048xi1>, vector<400x2048xi32>
      %reduce_min3A_214 = arith.constant dense<2147483647> : vector<400xi32>
      %reduce_min3A_215 = vector.multi_reduction <minsi>, %select_n3A_213, %reduce_min3A_214 [1] : vector<400x2048xi32> to vector<400xi32>
      %broadcast_in_dim3A_216 = vector.shape_cast %reduce_min3A_215 : vector<400xi32> to vector<400x1xi32>
      %lt3A = arith.cmpf olt, %while3A_137, %broadcast_in_dim3A_208 : vector<400x1xf32>
      %eq3A_217 = arith.cmpf oeq, %while3A_137, %broadcast_in_dim3A_208 : vector<400x1xf32>
      %lt3A_218 = arith.cmpi slt, %while3A_138, %broadcast_in_dim3A_216 : vector<400x1xi32>
      %and3A_219 = arith.andi %eq3A_217, %lt3A_218 : vector<400x1xi1>
      %or3A_220 = arith.ori %lt3A, %and3A_219 : vector<400x1xi1>
      %select_n3A_221 = arith.select %or3A_220, %while3A_137, %broadcast_in_dim3A_208 : vector<400x1xi1>, vector<400x1xf32>
      %select_n3A_222 = arith.select %or3A_220, %while3A_138, %broadcast_in_dim3A_216 : vector<400x1xi1>, vector<400x1xi32>
      %lt3A_223 = arith.cmpf olt, %while3A_139, %broadcast_in_dim3A_192 : vector<400x1xf32>
      %eq3A_224 = arith.cmpf oeq, %while3A_139, %broadcast_in_dim3A_192 : vector<400x1xf32>
      %lt3A_225 = arith.cmpi slt, %while3A_140, %broadcast_in_dim3A_200 : vector<400x1xi32>
      %and3A_226 = arith.andi %eq3A_224, %lt3A_225 : vector<400x1xi1>
      %or3A_227 = arith.ori %lt3A_223, %and3A_226 : vector<400x1xi1>
      %select_n3A_228 = arith.select %or3A_227, %while3A_139, %broadcast_in_dim3A_192 : vector<400x1xi1>, vector<400x1xf32>
      %select_n3A_229 = arith.select %or3A_227, %while3A_140, %broadcast_in_dim3A_200 : vector<400x1xi1>, vector<400x1xi32>
      %lt3A_230 = arith.cmpf olt, %while3A_141, %broadcast_in_dim3A_176 : vector<400x1xf32>
      %eq3A_231 = arith.cmpf oeq, %while3A_141, %broadcast_in_dim3A_176 : vector<400x1xf32>
      %lt3A_232 = arith.cmpi slt, %while3A_142, %broadcast_in_dim3A_184 : vector<400x1xi32>
      %and3A_233 = arith.andi %eq3A_231, %lt3A_232 : vector<400x1xi1>
      %or3A_234 = arith.ori %lt3A_230, %and3A_233 : vector<400x1xi1>
      %select_n3A_235 = arith.select %or3A_234, %while3A_141, %broadcast_in_dim3A_176 : vector<400x1xi1>, vector<400x1xf32>
      %select_n3A_236 = arith.select %or3A_234, %while3A_142, %broadcast_in_dim3A_184 : vector<400x1xi1>, vector<400x1xi32>
      %lt3A_237 = arith.cmpf olt, %while3A_143, %broadcast_in_dim3A_160 : vector<400x1xf32>
      %eq3A_238 = arith.cmpf oeq, %while3A_143, %broadcast_in_dim3A_160 : vector<400x1xf32>
      %lt3A_239 = arith.cmpi slt, %while3A_144, %broadcast_in_dim3A_168 : vector<400x1xi32>
      %and3A_240 = arith.andi %eq3A_238, %lt3A_239 : vector<400x1xi1>
      %or3A_241 = arith.ori %lt3A_237, %and3A_240 : vector<400x1xi1>
      %select_n3A_242 = arith.select %or3A_241, %while3A_143, %broadcast_in_dim3A_160 : vector<400x1xi1>, vector<400x1xf32>
      %select_n3A_243 = arith.select %or3A_241, %while3A_144, %broadcast_in_dim3A_168 : vector<400x1xi1>, vector<400x1xi32>
      %lt3A_244 = arith.cmpf olt, %select_n3A_221, %select_n3A_235 : vector<400x1xf32>
      %eq3A_245 = arith.cmpf oeq, %select_n3A_221, %select_n3A_235 : vector<400x1xf32>
      %lt3A_246 = arith.cmpi slt, %select_n3A_222, %select_n3A_236 : vector<400x1xi32>
      %and3A_247 = arith.andi %eq3A_245, %lt3A_246 : vector<400x1xi1>
      %or3A_248 = arith.ori %lt3A_244, %and3A_247 : vector<400x1xi1>
      %select_n3A_249 = arith.select %or3A_248, %select_n3A_221, %select_n3A_235 : vector<400x1xi1>, vector<400x1xf32>
      %select_n3A_250 = arith.select %or3A_248, %select_n3A_222, %select_n3A_236 : vector<400x1xi1>, vector<400x1xi32>
      %select_n3A_251 = arith.select %or3A_248, %select_n3A_235, %select_n3A_221 : vector<400x1xi1>, vector<400x1xf32>
      %select_n3A_252 = arith.select %or3A_248, %select_n3A_236, %select_n3A_222 : vector<400x1xi1>, vector<400x1xi32>
      %lt3A_253 = arith.cmpf olt, %select_n3A_228, %select_n3A_242 : vector<400x1xf32>
      %eq3A_254 = arith.cmpf oeq, %select_n3A_228, %select_n3A_242 : vector<400x1xf32>
      %lt3A_255 = arith.cmpi slt, %select_n3A_229, %select_n3A_243 : vector<400x1xi32>
      %and3A_256 = arith.andi %eq3A_254, %lt3A_255 : vector<400x1xi1>
      %or3A_257 = arith.ori %lt3A_253, %and3A_256 : vector<400x1xi1>
      %select_n3A_258 = arith.select %or3A_257, %select_n3A_228, %select_n3A_242 : vector<400x1xi1>, vector<400x1xf32>
      %select_n3A_259 = arith.select %or3A_257, %select_n3A_229, %select_n3A_243 : vector<400x1xi1>, vector<400x1xi32>
      %select_n3A_260 = arith.select %or3A_257, %select_n3A_242, %select_n3A_228 : vector<400x1xi1>, vector<400x1xf32>
      %select_n3A_261 = arith.select %or3A_257, %select_n3A_243, %select_n3A_229 : vector<400x1xi1>, vector<400x1xi32>
      %lt3A_262 = arith.cmpf olt, %select_n3A_249, %select_n3A_258 : vector<400x1xf32>
      %eq3A_263 = arith.cmpf oeq, %select_n3A_249, %select_n3A_258 : vector<400x1xf32>
      %lt3A_264 = arith.cmpi slt, %select_n3A_250, %select_n3A_259 : vector<400x1xi32>
      %and3A_265 = arith.andi %eq3A_263, %lt3A_264 : vector<400x1xi1>
      %or3A_266 = arith.ori %lt3A_262, %and3A_265 : vector<400x1xi1>
      %select_n3A_267 = arith.select %or3A_266, %select_n3A_249, %select_n3A_258 : vector<400x1xi1>, vector<400x1xf32>
      %select_n3A_268 = arith.select %or3A_266, %select_n3A_250, %select_n3A_259 : vector<400x1xi1>, vector<400x1xi32>
      %select_n3A_269 = arith.select %or3A_266, %select_n3A_258, %select_n3A_249 : vector<400x1xi1>, vector<400x1xf32>
      %select_n3A_270 = arith.select %or3A_266, %select_n3A_259, %select_n3A_250 : vector<400x1xi1>, vector<400x1xi32>
      %lt3A_271 = arith.cmpf olt, %select_n3A_251, %select_n3A_260 : vector<400x1xf32>
      %eq3A_272 = arith.cmpf oeq, %select_n3A_251, %select_n3A_260 : vector<400x1xf32>
      %lt3A_273 = arith.cmpi slt, %select_n3A_252, %select_n3A_261 : vector<400x1xi32>
      %and3A_274 = arith.andi %eq3A_272, %lt3A_273 : vector<400x1xi1>
      %or3A_275 = arith.ori %lt3A_271, %and3A_274 : vector<400x1xi1>
      %select_n3A_276 = arith.select %or3A_275, %select_n3A_251, %select_n3A_260 : vector<400x1xi1>, vector<400x1xf32>
      %select_n3A_277 = arith.select %or3A_275, %select_n3A_252, %select_n3A_261 : vector<400x1xi1>, vector<400x1xi32>
      %select_n3A_278 = arith.select %or3A_275, %select_n3A_260, %select_n3A_251 : vector<400x1xi1>, vector<400x1xf32>
      %select_n3A_279 = arith.select %or3A_275, %select_n3A_261, %select_n3A_252 : vector<400x1xi1>, vector<400x1xi32>
      scf.yield %select_n3A_267, %select_n3A_268, %select_n3A_269, %select_n3A_270, %select_n3A_276, %select_n3A_277, %select_n3A_278, %select_n3A_279 : vector<400x1xf32>, vector<400x1xi32>, vector<400x1xf32>, vector<400x1xi32>, vector<400x1xf32>, vector<400x1xi32>, vector<400x1xf32>, vector<400x1xi32>
    }
    %min3A_96 = arith.constant 10239 : i32
    %min3A_97 = vector.broadcast %min3A_96 : i32 to vector<400x1xi32>
    %min3A_98 = arith.minsi %while3A_95#1, %min3A_97 : vector<400x1xi32>
    %min3A_99 = arith.constant 10239 : i32
    %min3A_100 = vector.broadcast %min3A_99 : i32 to vector<400x1xi32>
    %min3A_101 = arith.minsi %while3A_95#3, %min3A_100 : vector<400x1xi32>
    %min3A_102 = arith.constant 10239 : i32
    %min3A_103 = vector.broadcast %min3A_102 : i32 to vector<400x1xi32>
    %min3A_104 = arith.minsi %while3A_95#5, %min3A_103 : vector<400x1xi32>
    %min3A_105 = arith.constant 10239 : i32
    %min3A_106 = vector.broadcast %min3A_105 : i32 to vector<400x1xi32>
    %min3A_107 = arith.minsi %while3A_95#7, %min3A_106 : vector<400x1xi32>
    %broadcast_in_dim3A_108 = arith.constant 0x7F800000 : f32
    %broadcast_in_dim3A_109 = vector.broadcast %broadcast_in_dim3A_108 : f32 to vector<400x1xf32>
    %broadcast_in_dim3A_110 = arith.constant 1073741824 : i32
    %broadcast_in_dim3A_111 = vector.broadcast %broadcast_in_dim3A_110 : i32 to vector<400x1xi32>
    %while3A_112 = arith.subi %get3A_6, %get3A_3 : i32
    %while3A_113 = arith.addi %get3A_3, %while3A_112 : i32
    %while3A_114 = arith.constant 1 : i32
    %while3A_115 = arith.divsi %while3A_112, %while3A_114 : i32
    %while3A_116 = arith.muli %while3A_115, %while3A_114 : i32
    %while3A_117 = arith.addi %get3A_3, %while3A_116 : i32
    %while3A_118 = arith.constant 1 : i32
    %while3A_119:8 = scf.for %while3A_136 = %get3A_3 to %while3A_117 step %while3A_118 iter_args(%while3A_137 = %broadcast_in_dim3A_109, %while3A_138 = %broadcast_in_dim3A_111, %while3A_139 = %broadcast_in_dim3A_109, %while3A_140 = %broadcast_in_dim3A_111, %while3A_141 = %broadcast_in_dim3A_109, %while3A_142 = %broadcast_in_dim3A_111, %while3A_143 = %broadcast_in_dim3A_109, %while3A_144 = %broadcast_in_dim3A_111) -> (vector<400x1xf32>, vector<400x1xi32>, vector<400x1xf32>, vector<400x1xi32>, vector<400x1xf32>, vector<400x1xi32>, vector<400x1xf32>, vector<400x1xi32>)  : i32 {
      %mul3A_145 = arith.constant 2048 : i32
      %mul3A_146 = arith.muli %while3A_136, %mul3A_145 : i32
      %get3A_147 = arith.constant 0 : index
      %get3A_148 = arith.index_cast %mul3A_146 : i32 to index
      %get3A_149 = vector.load %arg7[%get3A_147, %get3A_148] : memref<400x10240xf32, #tpu.memory_space<vmem>>, vector<400x2048xf32>
      %iota3A = tpu.iota {dimensions = array<i32: 1>} : vector<400x2048xi32>
      %mul3A_150 = arith.constant 2048 : i32
      %mul3A_151 = arith.muli %while3A_136, %mul3A_150 : i32
      %add3A = vector.broadcast %mul3A_151 : i32 to vector<400x2048xi32>
      %add3A_152 = arith.addi %iota3A, %add3A : vector<400x2048xi32>
      %gt3A = vector.broadcast %while3A_95#6 : vector<400x1xf32> to vector<400x2048xf32>
      %gt3A_153 = arith.cmpf ogt, %get3A_149, %gt3A : vector<400x2048xf32>
      %eq3A_154 = vector.broadcast %while3A_95#6 : vector<400x1xf32> to vector<400x2048xf32>
      %eq3A_155 = arith.cmpf oeq, %get3A_149, %eq3A_154 : vector<400x2048xf32>
      %gt3A_156 = vector.broadcast %while3A_95#7 : vector<400x1xi32> to vector<400x2048xi32>
      %gt3A_157 = arith.cmpi sgt, %add3A_152, %gt3A_156 : vector<400x2048xi32>
      %and3A = arith.andi %eq3A_155, %gt3A_157 : vector<400x2048xi1>
      %or3A = arith.ori %gt3A_153, %and3A : vector<400x2048xi1>
      %jit3A = arith.constant 0x7F800000 : f32
      %broadcast_in_dim3A_158 = vector.broadcast %jit3A : f32 to vector<400x2048xf32>
      %select_n3A = arith.select %or3A, %get3A_149, %broadcast_in_dim3A_158 : vector<400x2048xi1>, vector<400x2048xf32>
      %reduce_min3A = arith.constant dense<0x7F800000> : vector<400xf32>
      %reduce_min3A_159 = vector.multi_reduction <minimumf>, %select_n3A, %reduce_min3A [1] : vector<400x2048xf32> to vector<400xf32>
      %broadcast_in_dim3A_160 = vector.shape_cast %reduce_min3A_159 : vector<400xf32> to vector<400x1xf32>
      %eq3A_161 = vector.broadcast %broadcast_in_dim3A_160 : vector<400x1xf32> to vector<400x2048xf32>
      %eq3A_162 = arith.cmpf oeq, %select_n3A, %eq3A_161 : vector<400x2048xf32>
      %jit3A_163 = arith.constant 1073741824 : i32
      %broadcast_in_dim3A_164 = vector.broadcast %jit3A_163 : i32 to vector<400x2048xi32>
      %select_n3A_165 = arith.select %eq3A_162, %add3A_152, %broadcast_in_dim3A_164 : vector<400x2048xi1>, vector<400x2048xi32>
      %reduce_min3A_166 = arith.constant dense<2147483647> : vector<400xi32>
      %reduce_min3A_167 = vector.multi_reduction <minsi>, %select_n3A_165, %reduce_min3A_166 [1] : vector<400x2048xi32> to vector<400xi32>
      %broadcast_in_dim3A_168 = vector.shape_cast %reduce_min3A_167 : vector<400xi32> to vector<400x1xi32>
      %eq3A_169 = vector.broadcast %broadcast_in_dim3A_168 : vector<400x1xi32> to vector<400x2048xi32>
      %eq3A_170 = arith.cmpi eq, %add3A_152, %eq3A_169 : vector<400x2048xi32>
      %jit3A_171 = arith.constant 0x7F800000 : f32
      %broadcast_in_dim3A_172 = vector.broadcast %jit3A_171 : f32 to vector<400x2048xf32>
      %select_n3A_173 = arith.select %eq3A_170, %broadcast_in_dim3A_172, %select_n3A : vector<400x2048xi1>, vector<400x2048xf32>
      %reduce_min3A_174 = arith.constant dense<0x7F800000> : vector<400xf32>
      %reduce_min3A_175 = vector.multi_reduction <minimumf>, %select_n3A_173, %reduce_min3A_174 [1] : vector<400x2048xf32> to vector<400xf32>
      %broadcast_in_dim3A_176 = vector.shape_cast %reduce_min3A_175 : vector<400xf32> to vector<400x1xf32>
      %eq3A_177 = vector.broadcast %broadcast_in_dim3A_176 : vector<400x1xf32> to vector<400x2048xf32>
      %eq3A_178 = arith.cmpf oeq, %select_n3A_173, %eq3A_177 : vector<400x2048xf32>
      %jit3A_179 = arith.constant 1073741824 : i32
      %broadcast_in_dim3A_180 = vector.broadcast %jit3A_179 : i32 to vector<400x2048xi32>
      %select_n3A_181 = arith.select %eq3A_178, %add3A_152, %broadcast_in_dim3A_180 : vector<400x2048xi1>, vector<400x2048xi32>
      %reduce_min3A_182 = arith.constant dense<2147483647> : vector<400xi32>
      %reduce_min3A_183 = vector.multi_reduction <minsi>, %select_n3A_181, %reduce_min3A_182 [1] : vector<400x2048xi32> to vector<400xi32>
      %broadcast_in_dim3A_184 = vector.shape_cast %reduce_min3A_183 : vector<400xi32> to vector<400x1xi32>
      %eq3A_185 = vector.broadcast %broadcast_in_dim3A_184 : vector<400x1xi32> to vector<400x2048xi32>
      %eq3A_186 = arith.cmpi eq, %add3A_152, %eq3A_185 : vector<400x2048xi32>
      %jit3A_187 = arith.constant 0x7F800000 : f32
      %broadcast_in_dim3A_188 = vector.broadcast %jit3A_187 : f32 to vector<400x2048xf32>
      %select_n3A_189 = arith.select %eq3A_186, %broadcast_in_dim3A_188, %select_n3A_173 : vector<400x2048xi1>, vector<400x2048xf32>
      %reduce_min3A_190 = arith.constant dense<0x7F800000> : vector<400xf32>
      %reduce_min3A_191 = vector.multi_reduction <minimumf>, %select_n3A_189, %reduce_min3A_190 [1] : vector<400x2048xf32> to vector<400xf32>
      %broadcast_in_dim3A_192 = vector.shape_cast %reduce_min3A_191 : vector<400xf32> to vector<400x1xf32>
      %eq3A_193 = vector.broadcast %broadcast_in_dim3A_192 : vector<400x1xf32> to vector<400x2048xf32>
      %eq3A_194 = arith.cmpf oeq, %select_n3A_189, %eq3A_193 : vector<400x2048xf32>
      %jit3A_195 = arith.constant 1073741824 : i32
      %broadcast_in_dim3A_196 = vector.broadcast %jit3A_195 : i32 to vector<400x2048xi32>
      %select_n3A_197 = arith.select %eq3A_194, %add3A_152, %broadcast_in_dim3A_196 : vector<400x2048xi1>, vector<400x2048xi32>
      %reduce_min3A_198 = arith.constant dense<2147483647> : vector<400xi32>
      %reduce_min3A_199 = vector.multi_reduction <minsi>, %select_n3A_197, %reduce_min3A_198 [1] : vector<400x2048xi32> to vector<400xi32>
      %broadcast_in_dim3A_200 = vector.shape_cast %reduce_min3A_199 : vector<400xi32> to vector<400x1xi32>
      %eq3A_201 = vector.broadcast %broadcast_in_dim3A_200 : vector<400x1xi32> to vector<400x2048xi32>
      %eq3A_202 = arith.cmpi eq, %add3A_152, %eq3A_201 : vector<400x2048xi32>
      %jit3A_203 = arith.constant 0x7F800000 : f32
      %broadcast_in_dim3A_204 = vector.broadcast %jit3A_203 : f32 to vector<400x2048xf32>
      %select_n3A_205 = arith.select %eq3A_202, %broadcast_in_dim3A_204, %select_n3A_189 : vector<400x2048xi1>, vector<400x2048xf32>
      %reduce_min3A_206 = arith.constant dense<0x7F800000> : vector<400xf32>
      %reduce_min3A_207 = vector.multi_reduction <minimumf>, %select_n3A_205, %reduce_min3A_206 [1] : vector<400x2048xf32> to vector<400xf32>
      %broadcast_in_dim3A_208 = vector.shape_cast %reduce_min3A_207 : vector<400xf32> to vector<400x1xf32>
      %eq3A_209 = vector.broadcast %broadcast_in_dim3A_208 : vector<400x1xf32> to vector<400x2048xf32>
      %eq3A_210 = arith.cmpf oeq, %select_n3A_205, %eq3A_209 : vector<400x2048xf32>
      %jit3A_211 = arith.constant 1073741824 : i32
      %broadcast_in_dim3A_212 = vector.broadcast %jit3A_211 : i32 to vector<400x2048xi32>
      %select_n3A_213 = arith.select %eq3A_210, %add3A_152, %broadcast_in_dim3A_212 : vector<400x2048xi1>, vector<400x2048xi32>
      %reduce_min3A_214 = arith.constant dense<2147483647> : vector<400xi32>
      %reduce_min3A_215 = vector.multi_reduction <minsi>, %select_n3A_213, %reduce_min3A_214 [1] : vector<400x2048xi32> to vector<400xi32>
      %broadcast_in_dim3A_216 = vector.shape_cast %reduce_min3A_215 : vector<400xi32> to vector<400x1xi32>
      %lt3A = arith.cmpf olt, %while3A_137, %broadcast_in_dim3A_208 : vector<400x1xf32>
      %eq3A_217 = arith.cmpf oeq, %while3A_137, %broadcast_in_dim3A_208 : vector<400x1xf32>
      %lt3A_218 = arith.cmpi slt, %while3A_138, %broadcast_in_dim3A_216 : vector<400x1xi32>
      %and3A_219 = arith.andi %eq3A_217, %lt3A_218 : vector<400x1xi1>
      %or3A_220 = arith.ori %lt3A, %and3A_219 : vector<400x1xi1>
      %select_n3A_221 = arith.select %or3A_220, %while3A_137, %broadcast_in_dim3A_208 : vector<400x1xi1>, vector<400x1xf32>
      %select_n3A_222 = arith.select %or3A_220, %while3A_138, %broadcast_in_dim3A_216 : vector<400x1xi1>, vector<400x1xi32>
      %lt3A_223 = arith.cmpf olt, %while3A_139, %broadcast_in_dim3A_192 : vector<400x1xf32>
      %eq3A_224 = arith.cmpf oeq, %while3A_139, %broadcast_in_dim3A_192 : vector<400x1xf32>
      %lt3A_225 = arith.cmpi slt, %while3A_140, %broadcast_in_dim3A_200 : vector<400x1xi32>
      %and3A_226 = arith.andi %eq3A_224, %lt3A_225 : vector<400x1xi1>
      %or3A_227 = arith.ori %lt3A_223, %and3A_226 : vector<400x1xi1>
      %select_n3A_228 = arith.select %or3A_227, %while3A_139, %broadcast_in_dim3A_192 : vector<400x1xi1>, vector<400x1xf32>
      %select_n3A_229 = arith.select %or3A_227, %while3A_140, %broadcast_in_dim3A_200 : vector<400x1xi1>, vector<400x1xi32>
      %lt3A_230 = arith.cmpf olt, %while3A_141, %broadcast_in_dim3A_176 : vector<400x1xf32>
      %eq3A_231 = arith.cmpf oeq, %while3A_141, %broadcast_in_dim3A_176 : vector<400x1xf32>
      %lt3A_232 = arith.cmpi slt, %while3A_142, %broadcast_in_dim3A_184 : vector<400x1xi32>
      %and3A_233 = arith.andi %eq3A_231, %lt3A_232 : vector<400x1xi1>
      %or3A_234 = arith.ori %lt3A_230, %and3A_233 : vector<400x1xi1>
      %select_n3A_235 = arith.select %or3A_234, %while3A_141, %broadcast_in_dim3A_176 : vector<400x1xi1>, vector<400x1xf32>
      %select_n3A_236 = arith.select %or3A_234, %while3A_142, %broadcast_in_dim3A_184 : vector<400x1xi1>, vector<400x1xi32>
      %lt3A_237 = arith.cmpf olt, %while3A_143, %broadcast_in_dim3A_160 : vector<400x1xf32>
      %eq3A_238 = arith.cmpf oeq, %while3A_143, %broadcast_in_dim3A_160 : vector<400x1xf32>
      %lt3A_239 = arith.cmpi slt, %while3A_144, %broadcast_in_dim3A_168 : vector<400x1xi32>
      %and3A_240 = arith.andi %eq3A_238, %lt3A_239 : vector<400x1xi1>
      %or3A_241 = arith.ori %lt3A_237, %and3A_240 : vector<400x1xi1>
      %select_n3A_242 = arith.select %or3A_241, %while3A_143, %broadcast_in_dim3A_160 : vector<400x1xi1>, vector<400x1xf32>
      %select_n3A_243 = arith.select %or3A_241, %while3A_144, %broadcast_in_dim3A_168 : vector<400x1xi1>, vector<400x1xi32>
      %lt3A_244 = arith.cmpf olt, %select_n3A_221, %select_n3A_235 : vector<400x1xf32>
      %eq3A_245 = arith.cmpf oeq, %select_n3A_221, %select_n3A_235 : vector<400x1xf32>
      %lt3A_246 = arith.cmpi slt, %select_n3A_222, %select_n3A_236 : vector<400x1xi32>
      %and3A_247 = arith.andi %eq3A_245, %lt3A_246 : vector<400x1xi1>
      %or3A_248 = arith.ori %lt3A_244, %and3A_247 : vector<400x1xi1>
      %select_n3A_249 = arith.select %or3A_248, %select_n3A_221, %select_n3A_235 : vector<400x1xi1>, vector<400x1xf32>
      %select_n3A_250 = arith.select %or3A_248, %select_n3A_222, %select_n3A_236 : vector<400x1xi1>, vector<400x1xi32>
      %select_n3A_251 = arith.select %or3A_248, %select_n3A_235, %select_n3A_221 : vector<400x1xi1>, vector<400x1xf32>
      %select_n3A_252 = arith.select %or3A_248, %select_n3A_236, %select_n3A_222 : vector<400x1xi1>, vector<400x1xi32>
      %lt3A_253 = arith.cmpf olt, %select_n3A_228, %select_n3A_242 : vector<400x1xf32>
      %eq3A_254 = arith.cmpf oeq, %select_n3A_228, %select_n3A_242 : vector<400x1xf32>
      %lt3A_255 = arith.cmpi slt, %select_n3A_229, %select_n3A_243 : vector<400x1xi32>
      %and3A_256 = arith.andi %eq3A_254, %lt3A_255 : vector<400x1xi1>
      %or3A_257 = arith.ori %lt3A_253, %and3A_256 : vector<400x1xi1>
      %select_n3A_258 = arith.select %or3A_257, %select_n3A_228, %select_n3A_242 : vector<400x1xi1>, vector<400x1xf32>
      %select_n3A_259 = arith.select %or3A_257, %select_n3A_229, %select_n3A_243 : vector<400x1xi1>, vector<400x1xi32>
      %select_n3A_260 = arith.select %or3A_257, %select_n3A_242, %select_n3A_228 : vector<400x1xi1>, vector<400x1xf32>
      %select_n3A_261 = arith.select %or3A_257, %select_n3A_243, %select_n3A_229 : vector<400x1xi1>, vector<400x1xi32>
      %lt3A_262 = arith.cmpf olt, %select_n3A_249, %select_n3A_258 : vector<400x1xf32>
      %eq3A_263 = arith.cmpf oeq, %select_n3A_249, %select_n3A_258 : vector<400x1xf32>
      %lt3A_264 = arith.cmpi slt, %select_n3A_250, %select_n3A_259 : vector<400x1xi32>
      %and3A_265 = arith.andi %eq3A_263, %lt3A_264 : vector<400x1xi1>
      %or3A_266 = arith.ori %lt3A_262, %and3A_265 : vector<400x1xi1>
      %select_n3A_267 = arith.select %or3A_266, %select_n3A_249, %select_n3A_258 : vector<400x1xi1>, vector<400x1xf32>
      %select_n3A_268 = arith.select %or3A_266, %select_n3A_250, %select_n3A_259 : vector<400x1xi1>, vector<400x1xi32>
      %select_n3A_269 = arith.select %or3A_266, %select_n3A_258, %select_n3A_249 : vector<400x1xi1>, vector<400x1xf32>
      %select_n3A_270 = arith.select %or3A_266, %select_n3A_259, %select_n3A_250 : vector<400x1xi1>, vector<400x1xi32>
      %lt3A_271 = arith.cmpf olt, %select_n3A_251, %select_n3A_260 : vector<400x1xf32>
      %eq3A_272 = arith.cmpf oeq, %select_n3A_251, %select_n3A_260 : vector<400x1xf32>
      %lt3A_273 = arith.cmpi slt, %select_n3A_252, %select_n3A_261 : vector<400x1xi32>
      %and3A_274 = arith.andi %eq3A_272, %lt3A_273 : vector<400x1xi1>
      %or3A_275 = arith.ori %lt3A_271, %and3A_274 : vector<400x1xi1>
      %select_n3A_276 = arith.select %or3A_275, %select_n3A_251, %select_n3A_260 : vector<400x1xi1>, vector<400x1xf32>
      %select_n3A_277 = arith.select %or3A_275, %select_n3A_252, %select_n3A_261 : vector<400x1xi1>, vector<400x1xi32>
      %select_n3A_278 = arith.select %or3A_275, %select_n3A_260, %select_n3A_251 : vector<400x1xi1>, vector<400x1xf32>
      %select_n3A_279 = arith.select %or3A_275, %select_n3A_261, %select_n3A_252 : vector<400x1xi1>, vector<400x1xi32>
      scf.yield %select_n3A_267, %select_n3A_268, %select_n3A_269, %select_n3A_270, %select_n3A_276, %select_n3A_277, %select_n3A_278, %select_n3A_279 : vector<400x1xf32>, vector<400x1xi32>, vector<400x1xf32>, vector<400x1xi32>, vector<400x1xf32>, vector<400x1xi32>, vector<400x1xf32>, vector<400x1xi32>
    }
    %while3A_120 = arith.constant 1 : i32
    %while3A_121:8 = scf.for %while3A_136 = %while3A_117 to %while3A_113 step %while3A_120 iter_args(%while3A_137 = %while3A_119#0, %while3A_138 = %while3A_119#1, %while3A_139 = %while3A_119#2, %while3A_140 = %while3A_119#3, %while3A_141 = %while3A_119#4, %while3A_142 = %while3A_119#5, %while3A_143 = %while3A_119#6, %while3A_144 = %while3A_119#7) -> (vector<400x1xf32>, vector<400x1xi32>, vector<400x1xf32>, vector<400x1xi32>, vector<400x1xf32>, vector<400x1xi32>, vector<400x1xf32>, vector<400x1xi32>)  : i32 {
      %mul3A_145 = arith.constant 2048 : i32
      %mul3A_146 = arith.muli %while3A_136, %mul3A_145 : i32
      %get3A_147 = arith.constant 0 : index
      %get3A_148 = arith.index_cast %mul3A_146 : i32 to index
      %get3A_149 = vector.load %arg7[%get3A_147, %get3A_148] : memref<400x10240xf32, #tpu.memory_space<vmem>>, vector<400x2048xf32>
      %iota3A = tpu.iota {dimensions = array<i32: 1>} : vector<400x2048xi32>
      %mul3A_150 = arith.constant 2048 : i32
      %mul3A_151 = arith.muli %while3A_136, %mul3A_150 : i32
      %add3A = vector.broadcast %mul3A_151 : i32 to vector<400x2048xi32>
      %add3A_152 = arith.addi %iota3A, %add3A : vector<400x2048xi32>
      %gt3A = vector.broadcast %while3A_95#6 : vector<400x1xf32> to vector<400x2048xf32>
      %gt3A_153 = arith.cmpf ogt, %get3A_149, %gt3A : vector<400x2048xf32>
      %eq3A_154 = vector.broadcast %while3A_95#6 : vector<400x1xf32> to vector<400x2048xf32>
      %eq3A_155 = arith.cmpf oeq, %get3A_149, %eq3A_154 : vector<400x2048xf32>
      %gt3A_156 = vector.broadcast %while3A_95#7 : vector<400x1xi32> to vector<400x2048xi32>
      %gt3A_157 = arith.cmpi sgt, %add3A_152, %gt3A_156 : vector<400x2048xi32>
      %and3A = arith.andi %eq3A_155, %gt3A_157 : vector<400x2048xi1>
      %or3A = arith.ori %gt3A_153, %and3A : vector<400x2048xi1>
      %jit3A = arith.constant 0x7F800000 : f32
      %broadcast_in_dim3A_158 = vector.broadcast %jit3A : f32 to vector<400x2048xf32>
      %select_n3A = arith.select %or3A, %get3A_149, %broadcast_in_dim3A_158 : vector<400x2048xi1>, vector<400x2048xf32>
      %reduce_min3A = arith.constant dense<0x7F800000> : vector<400xf32>
      %reduce_min3A_159 = vector.multi_reduction <minimumf>, %select_n3A, %reduce_min3A [1] : vector<400x2048xf32> to vector<400xf32>
      %broadcast_in_dim3A_160 = vector.shape_cast %reduce_min3A_159 : vector<400xf32> to vector<400x1xf32>
      %eq3A_161 = vector.broadcast %broadcast_in_dim3A_160 : vector<400x1xf32> to vector<400x2048xf32>
      %eq3A_162 = arith.cmpf oeq, %select_n3A, %eq3A_161 : vector<400x2048xf32>
      %jit3A_163 = arith.constant 1073741824 : i32
      %broadcast_in_dim3A_164 = vector.broadcast %jit3A_163 : i32 to vector<400x2048xi32>
      %select_n3A_165 = arith.select %eq3A_162, %add3A_152, %broadcast_in_dim3A_164 : vector<400x2048xi1>, vector<400x2048xi32>
      %reduce_min3A_166 = arith.constant dense<2147483647> : vector<400xi32>
      %reduce_min3A_167 = vector.multi_reduction <minsi>, %select_n3A_165, %reduce_min3A_166 [1] : vector<400x2048xi32> to vector<400xi32>
      %broadcast_in_dim3A_168 = vector.shape_cast %reduce_min3A_167 : vector<400xi32> to vector<400x1xi32>
      %eq3A_169 = vector.broadcast %broadcast_in_dim3A_168 : vector<400x1xi32> to vector<400x2048xi32>
      %eq3A_170 = arith.cmpi eq, %add3A_152, %eq3A_169 : vector<400x2048xi32>
      %jit3A_171 = arith.constant 0x7F800000 : f32
      %broadcast_in_dim3A_172 = vector.broadcast %jit3A_171 : f32 to vector<400x2048xf32>
      %select_n3A_173 = arith.select %eq3A_170, %broadcast_in_dim3A_172, %select_n3A : vector<400x2048xi1>, vector<400x2048xf32>
      %reduce_min3A_174 = arith.constant dense<0x7F800000> : vector<400xf32>
      %reduce_min3A_175 = vector.multi_reduction <minimumf>, %select_n3A_173, %reduce_min3A_174 [1] : vector<400x2048xf32> to vector<400xf32>
      %broadcast_in_dim3A_176 = vector.shape_cast %reduce_min3A_175 : vector<400xf32> to vector<400x1xf32>
      %eq3A_177 = vector.broadcast %broadcast_in_dim3A_176 : vector<400x1xf32> to vector<400x2048xf32>
      %eq3A_178 = arith.cmpf oeq, %select_n3A_173, %eq3A_177 : vector<400x2048xf32>
      %jit3A_179 = arith.constant 1073741824 : i32
      %broadcast_in_dim3A_180 = vector.broadcast %jit3A_179 : i32 to vector<400x2048xi32>
      %select_n3A_181 = arith.select %eq3A_178, %add3A_152, %broadcast_in_dim3A_180 : vector<400x2048xi1>, vector<400x2048xi32>
      %reduce_min3A_182 = arith.constant dense<2147483647> : vector<400xi32>
      %reduce_min3A_183 = vector.multi_reduction <minsi>, %select_n3A_181, %reduce_min3A_182 [1] : vector<400x2048xi32> to vector<400xi32>
      %broadcast_in_dim3A_184 = vector.shape_cast %reduce_min3A_183 : vector<400xi32> to vector<400x1xi32>
      %eq3A_185 = vector.broadcast %broadcast_in_dim3A_184 : vector<400x1xi32> to vector<400x2048xi32>
      %eq3A_186 = arith.cmpi eq, %add3A_152, %eq3A_185 : vector<400x2048xi32>
      %jit3A_187 = arith.constant 0x7F800000 : f32
      %broadcast_in_dim3A_188 = vector.broadcast %jit3A_187 : f32 to vector<400x2048xf32>
      %select_n3A_189 = arith.select %eq3A_186, %broadcast_in_dim3A_188, %select_n3A_173 : vector<400x2048xi1>, vector<400x2048xf32>
      %reduce_min3A_190 = arith.constant dense<0x7F800000> : vector<400xf32>
      %reduce_min3A_191 = vector.multi_reduction <minimumf>, %select_n3A_189, %reduce_min3A_190 [1] : vector<400x2048xf32> to vector<400xf32>
      %broadcast_in_dim3A_192 = vector.shape_cast %reduce_min3A_191 : vector<400xf32> to vector<400x1xf32>
      %eq3A_193 = vector.broadcast %broadcast_in_dim3A_192 : vector<400x1xf32> to vector<400x2048xf32>
      %eq3A_194 = arith.cmpf oeq, %select_n3A_189, %eq3A_193 : vector<400x2048xf32>
      %jit3A_195 = arith.constant 1073741824 : i32
      %broadcast_in_dim3A_196 = vector.broadcast %jit3A_195 : i32 to vector<400x2048xi32>
      %select_n3A_197 = arith.select %eq3A_194, %add3A_152, %broadcast_in_dim3A_196 : vector<400x2048xi1>, vector<400x2048xi32>
      %reduce_min3A_198 = arith.constant dense<2147483647> : vector<400xi32>
      %reduce_min3A_199 = vector.multi_reduction <minsi>, %select_n3A_197, %reduce_min3A_198 [1] : vector<400x2048xi32> to vector<400xi32>
      %broadcast_in_dim3A_200 = vector.shape_cast %reduce_min3A_199 : vector<400xi32> to vector<400x1xi32>
      %eq3A_201 = vector.broadcast %broadcast_in_dim3A_200 : vector<400x1xi32> to vector<400x2048xi32>
      %eq3A_202 = arith.cmpi eq, %add3A_152, %eq3A_201 : vector<400x2048xi32>
      %jit3A_203 = arith.constant 0x7F800000 : f32
      %broadcast_in_dim3A_204 = vector.broadcast %jit3A_203 : f32 to vector<400x2048xf32>
      %select_n3A_205 = arith.select %eq3A_202, %broadcast_in_dim3A_204, %select_n3A_189 : vector<400x2048xi1>, vector<400x2048xf32>
      %reduce_min3A_206 = arith.constant dense<0x7F800000> : vector<400xf32>
      %reduce_min3A_207 = vector.multi_reduction <minimumf>, %select_n3A_205, %reduce_min3A_206 [1] : vector<400x2048xf32> to vector<400xf32>
      %broadcast_in_dim3A_208 = vector.shape_cast %reduce_min3A_207 : vector<400xf32> to vector<400x1xf32>
      %eq3A_209 = vector.broadcast %broadcast_in_dim3A_208 : vector<400x1xf32> to vector<400x2048xf32>
      %eq3A_210 = arith.cmpf oeq, %select_n3A_205, %eq3A_209 : vector<400x2048xf32>
      %jit3A_211 = arith.constant 1073741824 : i32
      %broadcast_in_dim3A_212 = vector.broadcast %jit3A_211 : i32 to vector<400x2048xi32>
      %select_n3A_213 = arith.select %eq3A_210, %add3A_152, %broadcast_in_dim3A_212 : vector<400x2048xi1>, vector<400x2048xi32>
      %reduce_min3A_214 = arith.constant dense<2147483647> : vector<400xi32>
      %reduce_min3A_215 = vector.multi_reduction <minsi>, %select_n3A_213, %reduce_min3A_214 [1] : vector<400x2048xi32> to vector<400xi32>
      %broadcast_in_dim3A_216 = vector.shape_cast %reduce_min3A_215 : vector<400xi32> to vector<400x1xi32>
      %lt3A = arith.cmpf olt, %while3A_137, %broadcast_in_dim3A_208 : vector<400x1xf32>
      %eq3A_217 = arith.cmpf oeq, %while3A_137, %broadcast_in_dim3A_208 : vector<400x1xf32>
      %lt3A_218 = arith.cmpi slt, %while3A_138, %broadcast_in_dim3A_216 : vector<400x1xi32>
      %and3A_219 = arith.andi %eq3A_217, %lt3A_218 : vector<400x1xi1>
      %or3A_220 = arith.ori %lt3A, %and3A_219 : vector<400x1xi1>
      %select_n3A_221 = arith.select %or3A_220, %while3A_137, %broadcast_in_dim3A_208 : vector<400x1xi1>, vector<400x1xf32>
      %select_n3A_222 = arith.select %or3A_220, %while3A_138, %broadcast_in_dim3A_216 : vector<400x1xi1>, vector<400x1xi32>
      %lt3A_223 = arith.cmpf olt, %while3A_139, %broadcast_in_dim3A_192 : vector<400x1xf32>
      %eq3A_224 = arith.cmpf oeq, %while3A_139, %broadcast_in_dim3A_192 : vector<400x1xf32>
      %lt3A_225 = arith.cmpi slt, %while3A_140, %broadcast_in_dim3A_200 : vector<400x1xi32>
      %and3A_226 = arith.andi %eq3A_224, %lt3A_225 : vector<400x1xi1>
      %or3A_227 = arith.ori %lt3A_223, %and3A_226 : vector<400x1xi1>
      %select_n3A_228 = arith.select %or3A_227, %while3A_139, %broadcast_in_dim3A_192 : vector<400x1xi1>, vector<400x1xf32>
      %select_n3A_229 = arith.select %or3A_227, %while3A_140, %broadcast_in_dim3A_200 : vector<400x1xi1>, vector<400x1xi32>
      %lt3A_230 = arith.cmpf olt, %while3A_141, %broadcast_in_dim3A_176 : vector<400x1xf32>
      %eq3A_231 = arith.cmpf oeq, %while3A_141, %broadcast_in_dim3A_176 : vector<400x1xf32>
      %lt3A_232 = arith.cmpi slt, %while3A_142, %broadcast_in_dim3A_184 : vector<400x1xi32>
      %and3A_233 = arith.andi %eq3A_231, %lt3A_232 : vector<400x1xi1>
      %or3A_234 = arith.ori %lt3A_230, %and3A_233 : vector<400x1xi1>
      %select_n3A_235 = arith.select %or3A_234, %while3A_141, %broadcast_in_dim3A_176 : vector<400x1xi1>, vector<400x1xf32>
      %select_n3A_236 = arith.select %or3A_234, %while3A_142, %broadcast_in_dim3A_184 : vector<400x1xi1>, vector<400x1xi32>
      %lt3A_237 = arith.cmpf olt, %while3A_143, %broadcast_in_dim3A_160 : vector<400x1xf32>
      %eq3A_238 = arith.cmpf oeq, %while3A_143, %broadcast_in_dim3A_160 : vector<400x1xf32>
      %lt3A_239 = arith.cmpi slt, %while3A_144, %broadcast_in_dim3A_168 : vector<400x1xi32>
      %and3A_240 = arith.andi %eq3A_238, %lt3A_239 : vector<400x1xi1>
      %or3A_241 = arith.ori %lt3A_237, %and3A_240 : vector<400x1xi1>
      %select_n3A_242 = arith.select %or3A_241, %while3A_143, %broadcast_in_dim3A_160 : vector<400x1xi1>, vector<400x1xf32>
      %select_n3A_243 = arith.select %or3A_241, %while3A_144, %broadcast_in_dim3A_168 : vector<400x1xi1>, vector<400x1xi32>
      %lt3A_244 = arith.cmpf olt, %select_n3A_221, %select_n3A_235 : vector<400x1xf32>
      %eq3A_245 = arith.cmpf oeq, %select_n3A_221, %select_n3A_235 : vector<400x1xf32>
      %lt3A_246 = arith.cmpi slt, %select_n3A_222, %select_n3A_236 : vector<400x1xi32>
      %and3A_247 = arith.andi %eq3A_245, %lt3A_246 : vector<400x1xi1>
      %or3A_248 = arith.ori %lt3A_244, %and3A_247 : vector<400x1xi1>
      %select_n3A_249 = arith.select %or3A_248, %select_n3A_221, %select_n3A_235 : vector<400x1xi1>, vector<400x1xf32>
      %select_n3A_250 = arith.select %or3A_248, %select_n3A_222, %select_n3A_236 : vector<400x1xi1>, vector<400x1xi32>
      %select_n3A_251 = arith.select %or3A_248, %select_n3A_235, %select_n3A_221 : vector<400x1xi1>, vector<400x1xf32>
      %select_n3A_252 = arith.select %or3A_248, %select_n3A_236, %select_n3A_222 : vector<400x1xi1>, vector<400x1xi32>
      %lt3A_253 = arith.cmpf olt, %select_n3A_228, %select_n3A_242 : vector<400x1xf32>
      %eq3A_254 = arith.cmpf oeq, %select_n3A_228, %select_n3A_242 : vector<400x1xf32>
      %lt3A_255 = arith.cmpi slt, %select_n3A_229, %select_n3A_243 : vector<400x1xi32>
      %and3A_256 = arith.andi %eq3A_254, %lt3A_255 : vector<400x1xi1>
      %or3A_257 = arith.ori %lt3A_253, %and3A_256 : vector<400x1xi1>
      %select_n3A_258 = arith.select %or3A_257, %select_n3A_228, %select_n3A_242 : vector<400x1xi1>, vector<400x1xf32>
      %select_n3A_259 = arith.select %or3A_257, %select_n3A_229, %select_n3A_243 : vector<400x1xi1>, vector<400x1xi32>
      %select_n3A_260 = arith.select %or3A_257, %select_n3A_242, %select_n3A_228 : vector<400x1xi1>, vector<400x1xf32>
      %select_n3A_261 = arith.select %or3A_257, %select_n3A_243, %select_n3A_229 : vector<400x1xi1>, vector<400x1xi32>
      %lt3A_262 = arith.cmpf olt, %select_n3A_249, %select_n3A_258 : vector<400x1xf32>
      %eq3A_263 = arith.cmpf oeq, %select_n3A_249, %select_n3A_258 : vector<400x1xf32>
      %lt3A_264 = arith.cmpi slt, %select_n3A_250, %select_n3A_259 : vector<400x1xi32>
      %and3A_265 = arith.andi %eq3A_263, %lt3A_264 : vector<400x1xi1>
      %or3A_266 = arith.ori %lt3A_262, %and3A_265 : vector<400x1xi1>
      %select_n3A_267 = arith.select %or3A_266, %select_n3A_249, %select_n3A_258 : vector<400x1xi1>, vector<400x1xf32>
      %select_n3A_268 = arith.select %or3A_266, %select_n3A_250, %select_n3A_259 : vector<400x1xi1>, vector<400x1xi32>
      %select_n3A_269 = arith.select %or3A_266, %select_n3A_258, %select_n3A_249 : vector<400x1xi1>, vector<400x1xf32>
      %select_n3A_270 = arith.select %or3A_266, %select_n3A_259, %select_n3A_250 : vector<400x1xi1>, vector<400x1xi32>
      %lt3A_271 = arith.cmpf olt, %select_n3A_251, %select_n3A_260 : vector<400x1xf32>
      %eq3A_272 = arith.cmpf oeq, %select_n3A_251, %select_n3A_260 : vector<400x1xf32>
      %lt3A_273 = arith.cmpi slt, %select_n3A_252, %select_n3A_261 : vector<400x1xi32>
      %and3A_274 = arith.andi %eq3A_272, %lt3A_273 : vector<400x1xi1>
      %or3A_275 = arith.ori %lt3A_271, %and3A_274 : vector<400x1xi1>
      %select_n3A_276 = arith.select %or3A_275, %select_n3A_251, %select_n3A_260 : vector<400x1xi1>, vector<400x1xf32>
      %select_n3A_277 = arith.select %or3A_275, %select_n3A_252, %select_n3A_261 : vector<400x1xi1>, vector<400x1xi32>
      %select_n3A_278 = arith.select %or3A_275, %select_n3A_260, %select_n3A_251 : vector<400x1xi1>, vector<400x1xf32>
      %select_n3A_279 = arith.select %or3A_275, %select_n3A_261, %select_n3A_252 : vector<400x1xi1>, vector<400x1xi32>
      scf.yield %select_n3A_267, %select_n3A_268, %select_n3A_269, %select_n3A_270, %select_n3A_276, %select_n3A_277, %select_n3A_278, %select_n3A_279 : vector<400x1xf32>, vector<400x1xi32>, vector<400x1xf32>, vector<400x1xi32>, vector<400x1xf32>, vector<400x1xi32>, vector<400x1xf32>, vector<400x1xi32>
    }
    %min3A_122 = arith.constant 10239 : i32
    %min3A_123 = vector.broadcast %min3A_122 : i32 to vector<400x1xi32>
    %min3A_124 = arith.minsi %while3A_121#1, %min3A_123 : vector<400x1xi32>
    %min3A_125 = arith.constant 10239 : i32
    %min3A_126 = vector.broadcast %min3A_125 : i32 to vector<400x1xi32>
    %min3A_127 = arith.minsi %while3A_121#3, %min3A_126 : vector<400x1xi32>
    %min3A_128 = arith.constant 10239 : i32
    %min3A_129 = vector.broadcast %min3A_128 : i32 to vector<400x1xi32>
    %min3A_130 = arith.minsi %while3A_121#5, %min3A_129 : vector<400x1xi32>
    %min3A_131 = arith.constant 10239 : i32
    %min3A_132 = vector.broadcast %min3A_131 : i32 to vector<400x1xi32>
    %min3A_133 = arith.minsi %while3A_121#7, %min3A_132 : vector<400x1xi32>
    %concatenate3A = tpu.concatenate %min3A_46, %min3A_49, %min3A_52, %min3A_55, %min3A_72, %min3A_75, %min3A_78, %min3A_81, %min3A_98, %min3A_101, %min3A_104, %min3A_107, %min3A_124, %min3A_127, %min3A_130, %min3A_133 in 1 : vector<400x1xi32>, vector<400x1xi32>, vector<400x1xi32>, vector<400x1xi32>, vector<400x1xi32>, vector<400x1xi32>, vector<400x1xi32>, vector<400x1xi32>, vector<400x1xi32>, vector<400x1xi32>, vector<400x1xi32>, vector<400x1xi32>, vector<400x1xi32>, vector<400x1xi32>, vector<400x1xi32>, vector<400x1xi32> -> vector<400x16xi32>
    %swap3A = arith.constant 0 : index
    %swap3A_134 = arith.constant 0 : index
    %swap3A_135 = vector.load %arg6[%swap3A, %swap3A_134] : memref<400x16xi32, #tpu.memory_space<vmem>>, vector<400x16xi32>
    tpu.vector_store %arg6[%swap3A, %swap3A_134], %concatenate3A {strides = array<i32>} : memref<400x16xi32, #tpu.memory_space<vmem>>, vector<400x16xi32>,
    return
  }
  func.func @transform_0(%arg0: i32) -> (i32, i32) {
    %c0_i32 = arith.constant 0 : i32
    %c0_i32_0 = arith.constant 0 : i32
    %c0_i32_1 = arith.constant 0 : i32
    return %c0_i32, %c0_i32_0 : i32, i32
  }
  func.func @transform_1(%arg0: i32) -> (i32, i32) {
    %c0_i32 = arith.constant 0 : i32
    %c0_i32_0 = arith.constant 0 : i32
    return %arg0, %c0_i32 : i32, i32
  }
  func.func @transform_2(%arg0: i32) -> (i32, i32) {
    %c0_i32 = arith.constant 0 : i32
    %c0_i32_0 = arith.constant 0 : i32
    %c0_i32_1 = arith.constant 0 : i32
    return %c0_i32, %c0_i32_0 : i32, i32
  }
  func.func @transform_3(%arg0: i32) -> (i32, i32) {
    %c0_i32 = arith.constant 0 : i32
    %c0_i32_0 = arith.constant 0 : i32
    return %arg0, %c0_i32 : i32, i32
  }
  func.func @transform_4(%arg0: i32) -> (i32, i32) {
    %c0_i32 = arith.constant 0 : i32
    %c0_i32_0 = arith.constant 0 : i32
    %c0_i32_1 = arith.constant 0 : i32
    return %c0_i32, %c0_i32_0 : i32, i32
  }
  func.func @transform_5(%arg0: i32) -> (i32, i32) {
    %c0_i32 = arith.constant 0 : i32
    %c0_i32_0 = arith.constant 0 : i32
    return %arg0, %c0_i32 : i32, i32
  }
}

</mosaic_0001>

<sc_bundles>
// kernel: kernel.5.cloned.1.call-start
scs
__scs_entry_jumppad:
0x0: {  	(pc) =	sbr.rel $0x88, $3  }
0x1: {  	(tag) =	ssettag $0x0;
	lr =	simm.s32 $0x1  }
0x2: {  	[smem:$0x3F9B] =	sst lr;
	_ =	strace $0xD0000000  }
0x3: {  	_ = 	snop  }
0x4: {  	_ = 	snop  }
0x5: {  	_ = 	snop  }
0x6: {  	_ = 	snop  }
0x7: {  	_ = 	snop  }
__scs_overlays_trampoline_lowered:
0x8: {  	[smem:$0x3FAA] =	sst s0  }
0x9: {  	[smem:$0x3FAB] =	sst s1  }
0xa: {  	[smem:$0x3FAC] =	sst s2  }
0xb: {  	[smem:$0x3FAD] =	sst s3  }
0xc: {  	[smem:$0x3FAE] =	sst s4  }
0xd: {  	[smem:$0x3FAF] =	sst s5  }
0xe: {  	[smem:$0x3FB0] =	sst s6  }
0xf: {  	[smem:$0x3FB1] =	sst s7  }
0x10: {  	[smem:$0x3FB2] =	sst s8  }
0x11: {  	[smem:$0x3FB3] =	sst s9;
	s0 =	simm.s32 @!p0 $0x0  }
0x12: {  	s1 =	sld [smem:$0x3F99];
	s0 =	simm.s32 @p0 $0x1  }
0x13: {  	[smem:$0x3FB4] =	sst s0;
	s0 =	simm.s32 @!p1 $0x0  }
0x14: {  	s2 =	sld [smem:$0x3F98];
	s0 =	simm.s32 @p1 $0x1  }
0x15: {  	[smem:$0x3FB5] =	sst s0;
	s0 =	simm.s32 @!p2 $0x0  }
0x16: {  	s3 =	sld [smem:$0x3FDB];
	s0 =	simm.s32 @p2 $0x1  }
0x17: {  	s4 =	simm.s32 $0x1BF5;
	[smem:$0x3FB7] =	sst s0  }
0x18: {  	s0 =	sld [smem:$0x3F9A];
	_ =	swait.ge [sflag:s4], $0x0  }
0x19: {  	s7 =	sld [smem:$0x3F9B]  }
0x1a: {  	s8 =	sadd.s32 $0xFFFFE003, lr  }
0x1b: {  	s9 =	sadd.s32 $0xFFFFFEF7, lr;
	s5 =	simm.s32 $0xFFFFFFFF;
	p2 =	slt.u32 s8, $0xFFFFF086  }
0x1c: {  	p1 =	slt.u32 s9, $0xF7A;
	s5 =	simm.s32 @!p2 $0x0  }
0x1d: {  	s5 =	simm.s32 @p1 $0x1;
	p0 =	seq.s32 s7, s2  }
0x1e: {  	s7 =	smul.u32 @!p0 $0xF7A, s2;
	p2 =	seq.s32 @!p0 s5, $0x0  }
0x1f: {  	s9 =	smul.u32 $0xF7A, s1;
	s8 =	simm.s32 @!p0 $0x1BF5;
	p2 =	por !p2, p0  }
0x20: {  	[sflag:s8] =	ssyncset.s32 @!p0 $0xFFFFF086;
	s6 =	sadd.s32 @!p0 s3, s7;
	s7 =	simm.s32 @!p0 $0x108  }
0x21: {  	s3 =	sadd.s32 s3, s9;
	s6 =	sadd.s32 @!p0 $0x88, s6;
	s7 =	simm.s32 @p2 $0x1082  }
0x22: {  	[simem:s7], [sflag:s8] =	dma.local @!p0 [hbm:s6], $0xF7A  }
0x23: {  	s9 =	sor.u32 $0xD0000000, s2;
	s6 =	simm.s32 $0x108;
	_ =	swait.ge @!p0 [sflag:s8], $0x0  }
0x24: {  	s3 =	sadd.s32 $0x88, s3;
	s6 =	simm.s32 @!p1 $0x1082;
	[sflag:s4] =	ssyncset.s32 $0xFFFFF086  }
0x25: {  	[simem:s6], [sflag:s4] =	dma.local [hbm:s3], $0xF7A  }
0x26: {  	[smem:$0x3F9B] =	sst s1;
	(tag) =	ssettag s2;
	_ =	strace s9  }
0x27: {  	s1 =	sld [smem:$0x3FAB]  }
0x28: {  	s2 =	sld [smem:$0x3FAC]  }
0x29: {  	s4 =	sld [smem:$0x3FAE]  }
0x2a: {  	p0 =	seq.s32 s5, $0x0;
	s5 =	sld [smem:$0x3FAF]  }
0x2b: {  	s6 =	sld [smem:$0x3FB0]  }
0x2c: {  	s7 =	sld [smem:$0x3FB1]  }
0x2d: {  	s3 =	simm.s32 $0x108;
	s8 =	sld [smem:$0x3FB2]  }
0x2e: {  	s3 =	simm.s32 @!p0 $0x1082;
	s9 =	sld [smem:$0x3FB3]  }
0x2f: {  	lr =	sadd.s32 s0, s3;
	s0 =	sld [smem:$0x3FAA]  }
0x30: {  	s3 =	sld [smem:$0x3FAD]  }
0x31: {  	[smem:$0x3FB6] =	sst s10  }
0x32: {  	s10 =	sld [smem:$0x3FB4];
	_ =	sdelay $0x3  }
0x33: {  	p0 =	seq.s32 s10, $0x1;
	s10 =	sld [smem:$0x3FB6];
	_ =	sdelay $0x3  }
0x34: {  	[smem:$0x3FB6] =	sst s10  }
0x35: {  	s10 =	sld [smem:$0x3FB5];
	_ =	sdelay $0x3  }
0x36: {  	p1 =	seq.s32 s10, $0x1;
	s10 =	sld [smem:$0x3FB6];
	_ =	sdelay $0x3  }
0x37: {  	[smem:$0x3FB6] =	sst s10  }
0x38: {  	s10 =	sld [smem:$0x3FB7]  }
0x39: {  	_ = 	snop;
	(pc) =	sbr.ind lr, $3  }
0x3a: {  	_ = 	snop  }
0x3b: {  	_ = 	snop  }
0x3c: {  	p2 =	seq.s32 s10, $0x1;
	s10 =	sld [smem:$0x3FB6]  }
0x3d: {  	_ =	shalt  }
0x3e: {  	_ =	shalt  }
0x3f: {  	_ =	shalt  }
0x40: {  	_ =	shalt  }
0x41: {  	_ =	shalt  }
0x42: {  	_ =	shalt  }
0x43: {  	_ =	shalt  }
0x44: {  	_ =	shalt  }
0x45: {  	_ =	shalt  }
0x46: {  	_ =	shalt  }
0x47: {  	_ =	shalt  }
0x48: {  	_ =	shalt  }
0x49: {  	_ =	shalt  }
0x4a: {  	_ =	shalt  }
0x4b: {  	_ =	shalt  }
0x4c: {  	_ =	shalt  }
0x4d: {  	_ =	shalt  }
0x4e: {  	_ =	shalt  }
0x4f: {  	_ =	shalt  }
0x50: {  	_ =	shalt  }
0x51: {  	_ =	shalt  }
0x52: {  	_ =	shalt  }
0x53: {  	_ =	shalt  }
0x54: {  	_ =	shalt  }
0x55: {  	_ =	shalt  }
0x56: {  	_ =	shalt  }
0x57: {  	_ =	shalt  }
0x58: {  	_ =	shalt  }
0x59: {  	_ =	shalt  }
0x5a: {  	_ =	shalt  }
0x5b: {  	_ =	shalt  }
0x5c: {  	_ =	shalt  }
0x5d: {  	_ =	shalt  }
0x5e: {  	_ =	shalt  }
0x5f: {  	_ =	shalt  }
0x60: {  	_ =	shalt  }
0x61: {  	_ =	shalt  }
0x62: {  	_ =	shalt  }
0x63: {  	_ =	shalt  }
0x64: {  	_ =	shalt  }
0x65: {  	_ =	shalt  }
0x66: {  	_ =	shalt  }
0x67: {  	_ =	shalt  }
0x68: {  	_ =	shalt  }
0x69: {  	_ =	shalt  }
0x6a: {  	_ =	shalt  }
0x6b: {  	_ =	shalt  }
0x6c: {  	_ =	shalt  }
0x6d: {  	_ =	shalt  }
0x6e: {  	_ =	shalt  }
0x6f: {  	_ =	shalt  }
0x70: {  	_ =	shalt  }
0x71: {  	_ =	shalt  }
0x72: {  	_ =	shalt  }
0x73: {  	_ =	shalt  }
0x74: {  	_ =	shalt  }
0x75: {  	_ =	shalt  }
0x76: {  	_ =	shalt  }
0x77: {  	_ =	shalt  }
0x78: {  	_ =	shalt  }
0x79: {  	_ =	shalt  }
0x7a: {  	_ =	shalt  }
0x7b: {  	_ =	shalt  }
0x7c: {  	_ =	shalt  }
0x7d: {  	_ =	shalt  }
0x7e: {  	_ =	shalt  }
0x7f: {  	_ =	shalt  }
0x80: {  	_ =	shalt  }
0x81: {  	_ =	shalt  }
0x82: {  	_ =	shalt  }
0x83: {  	_ =	shalt  }
0x84: {  	_ =	shalt  }
0x85: {  	_ =	shalt  }
0x86: {  	_ =	shalt  }
0x87: {  	_ =	shalt  }
.Lfunc_end0:
.L_simem_size_0:
called_computation_lowered:
.L_overlay_start_0:
0x88: {  	s2 =	sld [smem:$0x3FD9]  }
0x89: {  	s3 =	sld [smem:$0x3FFE];
	_ =	sdelay $0x1  }
0x8a: {  	s1 =	srdreg.scid  }
0x8b: {  	s0 =	sand.u32 $0x1, s1  }
0x8c: {  	s17 =	sshll.u32 s0, $0xA;
	s2 =	sadd.s32 s3, s2  }
0x8d: {  	s2 =	sadd.s32 s2, s17  }
0x8e: {  	[smem:$0x3FC2] =	sst s2  }
0x8f: {  	_ = 	snop  }
0x90: {  	s2 =	sld [smem:$0x3FD0];
	(tm) =	ssettm $0x1  }
0x91: {  	s18 =	sld [smem:$0x3FFB];
	_ =	sdelay $0x3  }
0x92: {  	_ =	strace s18  }
0x93: {  	s3 =	sld [smem:$0x3FFC];
	_ =	sdelay $0x3  }
0x94: {  	_ =	strace s3  }
0x95: {  	s3 =	sld [smem:$0x3FFD];
	_ =	sdelay $0x3  }
0x96: {  	_ =	strace s3  }
0x97: {  	_ =	strace $0x8FFFFFFF  }
0x98: {  	s19 =	sld [smem:$0x3FDB];
	_ =	sdelay $0x1  }
0x99: {  	s4 =	simm.s32 $_scs_section_size  }
0x9a: {  	s5 =	simm.s32 $_size__tile_overlayer_lowered;
	s6 =	simm.s32 $_tile_overlayer_lowered  }
0x9b: {  	s22 =	simm.s32 $0x1BFF;
	s21 =	sshll.u32 s6, $0x1;
	s3 =	sadd.s32 s4, s19  }
0x9c: {  	s7 =	simm.s32 $0x0;
	s20 =	sshll.u32 s5, $0x1;
	s5 =	sadd.s32 s21, s3  }
0x9d: {  	[timem:s7], [sflag:s22] =	dma.local [hbm:s5], s20  }
0x9e: {  	_ =	swait.ge [sflag:s22], s20  }
0x9f: {  	s4 =	ssub.s32 $0x0, s20;
	[sflag:s22] =	ssyncset.done $0x0  }
0xa0: {  	[sflag:s22] =	ssyncadd.s32 s4;
	_ =	sdelay $0x1  }
0xa1: {  	s23 =	simm.s32 $0x1B8B  }
0xa2: {  	_ =	swait.ge [sflag:s23], $0x1  }
0xa3: {  	[sflag:s23] =	ssyncset.done $0x0  }
0xa4: {  	s25 =	simm.s32 $0x1B8E;
	s24 =	sld [smem:$0x3FFE];
	[sflag:s23] =	ssyncadd.s32 $0xFFFFFFFF  }
0xa5: {  	s26 =	simm.s32 $execute0_lowered;
	[smem:$0x3FD2] =	sst s25  }
0xa6: {  	s5 =	sshll.u32 s26, $0x1;
	_ =	strace $0x80000046;
	[dreg:$0x1] =	wrdreg $0xFFFFFFFF  }
0xa7: {  	s28 =	simm.s32 $_size_execute0_lowered;
	s3 =	sadd.s32 s3, s5;
	[dreg:$0x0] =	wrdreg $0x0  }
0xa8: {  	s5 =	sshll.u32 s28, $0x1;
	[dreg:$0x2] =	wrdreg s3  }
0xa9: {  	[dreg:$0x3] =	wrdreg s5  }
0xaa: {  	[dreg:$0x4] =	wrdreg $0xC0  }
0xab: {  	_ =	task [dreg:s7], $0x5FFFF  }
0xac: {  	[dreg:$0x1] =	wrdreg $0xFFFFFFFF  }
0xad: {  	[dreg:$0x0] =	wrdreg $0x60  }
0xae: {  	[dreg:$0x2] =	wrdreg s2  }
0xaf: {  	[dreg:$0x3] =	wrdreg s24  }
0xb0: {  	[dreg:$0x4] =	wrdreg $0x9  }
0xb1: {  	_ =	task.clear_ibuf [dreg:s7], $0x5FFFF;
	_ =	strace $0x90000046  }
0xb2: {  	s29 =	simm.s32 $0x9;
	_ =	strace $0x80000048  }
0xb3: {  	_ =	swait.ge [sflag:s29], $0x1  }
0xb4: {  	[sflag:s29] =	ssyncadd.s32 $0xFFFFFFFF  }
0xb5: {  	_ =	strace $0x90000048  }
0xb6: {  	_ =	sfence  }
0xb7: {  	s30 =	sld [smem:$0x0];
	_ =	sdelay $0x2  }
0xb8: {  	s31 =	sshll.u32 s1, $0xD;
	s1 =	sshrl.u32 s1, $0x2  }
0xb9: {  	s3 =	sand.u32 $0x4000, s31;
	s1 =	sadd.s32 s1, s30  }
0xba: {  	s0 =	sor.u32 s3, s0;
	s1 =	sshll.u32 s1, $0x11  }
0xbb: {  	s0 =	sor.u32 s1, s0  }
0xbc: {  	s0 =	sadd.s32 $0x8F2B, s0  }
0xbd: {  	[sflag:s0] =	ssyncadd.remote.s32 $0x1  }
0xbe: {  	_ =	sfence.sel $0xFFFF  }
0xbf: {  	[dreg:$0x0] =	wrdreg $0xFFFFFFFF;
	(pc) =	sbr.abs _section_cstart, $3  }
0xc0: {  	[dreg:$0x1] =	wrdreg $0xFFFFFFFF  }
0xc1: {  	_ =	task.clear_ibuf [dreg:s7], $0x2FFFF;
	_ =	strace $0x9FFFFFFF  }
0xc2: {  	(tm) =	ssettm $0x7FFFFFFF  }
0xc3: {  	_ =	shalt  }
tec
execute0_lowered:
.L_overlay_start_1:
0x0: {  	(tag) =	ssettag $0x1  }
0x1: {  	s1 =	rddreg [dreg:$0x0]  }
0x2: {  	s0 =	rddreg [dreg:$0x1];
	s3 =	simm.s32 $0x0;
	s4 =	srdreg.scid  }
0x3: {  	s2 =	stileid.u32;
	s16 =	simm.s32 $0x1;
	s17 =	simm.s32 $0xA480  }
0x4: {  	s18 =	simm.s32 $0xCC00;
	s19 =	simm.s32 $0xF380;
	s20 =	simm.s32 $0x11B00  }
0x5: {  	s21 =	simm.s32 $0x14300;
	s22 =	simm.s32 $0x16B00;
	s23 =	simm.s32 $0x19300  }
0x6: {  	[smem:$0x7FF] =	sst s3;
	s7 =	sadd.s32 $0x1800, s0;
	s6 =	smul.u32 $0x13C00, s2  }
0x7: {  	s4 =	sand.u32 $0x1, s4;
	s0 =	sadd.s32 $0x29000, s0;
	s31 =	smul.u32 $0x14000, s2  }
0x8: {  	_ =	strace $0x80000047;
	s5 =	ssub.s32 $0x2, s4;
	s8 =	sshll.u32 s4, $0x9  }
0x9: {  	s28 =	sshrl.u32 s5, $0x1;
	s9 =	sor.u32 s8, s6;
	s10 =	sor.u32 $0x80, s8  }
0xa: {  	s11 =	sor.u32 $0x100, s8;
	s13 =	sor.u32 $0x180, s8;
	s8 =	sor.u32 s8, s31  }
0xb: {  	s12 =	ssub.s32 s5, s28;
	s29 =	sshrl.u32 s9, $0x3;
	s30 =	sor.u32 s6, s10  }
0xc: {  	s14 =	sor.u32 s6, s11;
	s6 =	sor.u32 s6, s13;
	s8 =	sshrl.u32 s8, $0x3  }
0xd: {  	s10 =	sor.u32 s31, s10;
	s11 =	sor.u32 s31, s11;
	s9 =	sor.u32 s31, s13  }
0xe: {  	s4 =	sadd.s32 s7, s29;
	s5 =	sshrl.u32 s30, $0x3;
	s14 =	sshrl.u32 s14, $0x3  }
0xf: {  	s15 =	sshrl.u32 s6, $0x3;
	s8 =	sadd.s32 s0, s8;
	s10 =	sshrl.u32 s10, $0x3  }
0x10: {  	s11 =	sshrl.u32 s11, $0x3;
	s13 =	sshrl.u32 s9, $0x3;
	s12 =	smax.u32 s12, $0x1  }
0x11: {  	s5 =	sadd.s32 s7, s5;
	s6 =	sadd.s32 s7, s14;
	s7 =	sadd.s32 s7, s15  }
0x12: {  	s9 =	sadd.s32 s0, s10;
	s10 =	sadd.s32 s0, s11;
	s11 =	sadd.s32 s0, s13  }
0x13: {  	v0 =	vimm.f32 $-Inf;
	s13 =	simm.s32 $0x80;
	s14 =	simm.s32 $0x400;
	s15 =	simm.s32 $0x7D00  }
.LBB2_1:
0x14: {  	[tilespmem:s15], [sflag:$0x1] =	stream.strided.gather [hbm4b:s4+s13], $0x2780, s14, s13, $0x38;
	[tilespmem:$0x1BB00] =	vst v63  }
0x15: {  	_ =	swait.ge [sflag:s16], $0x2780  }
0x16: {  	[sflag:s16] =	ssyncset.done $0x0  }
0x17: {  	[sflag:s16] =	ssyncadd.s32 $0xFFFFD880  }
0x18: {  	[tilespmem:s17], [sflag:$0x1] =	stream.strided.gather [hbm4b:s5+s13], $0x2780, s14, s13, $0x38;
	[tilespmem:$0x1BB00] =	vst v63  }
0x19: {  	_ =	swait.ge [sflag:s16], $0x2780  }
0x1a: {  	[sflag:s16] =	ssyncset.done $0x0  }
0x1b: {  	[sflag:s16] =	ssyncadd.s32 $0xFFFFD880  }
0x1c: {  	[tilespmem:s18], [sflag:$0x1] =	stream.strided.gather [hbm4b:s6+s13], $0x2780, s14, s13, $0x38;
	[tilespmem:$0x1BB00] =	vst v63  }
0x1d: {  	_ =	swait.ge [sflag:s16], $0x2780  }
0x1e: {  	[sflag:s16] =	ssyncset.done $0x0  }
0x1f: {  	[sflag:s16] =	ssyncadd.s32 $0xFFFFD880  }
0x20: {  	[tilespmem:s19], [sflag:$0x1] =	stream.strided.gather [hbm4b:s7+s13], $0x2780, s14, s13, $0x38;
	[tilespmem:$0x1BB00] =	vst v63  }
0x21: {  	_ =	swait.ge [sflag:s16], $0x2780  }
0x22: {  	[sflag:s16] =	ssyncset.done $0x0  }
0x23: {  	s0 =	simm.s32 $0x0;
	[sflag:s16] =	ssyncadd.s32 $0xFFFFD880  }
.LBB2_2:
0x24: {  	p0 =	sne.s32 s0, $0x9FC0  }
.Ltmp0:
0x25: {  	s24 =	sshra.s32 s0, $0x2;
	(pc) =	sbr.rel @p0 .LBB2_2-.Ltmp0, $4  }
0x26: {  	[tilespmem:s24+$0x11B00] =	vst v0  }
0x27: {  	[tilespmem:s24+$0x14300] =	vst v0  }
0x28: {  	[tilespmem:s24+$0x16B00] =	vst v0  }
0x29: {  	s0 =	sadd.s32 $0x40, s0;
	[tilespmem:s24+$0x19300] =	vst v0  }
0x2a: {  	s24 =	simm.s32 $0x0;
	s25 =	simm.s32 $0xF380;
	s26 =	simm.s32 $0xCC00  }
0x2b: {  	s28 =	simm.s32 $0xA480;
	s29 =	simm.s32 $0x7D00;
	s30 =	simm.s32 $0x0  }
.LBB2_4:
0x2c: {  	s0 =	smul.u32 $0xFA0, s30;
	_ =	sdelay $0x1  }
0x2d: {  	s0 =	sadd.s32 s1, s0  }
0x2e: {  	[tilespmem:s24], [sflag:$0x1] =	stream.linear.gather [hbm4b:s0+s24], $0x7D00, $0x38;
	[tilespmem:$0x1BB00] =	vst v63  }
0x2f: {  	_ =	swait.ge [sflag:s16], $0x7D00  }
0x30: {  	v1 =	vmov s29;
	[sflag:s16] =	ssyncset.done $0x0  }
0x31: {  	s31 =	simm.s32 $0x80;
	v2 =	vmov s28;
	v3 =	vmov s26;
	v4 =	vmov s25;
	s0 =	simm.s32 $0x0;
	[sflag:s16] =	ssyncadd.s32 $0xFFFF8300  }
.LBB2_5:
0x32: {  	v9 =	vld [tilespmem:s31+$0xFFFFFF80];
	_ =	sdelay $0x4  }
0x33: {  	s2 =	sshra.s32 s0, $0x2  }
0x34: {  	v8 =	vld.idx.msk [tilespmem:v1+s2+$0x0 ss:$0x1], $0xffff;
	_ =	sdelay $0x1  }
0x35: {  	v10 =	vld.idx.msk [tilespmem:v9+s20+$0x0], $0xffff;
	_ =	sdelay $0x2  }
0x36: {  	v11 =	vbroadcast v8, $0x0  }
0x37: {  	v7 =	vld.idx.msk [tilespmem:v2+s2+$0x0 ss:$0x1], $0xffff  }
0x38: {  	v6 =	vld.idx.msk [tilespmem:v3+s2+$0x0 ss:$0x1], $0xffff;
	v10 =	vmax.f32 v10, v11  }
0x39: {  	v5 =	vld.idx.msk [tilespmem:v4+s2+$0x0 ss:$0x1], $0xffff;
	[tilespmem:v9+s20+$0x0] =	vst.idx.msk $0xffff, v10  }
0x3a: {  	v10 =	vld.idx.msk [tilespmem:v9+s21+$0x0], $0xffff;
	_ =	sdelay $0x2  }
0x3b: {  	v57 =	vbroadcast v7, $0x0;
	_ =	sdelay $0x1  }
0x3c: {  	v10 =	vmax.f32 v10, v57  }
0x3d: {  	[tilespmem:v9+s21+$0x0] =	vst.idx.msk $0xffff, v10  }
0x3e: {  	v10 =	vld.idx.msk [tilespmem:v9+s22+$0x0], $0xffff;
	_ =	sdelay $0x2  }
0x3f: {  	v58 =	vbroadcast v6, $0x0;
	_ =	sdelay $0x1  }
0x40: {  	v10 =	vmax.f32 v10, v58  }
0x41: {  	[tilespmem:v9+s22+$0x0] =	vst.idx.msk $0xffff, v10  }
0x42: {  	v10 =	vld.idx.msk [tilespmem:v9+s23+$0x0], $0xffff;
	_ =	sdelay $0x2  }
0x43: {  	v59 =	vbroadcast v5, $0x0;
	_ =	sdelay $0x1  }
0x44: {  	v10 =	vmax.f32 v10, v59  }
0x45: {  	[tilespmem:v9+s23+$0x0] =	vst.idx.msk $0xffff, v10  }
0x46: {  	v9 =	vld [tilespmem:s31+$0xFFFFFF90];
	_ =	sdelay $0x7  }
0x47: {  	v10 =	vld.idx.msk [tilespmem:v9+s20+$0x0], $0xffff;
	_ =	sdelay $0x2  }
0x48: {  	v60 =	vbroadcast v8, $0x1;
	_ =	sdelay $0x1  }
0x49: {  	v10 =	vmax.f32 v10, v60  }
0x4a: {  	[tilespmem:v9+s20+$0x0] =	vst.idx.msk $0xffff, v10  }
0x4b: {  	v10 =	vld.idx.msk [tilespmem:v9+s21+$0x0], $0xffff;
	_ =	sdelay $0x2  }
0x4c: {  	v61 =	vbroadcast v7, $0x1;
	_ =	sdelay $0x1  }
0x4d: {  	v10 =	vmax.f32 v10, v61  }
0x4e: {  	[tilespmem:v9+s21+$0x0] =	vst.idx.msk $0xffff, v10  }
0x4f: {  	v10 =	vld.idx.msk [tilespmem:v9+s22+$0x0], $0xffff;
	_ =	sdelay $0x2  }
0x50: {  	v62 =	vbroadcast v6, $0x1;
	_ =	sdelay $0x1  }
0x51: {  	v10 =	vmax.f32 v10, v62  }
0x52: {  	[tilespmem:v9+s22+$0x0] =	vst.idx.msk $0xffff, v10  }
0x53: {  	v10 =	vld.idx.msk [tilespmem:v9+s23+$0x0], $0xffff;
	_ =	sdelay $0x2  }
0x54: {  	v63 =	vbroadcast v5, $0x1;
	_ =	sdelay $0x1  }
0x55: {  	v10 =	vmax.f32 v10, v63  }
0x56: {  	[tilespmem:v9+s23+$0x0] =	vst.idx.msk $0xffff, v10  }
0x57: {  	v9 =	vld [tilespmem:s31+$0xFFFFFFA0];
	_ =	sdelay $0x7  }
0x58: {  	v10 =	vld.idx.msk [tilespmem:v9+s20+$0x0], $0xffff;
	_ =	sdelay $0x2  }
0x59: {  	v12 =	vbroadcast v8, $0x2;
	_ =	sdelay $0x1  }
0x5a: {  	v10 =	vmax.f32 v10, v12  }
0x5b: {  	[tilespmem:v9+s20+$0x0] =	vst.idx.msk $0xffff, v10  }
0x5c: {  	v10 =	vld.idx.msk [tilespmem:v9+s21+$0x0], $0xffff;
	_ =	sdelay $0x2  }
0x5d: {  	v13 =	vbroadcast v7, $0x2;
	_ =	sdelay $0x1  }
0x5e: {  	v10 =	vmax.f32 v10, v13  }
0x5f: {  	[tilespmem:v9+s21+$0x0] =	vst.idx.msk $0xffff, v10  }
0x60: {  	v10 =	vld.idx.msk [tilespmem:v9+s22+$0x0], $0xffff;
	_ =	sdelay $0x2  }
0x61: {  	v14 =	vbroadcast v6, $0x2;
	_ =	sdelay $0x1  }
0x62: {  	v10 =	vmax.f32 v10, v14  }
0x63: {  	[tilespmem:v9+s22+$0x0] =	vst.idx.msk $0xffff, v10  }
0x64: {  	v10 =	vld.idx.msk [tilespmem:v9+s23+$0x0], $0xffff;
	_ =	sdelay $0x2  }
0x65: {  	v15 =	vbroadcast v5, $0x2;
	_ =	sdelay $0x1  }
0x66: {  	v10 =	vmax.f32 v10, v15  }
0x67: {  	[tilespmem:v9+s23+$0x0] =	vst.idx.msk $0xffff, v10  }
0x68: {  	v9 =	vld [tilespmem:s31+$0xFFFFFFB0];
	_ =	sdelay $0x7  }
0x69: {  	v10 =	vld.idx.msk [tilespmem:v9+s20+$0x0], $0xffff;
	_ =	sdelay $0x2  }
0x6a: {  	v16 =	vbroadcast v8, $0x3;
	_ =	sdelay $0x1  }
0x6b: {  	v10 =	vmax.f32 v10, v16  }
0x6c: {  	[tilespmem:v9+s20+$0x0] =	vst.idx.msk $0xffff, v10  }
0x6d: {  	v10 =	vld.idx.msk [tilespmem:v9+s21+$0x0], $0xffff;
	_ =	sdelay $0x2  }
0x6e: {  	v17 =	vbroadcast v7, $0x3;
	_ =	sdelay $0x1  }
0x6f: {  	v10 =	vmax.f32 v10, v17  }
0x70: {  	[tilespmem:v9+s21+$0x0] =	vst.idx.msk $0xffff, v10  }
0x71: {  	v10 =	vld.idx.msk [tilespmem:v9+s22+$0x0], $0xffff;
	_ =	sdelay $0x2  }
0x72: {  	v18 =	vbroadcast v6, $0x3;
	_ =	sdelay $0x1  }
0x73: {  	v10 =	vmax.f32 v10, v18  }
0x74: {  	[tilespmem:v9+s22+$0x0] =	vst.idx.msk $0xffff, v10  }
0x75: {  	v10 =	vld.idx.msk [tilespmem:v9+s23+$0x0], $0xffff;
	_ =	sdelay $0x2  }
0x76: {  	v19 =	vbroadcast v5, $0x3;
	_ =	sdelay $0x1  }
0x77: {  	v10 =	vmax.f32 v10, v19  }
0x78: {  	[tilespmem:v9+s23+$0x0] =	vst.idx.msk $0xffff, v10  }
0x79: {  	v9 =	vld [tilespmem:s31+$0xFFFFFFC0];
	_ =	sdelay $0x7  }
0x7a: {  	v10 =	vld.idx.msk [tilespmem:v9+s20+$0x0], $0xffff;
	_ =	sdelay $0x2  }
0x7b: {  	v20 =	vbroadcast v8, $0x4;
	_ =	sdelay $0x1  }
0x7c: {  	v10 =	vmax.f32 v10, v20  }
0x7d: {  	[tilespmem:v9+s20+$0x0] =	vst.idx.msk $0xffff, v10  }
0x7e: {  	v10 =	vld.idx.msk [tilespmem:v9+s21+$0x0], $0xffff;
	_ =	sdelay $0x2  }
0x7f: {  	v21 =	vbroadcast v7, $0x4;
	_ =	sdelay $0x1  }
0x80: {  	v10 =	vmax.f32 v10, v21  }
0x81: {  	[tilespmem:v9+s21+$0x0] =	vst.idx.msk $0xffff, v10  }
0x82: {  	v10 =	vld.idx.msk [tilespmem:v9+s22+$0x0], $0xffff;
	_ =	sdelay $0x2  }
0x83: {  	v22 =	vbroadcast v6, $0x4;
	_ =	sdelay $0x1  }
0x84: {  	v10 =	vmax.f32 v10, v22  }
0x85: {  	[tilespmem:v9+s22+$0x0] =	vst.idx.msk $0xffff, v10  }
0x86: {  	v10 =	vld.idx.msk [tilespmem:v9+s23+$0x0], $0xffff;
	_ =	sdelay $0x2  }
0x87: {  	v23 =	vbroadcast v5, $0x4;
	_ =	sdelay $0x1  }
0x88: {  	v10 =	vmax.f32 v10, v23  }
0x89: {  	[tilespmem:v9+s23+$0x0] =	vst.idx.msk $0xffff, v10  }
0x8a: {  	v9 =	vld [tilespmem:s31+$0xFFFFFFD0];
	_ =	sdelay $0x7  }
0x8b: {  	v10 =	vld.idx.msk [tilespmem:v9+s20+$0x0], $0xffff;
	_ =	sdelay $0x2  }
0x8c: {  	v24 =	vbroadcast v8, $0x5;
	_ =	sdelay $0x1  }
0x8d: {  	v10 =	vmax.f32 v10, v24  }
0x8e: {  	[tilespmem:v9+s20+$0x0] =	vst.idx.msk $0xffff, v10  }
0x8f: {  	v10 =	vld.idx.msk [tilespmem:v9+s21+$0x0], $0xffff;
	_ =	sdelay $0x2  }
0x90: {  	v25 =	vbroadcast v7, $0x5;
	_ =	sdelay $0x1  }
0x91: {  	v10 =	vmax.f32 v10, v25  }
0x92: {  	[tilespmem:v9+s21+$0x0] =	vst.idx.msk $0xffff, v10  }
0x93: {  	v10 =	vld.idx.msk [tilespmem:v9+s22+$0x0], $0xffff;
	_ =	sdelay $0x2  }
0x94: {  	v26 =	vbroadcast v6, $0x5;
	_ =	sdelay $0x1  }
0x95: {  	v10 =	vmax.f32 v10, v26  }
0x96: {  	[tilespmem:v9+s22+$0x0] =	vst.idx.msk $0xffff, v10  }
0x97: {  	v10 =	vld.idx.msk [tilespmem:v9+s23+$0x0], $0xffff;
	_ =	sdelay $0x2  }
0x98: {  	v27 =	vbroadcast v5, $0x5;
	_ =	sdelay $0x1  }
0x99: {  	v10 =	vmax.f32 v10, v27  }
0x9a: {  	[tilespmem:v9+s23+$0x0] =	vst.idx.msk $0xffff, v10  }
0x9b: {  	v9 =	vld [tilespmem:s31+$0xFFFFFFE0];
	_ =	sdelay $0x7  }
0x9c: {  	v10 =	vld.idx.msk [tilespmem:v9+s20+$0x0], $0xffff;
	_ =	sdelay $0x2  }
0x9d: {  	v28 =	vbroadcast v8, $0x6;
	_ =	sdelay $0x1  }
0x9e: {  	v10 =	vmax.f32 v10, v28  }
0x9f: {  	[tilespmem:v9+s20+$0x0] =	vst.idx.msk $0xffff, v10  }
0xa0: {  	v10 =	vld.idx.msk [tilespmem:v9+s21+$0x0], $0xffff;
	_ =	sdelay $0x2  }
0xa1: {  	v29 =	vbroadcast v7, $0x6;
	_ =	sdelay $0x1  }
0xa2: {  	v10 =	vmax.f32 v10, v29  }
0xa3: {  	[tilespmem:v9+s21+$0x0] =	vst.idx.msk $0xffff, v10  }
0xa4: {  	v10 =	vld.idx.msk [tilespmem:v9+s22+$0x0], $0xffff;
	_ =	sdelay $0x2  }
0xa5: {  	v30 =	vbroadcast v6, $0x6;
	_ =	sdelay $0x1  }
0xa6: {  	v10 =	vmax.f32 v10, v30  }
0xa7: {  	[tilespmem:v9+s22+$0x0] =	vst.idx.msk $0xffff, v10  }
0xa8: {  	v10 =	vld.idx.msk [tilespmem:v9+s23+$0x0], $0xffff;
	_ =	sdelay $0x2  }
0xa9: {  	v31 =	vbroadcast v5, $0x6;
	_ =	sdelay $0x1  }
0xaa: {  	v10 =	vmax.f32 v10, v31  }
0xab: {  	[tilespmem:v9+s23+$0x0] =	vst.idx.msk $0xffff, v10  }
0xac: {  	v9 =	vld [tilespmem:s31+$0xFFFFFFF0];
	_ =	sdelay $0x7  }
0xad: {  	v10 =	vld.idx.msk [tilespmem:v9+s20+$0x0], $0xffff;
	_ =	sdelay $0x2  }
0xae: {  	v32 =	vbroadcast v8, $0x7;
	_ =	sdelay $0x1  }
0xaf: {  	v10 =	vmax.f32 v10, v32  }
0xb0: {  	[tilespmem:v9+s20+$0x0] =	vst.idx.msk $0xffff, v10  }
0xb1: {  	v10 =	vld.idx.msk [tilespmem:v9+s21+$0x0], $0xffff;
	_ =	sdelay $0x2  }
0xb2: {  	v33 =	vbroadcast v7, $0x7;
	_ =	sdelay $0x1  }
0xb3: {  	v10 =	vmax.f32 v10, v33  }
0xb4: {  	[tilespmem:v9+s21+$0x0] =	vst.idx.msk $0xffff, v10  }
0xb5: {  	v10 =	vld.idx.msk [tilespmem:v9+s22+$0x0], $0xffff;
	_ =	sdelay $0x2  }
0xb6: {  	v34 =	vbroadcast v6, $0x7;
	_ =	sdelay $0x1  }
0xb7: {  	v10 =	vmax.f32 v10, v34  }
0xb8: {  	[tilespmem:v9+s22+$0x0] =	vst.idx.msk $0xffff, v10  }
0xb9: {  	v10 =	vld.idx.msk [tilespmem:v9+s23+$0x0], $0xffff;
	_ =	sdelay $0x2  }
0xba: {  	v35 =	vbroadcast v5, $0x7;
	_ =	sdelay $0x1  }
0xbb: {  	v10 =	vmax.f32 v10, v35  }
0xbc: {  	[tilespmem:v9+s23+$0x0] =	vst.idx.msk $0xffff, v10  }
0xbd: {  	v9 =	vld [tilespmem:s31+$0x0];
	_ =	sdelay $0x7  }
0xbe: {  	v10 =	vld.idx.msk [tilespmem:v9+s20+$0x0], $0xffff;
	_ =	sdelay $0x2  }
0xbf: {  	v36 =	vbroadcast v8, $0x8;
	_ =	sdelay $0x1  }
0xc0: {  	v10 =	vmax.f32 v10, v36  }
0xc1: {  	[tilespmem:v9+s20+$0x0] =	vst.idx.msk $0xffff, v10  }
0xc2: {  	v10 =	vld.idx.msk [tilespmem:v9+s21+$0x0], $0xffff;
	_ =	sdelay $0x2  }
0xc3: {  	v37 =	vbroadcast v7, $0x8;
	_ =	sdelay $0x1  }
0xc4: {  	v10 =	vmax.f32 v10, v37  }
0xc5: {  	[tilespmem:v9+s21+$0x0] =	vst.idx.msk $0xffff, v10  }
0xc6: {  	v10 =	vld.idx.msk [tilespmem:v9+s22+$0x0], $0xffff;
	_ =	sdelay $0x2  }
0xc7: {  	v38 =	vbroadcast v6, $0x8;
	_ =	sdelay $0x1  }
0xc8: {  	v10 =	vmax.f32 v10, v38  }
0xc9: {  	[tilespmem:v9+s22+$0x0] =	vst.idx.msk $0xffff, v10  }
0xca: {  	v10 =	vld.idx.msk [tilespmem:v9+s23+$0x0], $0xffff;
	_ =	sdelay $0x2  }
0xcb: {  	v39 =	vbroadcast v5, $0x8;
	_ =	sdelay $0x1  }
0xcc: {  	v10 =	vmax.f32 v10, v39  }
0xcd: {  	[tilespmem:v9+s23+$0x0] =	vst.idx.msk $0xffff, v10  }
0xce: {  	v9 =	vld [tilespmem:s31+$0x10];
	_ =	sdelay $0x7  }
0xcf: {  	v10 =	vld.idx.msk [tilespmem:v9+s20+$0x0], $0xffff;
	_ =	sdelay $0x2  }
0xd0: {  	v40 =	vbroadcast v8, $0x9;
	_ =	sdelay $0x1  }
0xd1: {  	v10 =	vmax.f32 v10, v40  }
0xd2: {  	[tilespmem:v9+s20+$0x0] =	vst.idx.msk $0xffff, v10  }
0xd3: {  	v10 =	vld.idx.msk [tilespmem:v9+s21+$0x0], $0xffff;
	_ =	sdelay $0x2  }
0xd4: {  	v41 =	vbroadcast v7, $0x9;
	_ =	sdelay $0x1  }
0xd5: {  	v10 =	vmax.f32 v10, v41  }
0xd6: {  	[tilespmem:v9+s21+$0x0] =	vst.idx.msk $0xffff, v10  }
0xd7: {  	v10 =	vld.idx.msk [tilespmem:v9+s22+$0x0], $0xffff;
	_ =	sdelay $0x2  }
0xd8: {  	v42 =	vbroadcast v6, $0x9;
	_ =	sdelay $0x1  }
0xd9: {  	v10 =	vmax.f32 v10, v42  }
0xda: {  	[tilespmem:v9+s22+$0x0] =	vst.idx.msk $0xffff, v10  }
0xdb: {  	v10 =	vld.idx.msk [tilespmem:v9+s23+$0x0], $0xffff;
	_ =	sdelay $0x2  }
0xdc: {  	v43 =	vbroadcast v5, $0x9;
	_ =	sdelay $0x1  }
0xdd: {  	v10 =	vmax.f32 v10, v43  }
0xde: {  	[tilespmem:v9+s23+$0x0] =	vst.idx.msk $0xffff, v10  }
0xdf: {  	v9 =	vld [tilespmem:s31+$0x20];
	_ =	sdelay $0x7  }
0xe0: {  	v10 =	vld.idx.msk [tilespmem:v9+s20+$0x0], $0xffff;
	_ =	sdelay $0x2  }
0xe1: {  	v44 =	vbroadcast v8, $0xA;
	_ =	sdelay $0x1  }
0xe2: {  	v10 =	vmax.f32 v10, v44  }
0xe3: {  	[tilespmem:v9+s20+$0x0] =	vst.idx.msk $0xffff, v10  }
0xe4: {  	v10 =	vld.idx.msk [tilespmem:v9+s21+$0x0], $0xffff;
	_ =	sdelay $0x2  }
0xe5: {  	v45 =	vbroadcast v7, $0xA;
	_ =	sdelay $0x1  }
0xe6: {  	v10 =	vmax.f32 v10, v45  }
0xe7: {  	[tilespmem:v9+s21+$0x0] =	vst.idx.msk $0xffff, v10  }
0xe8: {  	v10 =	vld.idx.msk [tilespmem:v9+s22+$0x0], $0xffff;
	_ =	sdelay $0x2  }
0xe9: {  	v46 =	vbroadcast v6, $0xA;
	_ =	sdelay $0x1  }
0xea: {  	v10 =	vmax.f32 v10, v46  }
0xeb: {  	[tilespmem:v9+s22+$0x0] =	vst.idx.msk $0xffff, v10  }
0xec: {  	v10 =	vld.idx.msk [tilespmem:v9+s23+$0x0], $0xffff;
	_ =	sdelay $0x2  }
0xed: {  	v47 =	vbroadcast v5, $0xA;
	_ =	sdelay $0x1  }
0xee: {  	v10 =	vmax.f32 v10, v47  }
0xef: {  	[tilespmem:v9+s23+$0x0] =	vst.idx.msk $0xffff, v10  }
0xf0: {  	v9 =	vld [tilespmem:s31+$0x30];
	_ =	sdelay $0x7  }
0xf1: {  	v10 =	vld.idx.msk [tilespmem:v9+s20+$0x0], $0xffff;
	_ =	sdelay $0x2  }
0xf2: {  	v48 =	vbroadcast v8, $0xB;
	_ =	sdelay $0x1  }
0xf3: {  	v10 =	vmax.f32 v10, v48  }
0xf4: {  	[tilespmem:v9+s20+$0x0] =	vst.idx.msk $0xffff, v10  }
0xf5: {  	v10 =	vld.idx.msk [tilespmem:v9+s21+$0x0], $0xffff;
	_ =	sdelay $0x2  }
0xf6: {  	v49 =	vbroadcast v7, $0xB;
	_ =	sdelay $0x1  }
0xf7: {  	v10 =	vmax.f32 v10, v49  }
0xf8: {  	[tilespmem:v9+s21+$0x0] =	vst.idx.msk $0xffff, v10  }
0xf9: {  	v10 =	vld.idx.msk [tilespmem:v9+s22+$0x0], $0xffff;
	_ =	sdelay $0x2  }
0xfa: {  	v50 =	vbroadcast v6, $0xB;
	_ =	sdelay $0x1  }
0xfb: {  	v10 =	vmax.f32 v10, v50  }
0xfc: {  	[tilespmem:v9+s22+$0x0] =	vst.idx.msk $0xffff, v10  }
0xfd: {  	v10 =	vld.idx.msk [tilespmem:v9+s23+$0x0], $0xffff;
	_ =	sdelay $0x2  }
0xfe: {  	v51 =	vbroadcast v5, $0xB;
	_ =	sdelay $0x1  }
0xff: {  	v10 =	vmax.f32 v10, v51  }
0x100: {  	[tilespmem:v9+s23+$0x0] =	vst.idx.msk $0xffff, v10  }
0x101: {  	v9 =	vld [tilespmem:s31+$0x40];
	_ =	sdelay $0x7  }
0x102: {  	v10 =	vld.idx.msk [tilespmem:v9+s20+$0x0], $0xffff;
	_ =	sdelay $0x2  }
0x103: {  	v52 =	vbroadcast v8, $0xC;
	_ =	sdelay $0x1  }
0x104: {  	v10 =	vmax.f32 v10, v52  }
0x105: {  	[tilespmem:v9+s20+$0x0] =	vst.idx.msk $0xffff, v10  }
0x106: {  	v10 =	vld.idx.msk [tilespmem:v9+s21+$0x0], $0xffff;
	_ =	sdelay $0x2  }
0x107: {  	v53 =	vbroadcast v7, $0xC;
	_ =	sdelay $0x1  }
0x108: {  	v10 =	vmax.f32 v10, v53  }
0x109: {  	[tilespmem:v9+s21+$0x0] =	vst.idx.msk $0xffff, v10  }
0x10a: {  	v10 =	vld.idx.msk [tilespmem:v9+s22+$0x0], $0xffff;
	_ =	sdelay $0x2  }
0x10b: {  	v54 =	vbroadcast v6, $0xC;
	_ =	sdelay $0x1  }
0x10c: {  	v10 =	vmax.f32 v10, v54  }
0x10d: {  	[tilespmem:v9+s22+$0x0] =	vst.idx.msk $0xffff, v10  }
0x10e: {  	v10 =	vld.idx.msk [tilespmem:v9+s23+$0x0], $0xffff;
	_ =	sdelay $0x2  }
0x10f: {  	v55 =	vbroadcast v5, $0xC;
	_ =	sdelay $0x1  }
0x110: {  	v10 =	vmax.f32 v10, v55  }
0x111: {  	[tilespmem:v9+s23+$0x0] =	vst.idx.msk $0xffff, v10  }
0x112: {  	v9 =	vld [tilespmem:s31+$0x50];
	_ =	sdelay $0x7  }
0x113: {  	v10 =	vld.idx.msk [tilespmem:v9+s20+$0x0], $0xffff;
	_ =	sdelay $0x2  }
0x114: {  	v56 =	vbroadcast v8, $0xD;
	_ =	sdelay $0x1  }
0x115: {  	v10 =	vmax.f32 v10, v56  }
0x116: {  	[tilespmem:v9+s20+$0x0] =	vst.idx.msk $0xffff, v10  }
0x117: {  	v10 =	vld.idx.msk [tilespmem:v9+s21+$0x0], $0xffff;
	_ =	sdelay $0x2  }
0x118: {  	v57 =	vbroadcast v7, $0xD;
	_ =	sdelay $0x1  }
0x119: {  	v10 =	vmax.f32 v10, v57  }
0x11a: {  	[tilespmem:v9+s21+$0x0] =	vst.idx.msk $0xffff, v10  }
0x11b: {  	v10 =	vld.idx.msk [tilespmem:v9+s22+$0x0], $0xffff;
	_ =	sdelay $0x2  }
0x11c: {  	v58 =	vbroadcast v6, $0xD;
	_ =	sdelay $0x1  }
0x11d: {  	v10 =	vmax.f32 v10, v58  }
0x11e: {  	[tilespmem:v9+s22+$0x0] =	vst.idx.msk $0xffff, v10  }
0x11f: {  	v10 =	vld.idx.msk [tilespmem:v9+s23+$0x0], $0xffff;
	_ =	sdelay $0x2  }
0x120: {  	v59 =	vbroadcast v5, $0xD;
	_ =	sdelay $0x1  }
0x121: {  	v10 =	vmax.f32 v10, v59  }
0x122: {  	[tilespmem:v9+s23+$0x0] =	vst.idx.msk $0xffff, v10  }
0x123: {  	v9 =	vld [tilespmem:s31+$0x60];
	_ =	sdelay $0x7  }
0x124: {  	v10 =	vld.idx.msk [tilespmem:v9+s20+$0x0], $0xffff;
	_ =	sdelay $0x2  }
0x125: {  	v60 =	vbroadcast v8, $0xE;
	_ =	sdelay $0x1  }
0x126: {  	v10 =	vmax.f32 v10, v60  }
0x127: {  	[tilespmem:v9+s20+$0x0] =	vst.idx.msk $0xffff, v10  }
0x128: {  	v10 =	vld.idx.msk [tilespmem:v9+s21+$0x0], $0xffff;
	_ =	sdelay $0x2  }
0x129: {  	v61 =	vbroadcast v7, $0xE;
	_ =	sdelay $0x1  }
0x12a: {  	v10 =	vmax.f32 v10, v61  }
0x12b: {  	[tilespmem:v9+s21+$0x0] =	vst.idx.msk $0xffff, v10  }
0x12c: {  	v10 =	vld.idx.msk [tilespmem:v9+s22+$0x0], $0xffff;
	_ =	sdelay $0x2  }
0x12d: {  	v62 =	vbroadcast v6, $0xE;
	_ =	sdelay $0x1  }
0x12e: {  	v10 =	vmax.f32 v10, v62  }
0x12f: {  	[tilespmem:v9+s22+$0x0] =	vst.idx.msk $0xffff, v10  }
0x130: {  	v10 =	vld.idx.msk [tilespmem:v9+s23+$0x0], $0xffff;
	_ =	sdelay $0x2  }
0x131: {  	v63 =	vbroadcast v5, $0xE;
	_ =	sdelay $0x1  }
0x132: {  	v10 =	vmax.f32 v10, v63  }
0x133: {  	[tilespmem:v9+s23+$0x0] =	vst.idx.msk $0xffff, v10  }
0x134: {  	v9 =	vld [tilespmem:s31+$0x70];
	_ =	sdelay $0x7  }
0x135: {  	v10 =	vld.idx.msk [tilespmem:v9+s20+$0x0], $0xffff;
	_ =	sdelay $0x2  }
0x136: {  	v8 =	vbroadcast v8, $0xF;
	_ =	sdelay $0x1  }
0x137: {  	v8 =	vmax.f32 v10, v8  }
0x138: {  	[tilespmem:v9+s20+$0x0] =	vst.idx.msk $0xffff, v8  }
0x139: {  	v8 =	vld.idx.msk [tilespmem:v9+s21+$0x0], $0xffff;
	_ =	sdelay $0x2  }
0x13a: {  	v7 =	vbroadcast v7, $0xF;
	_ =	sdelay $0x1  }
0x13b: {  	v7 =	vmax.f32 v8, v7  }
0x13c: {  	[tilespmem:v9+s21+$0x0] =	vst.idx.msk $0xffff, v7  }
0x13d: {  	v7 =	vld.idx.msk [tilespmem:v9+s22+$0x0], $0xffff;
	_ =	sdelay $0x2  }
0x13e: {  	v6 =	vbroadcast v6, $0xF;
	_ =	sdelay $0x1  }
0x13f: {  	v6 =	vmax.f32 v7, v6  }
0x140: {  	[tilespmem:v9+s22+$0x0] =	vst.idx.msk $0xffff, v6  }
0x141: {  	v6 =	vld.idx.msk [tilespmem:v9+s23+$0x0], $0xffff  }
0x142: {  	p0 =	sne.s32 s0, $0x1F00  }
.Ltmp1:
0x143: {  	_ = 	snop;
	(pc) =	sbr.rel @p0 .LBB2_5-.Ltmp1, $3  }
0x144: {  	v5 =	vbroadcast v5, $0xF;
	_ =	sdelay $0x1  }
0x145: {  	v5 =	vmax.f32 v6, v5  }
0x146: {  	s0 =	sadd.s32 $0x40, s0;
	s31 =	sadd.s32 $0x100, s31;
	[tilespmem:v9+s23+$0x0] =	vst.idx.msk $0xffff, v5  }
0x147: {  	s30 =	sadd.s32 $0x1, s30  }
0x148: {  	p0 =	sne.s32 s30, $0x5  }
.Ltmp2:
0x149: {  	_ = 	snop;
	(pc) =	sbr.rel @p0 .LBB2_4-.Ltmp2, $3  }
0x14a: {  	_ =	sdelay $0x1  }
0x14b: {  	s25 =	sadd.s32 $0x7D0, s25  }
0x14c: {  	s26 =	sadd.s32 $0x7D0, s26;
	s28 =	sadd.s32 $0x7D0, s28;
	s29 =	sadd.s32 $0x7D0, s29  }
0x14d: {  	[hbm4b:s8+s13] =	stream.strided.scatter [tilespmem:s20], [sflag:$0x1], $0x2800, s14, s13, $0x38;
	[tilespmem:$0x1BB00] =	vst v63  }
0x14e: {  	_ =	swait.ge [sflag:s16], $0x2800  }
0x14f: {  	[sflag:s16] =	ssyncset.done $0x0  }
0x150: {  	[sflag:s16] =	ssyncadd.s32 $0xFFFFD800  }
0x151: {  	[hbm4b:s9+s13] =	stream.strided.scatter [tilespmem:s21], [sflag:$0x1], $0x2800, s14, s13, $0x38;
	[tilespmem:$0x1BB00] =	vst v63  }
0x152: {  	_ =	swait.ge [sflag:s16], $0x2800  }
0x153: {  	[sflag:s16] =	ssyncset.done $0x0  }
0x154: {  	[sflag:s16] =	ssyncadd.s32 $0xFFFFD800  }
0x155: {  	[hbm4b:s10+s13] =	stream.strided.scatter [tilespmem:s22], [sflag:$0x1], $0x2800, s14, s13, $0x38;
	[tilespmem:$0x1BB00] =	vst v63  }
0x156: {  	s3 =	sadd.s32 $0x1, s3;
	_ =	swait.ge [sflag:s16], $0x2800  }
0x157: {  	p0 =	sne.s32 s3, s12;
	[sflag:s16] =	ssyncset.done $0x0  }
.Ltmp3:
0x158: {  	[sflag:s16] =	ssyncadd.s32 $0xFFFFD800;
	(pc) =	sbr.rel @p0 .LBB2_1-.Ltmp3, $4  }
0x159: {  	[hbm4b:s11+s13] =	stream.strided.scatter [tilespmem:s23], [sflag:$0x1], $0x2800, s14, s13, $0x38;
	[tilespmem:$0x1BB00] =	vst v63  }
0x15a: {  	_ =	swait.ge [sflag:s16], $0x2800  }
0x15b: {  	[sflag:s16] =	ssyncset.done $0x0  }
0x15c: {  	[sflag:s16] =	ssyncadd.s32 $0xFFFFD800  }
0x15d: {  	_ =	sfence.sel $0x180000  }
0x15e: {  	[bflag:$0x0] =	sbarrier.arrive $0xFFFF  }
0x15f: {  	_ =	strace $0x90000047  }
0x160: {  	s0 =	stileid.u32;
	[bflag:$0x2] =	sbarrier.arrive $0xFFFF  }
0x161: {  	p0 =	sne.s32 s0, $0x0;
	s0 =	rddreg [dreg:$0x2]  }
0x162: {  	s0 =	sadd.s32 @!p0 $0x100000, s0  }
0x163: {  	[sflag:s0] =	ssyncadd.tile.s32 @!p0 $0x1;
	_ =	shalt  }
.Lfunc_end2:
_tile_overlayer_lowered:
.L_overlay_start_2:
0x164: {  	(tag) =	ssettag $0x2  }
0x165: {  	s0 =	rddreg [dreg:$0x0];
	s2 =	stileid.u32  }
0x166: {  	s1 =	rddreg [dreg:$0x1];
	p0 =	sne.s32 s2, $0x0  }
0x167: {  	s3 =	rddreg [dreg:$0x2];
	[bflag:$0x3] =	sbarrier.arrive $0xFFFF;
	s2 =	simm.s32 @!p0 $0x1C01  }
0x168: {  	[timem:s3], [sflag:s2] =	dma.local @!p0 [hbm:s0], s1  }
0x169: {  	s0 =	simm.s32 @!p0 $0x1  }
0x16a: {  	_ =	swait.ge @!p0 [sflag:s0], s1  }
0x16b: {  	s1 =	ssub.s32 @!p0 $0x0, s1;
	[sflag:s0] =	ssyncset.done @!p0 $0x0  }
0x16c: {  	[sflag:s0] =	ssyncadd.s32 @!p0 s1  }
0x16d: {  	[bflag:$0x3] =	sbarrier.arrive $0xFFFF  }
0x16e: {  	_ =	shalt  }

</sc_bundles>
